<compile_context>
chip_gen: v7x
topology: tpu7x:2x2x1
jax: 0.10.2.dev20260603
libtpu: 0.0.44.dev20260713+nightly
codegen_flags: <defaults>
</compile_context>

<pallas_src>
import functools

import jax
import jax.numpy as jnp
from jax import lax
from jax.experimental import pallas as pl
from jax.experimental.pallas import tpu as pltpu
from jax.experimental.pallas import tpu_sc as plsc

N = 10000
NPAD = 10240
DIN = 128
DH = 128
DOUT = 64
E = 320000
NCORES = 2
NSUB = 16
NW = NCORES * NSUB
LANES = 128
CHUNK = 128
NCHUNK = 80
NSEG = 2
SEG = NCHUNK // NSEG
EPT = NCHUNK * CHUNK
EPAD = NW * EPT
RPT = NPAD // NSUB

_sc_mesh = plsc.VectorSubcoreMesh(core_axis_name="c", subcore_axis_name="s")



@functools.partial(
    pl.kernel,
    mesh=_sc_mesh,
    out_type=jax.ShapeDtypeStruct((NCORES, NPAD, LANES), jnp.float32),
    scratch_types=[
        pltpu.VMEM((NCHUNK, CHUNK), jnp.int32),
        pltpu.VMEM((CHUNK, LANES), jnp.float32),
        pltpu.VMEM_SHARED((NPAD, LANES), jnp.float32),
    ],
)
def _sc_count(dst_hbm, out_hbm, dst_v, ones_v, cnt_sh):
    c = lax.axis_index("c")
    s = lax.axis_index("s")
    wid = s * NCORES + c

    z16 = jnp.zeros((16,), jnp.float32)

    def _zero(r, _):
        for j in range(LANES // 16):
            ones_v[r, pl.ds(j * 16, 16)] = z16
        return 0

    lax.fori_loop(0, CHUNK, _zero, 0)
    for k in range(RPT // CHUNK):
        pltpu.sync_copy(ones_v, cnt_sh.at[pl.ds(s * RPT + k * CHUNK, CHUNK)])

    o16 = jnp.ones((16,), jnp.float32)

    def _fill(r, _):
        for j in range(LANES // 16):
            ones_v[r, pl.ds(j * 16, 16)] = o16
        return 0

    lax.fori_loop(0, CHUNK, _fill, 0)
    pltpu.sync_copy(dst_hbm.at[wid], dst_v)
    plsc.subcore_barrier()

    def _body(i, _):
        pltpu.sync_copy(ones_v, cnt_sh.at[dst_v.at[i]], add=True)
        return 0

    lax.fori_loop(0, NCHUNK, _body, 0)
    plsc.subcore_barrier()
    pltpu.sync_copy(cnt_sh.at[pl.ds(s * RPT, RPT)],
                    out_hbm.at[c, pl.ds(s * RPT, RPT)])


def _make_agg(D):
    @functools.partial(
        pl.kernel,
        mesh=_sc_mesh,
        out_type=jax.ShapeDtypeStruct((NCORES, NPAD, D), jnp.float32),
        scratch_types=[
            pltpu.VMEM((SEG, CHUNK), jnp.int32),
            pltpu.VMEM((SEG, CHUNK), jnp.int32),
            pltpu.VMEM((CHUNK, D), jnp.float32),
            pltpu.VMEM((CHUNK, D), jnp.float32),
            pltpu.VMEM_SHARED((NPAD, D), jnp.float32),
            pltpu.SemaphoreType.DMA,
            pltpu.SemaphoreType.DMA,
        ],
    )
    def _agg(g_hbm, src_hbm, dst_hbm, out_hbm, src_v, dst_v, rows0_v, rows1_v,
             acc_sh, sem0, sem1):
        c = lax.axis_index("c")
        s = lax.axis_index("s")
        wid = s * NCORES + c

        z16 = jnp.zeros((16,), jnp.float32)

        def _zero(r, _):
            for j in range(D // 16):
                rows0_v[r, pl.ds(j * 16, 16)] = z16
            return 0

        lax.fori_loop(0, CHUNK, _zero, 0)
        for k in range(RPT // CHUNK):
            pltpu.sync_copy(rows0_v, acc_sh.at[pl.ds(s * RPT + k * CHUNK, CHUNK)])
        plsc.subcore_barrier()

        for seg in range(NSEG):
            pltpu.sync_copy(src_hbm.at[wid, pl.ds(seg * SEG, SEG)], src_v)
            pltpu.sync_copy(dst_hbm.at[wid, pl.ds(seg * SEG, SEG)], dst_v)
            pltpu.async_copy(g_hbm.at[src_v.at[0]], rows0_v, sem0)
            pltpu.async_copy(g_hbm.at[src_v.at[1]], rows1_v, sem1)

            def _body(k, _):
                i0 = 2 * k
                pltpu.make_async_copy(g_hbm.at[src_v.at[i0]], rows0_v,
                                      sem0).wait()
                pltpu.sync_copy(rows0_v, acc_sh.at[dst_v.at[i0]], add=True)

                @pl.when(k < SEG // 2 - 1)
                def _():
                    pltpu.async_copy(g_hbm.at[src_v.at[i0 + 2]], rows0_v, sem0)

                pltpu.make_async_copy(g_hbm.at[src_v.at[i0 + 1]], rows1_v,
                                      sem1).wait()
                pltpu.sync_copy(rows1_v, acc_sh.at[dst_v.at[i0 + 1]], add=True)

                @pl.when(k < SEG // 2 - 1)
                def _():
                    pltpu.async_copy(g_hbm.at[src_v.at[i0 + 3]], rows1_v, sem1)

                return 0

            lax.fori_loop(0, SEG // 2, _body, 0)
        plsc.subcore_barrier()
        pltpu.sync_copy(acc_sh.at[pl.ds(s * RPT, RPT)],
                        out_hbm.at[c, pl.ds(s * RPT, RPT)])

    return _agg


_agg_h = _make_agg(DH)



BLK = 1024
GRID = NPAD // BLK


def _tc_mm_body(x_ref, w1_ref, h_ref):
    h_ref[...] = jnp.dot(x_ref[...], w1_ref[...],
                         preferred_element_type=jnp.float32)


_tc_mm = pl.pallas_call(
    _tc_mm_body,
    grid=(GRID,),
    in_specs=[
        pl.BlockSpec((BLK, DIN), lambda i: (i, 0)),
        pl.BlockSpec((DIN, DH), lambda i: (0, 0)),
    ],
    out_specs=pl.BlockSpec((BLK, DH), lambda i: (i, 0)),
    out_shape=jax.ShapeDtypeStruct((NPAD, DH), jnp.float32),
)


def _tc_a_body(h_ref, c0_ref, c1_ref, g_ref, dinv_ref):
    deg = 1.0 + c0_ref[:, 0:1] + c1_ref[:, 0:1]
    dinv = lax.rsqrt(deg)
    g_ref[...] = h_ref[...] * dinv
    dinv_ref[...] = dinv


_tc_a = pl.pallas_call(
    _tc_a_body,
    grid=(GRID,),
    in_specs=[
        pl.BlockSpec((BLK, DH), lambda i: (i, 0)),
        pl.BlockSpec((BLK, LANES), lambda i: (i, 0)),
        pl.BlockSpec((BLK, LANES), lambda i: (i, 0)),
    ],
    out_specs=[
        pl.BlockSpec((BLK, DH), lambda i: (i, 0)),
        pl.BlockSpec((BLK, 1), lambda i: (i, 0)),
    ],
    out_shape=[
        jax.ShapeDtypeStruct((NPAD, DH), jnp.float32),
        jax.ShapeDtypeStruct((NPAD, 1), jnp.float32),
    ],
)


def _tc_b_body(p0_ref, p1_ref, g1_ref, dinv_ref, b1_ref, w2_ref, g2_ref):
    z = (p0_ref[...] + p1_ref[...] + g1_ref[...]) * dinv_ref[...] + b1_ref[...]
    z = jnp.maximum(z, 0.0)
    h2 = jnp.dot(z, w2_ref[...], preferred_element_type=jnp.float32)
    g2_ref[...] = h2 * dinv_ref[...]


_tc_b = pl.pallas_call(
    _tc_b_body,
    grid=(GRID,),
    in_specs=[
        pl.BlockSpec((BLK, DH), lambda i: (i, 0)),
        pl.BlockSpec((BLK, DH), lambda i: (i, 0)),
        pl.BlockSpec((BLK, DH), lambda i: (i, 0)),
        pl.BlockSpec((BLK, 1), lambda i: (i, 0)),
        pl.BlockSpec((1, DH), lambda i: (0, 0)),
        pl.BlockSpec((DH, DH), lambda i: (0, 0)),
    ],
    out_specs=pl.BlockSpec((BLK, DH), lambda i: (i, 0)),
    out_shape=jax.ShapeDtypeStruct((NPAD, DH), jnp.float32),
)


def _tc_c_body(q0_ref, q1_ref, g2_ref, dinv_ref, b2_ref, out_ref):
    zf = q0_ref[...] + q1_ref[...] + g2_ref[...]
    z = zf[:, :DOUT] * dinv_ref[...] + b2_ref[...]
    m = jnp.max(z, axis=1, keepdims=True)
    zs = z - m
    lse = jnp.log(jnp.sum(jnp.exp(zs), axis=1, keepdims=True))
    out_ref[...] = zs - lse


_tc_c = pl.pallas_call(
    _tc_c_body,
    grid=(GRID,),
    in_specs=[
        pl.BlockSpec((BLK, DH), lambda i: (i, 0)),
        pl.BlockSpec((BLK, DH), lambda i: (i, 0)),
        pl.BlockSpec((BLK, DH), lambda i: (i, 0)),
        pl.BlockSpec((BLK, 1), lambda i: (i, 0)),
        pl.BlockSpec((1, DOUT), lambda i: (0, 0)),
    ],
    out_specs=pl.BlockSpec((BLK, DOUT), lambda i: (i, 0)),
    out_shape=jax.ShapeDtypeStruct((NPAD, DOUT), jnp.float32),
)



def kernel(x, edge_index, W1, b1, W2, b2):
    xp = jnp.zeros((NPAD, DIN), jnp.float32).at[:N].set(x)
    src = edge_index[0].astype(jnp.int32)
    dst = edge_index[1].astype(jnp.int32)
    pad = N + jnp.arange(EPAD - E, dtype=jnp.int32) % (NPAD - N)
    src3 = jnp.concatenate([src, pad]).reshape(NW, NCHUNK, CHUNK)
    dst3 = jnp.concatenate([dst, pad]).reshape(NW, NCHUNK, CHUNK)

    W2p = jnp.zeros((DH, DH), jnp.float32).at[:, :DOUT].set(W2)

    cnt = _sc_count(dst3)
    h1 = _tc_mm(xp, W1)
    g1, dinv = _tc_a(h1, cnt[0], cnt[1])
    p = _agg_h(g1, src3, dst3)
    g2 = _tc_b(p[0], p[1], g1, dinv, b1.reshape(1, DH), W2p)
    q = _agg_h(g2, src3, dst3)
    out = _tc_c(q[0], q[1], g2, dinv, b2.reshape(1, DOUT))
    return out[:N]

# --- scband reference (transcript-rebuilt; emitter-appended) ---
"""Pipeline reference for scband-gcn-30863634989386 (READ-ONLY COPY).

The authoritative reference and input builder live on the scoring server;
editing this copy changes nothing except your own understanding.
"""

import jax, jax.numpy as jnp
import numpy as np

N_NODES = 10000
DIM_IN = 128
DIM_H = 128
DIM_OUT = 64


def gcn_conv(x, edge_index, W, b):
    # GCNConv with self-loops and symmetric normalization (PyG semantics)
    n = x.shape[0]
    loop = jnp.arange(n, dtype=edge_index.dtype)
    src = jnp.concatenate([edge_index[0], loop])
    dst = jnp.concatenate([edge_index[1], loop])
    deg = jnp.zeros((n,), dtype=x.dtype).at[dst].add(1.0)
    dinv = jnp.where(deg > 0, deg ** -0.5, 0.0)
    norm = dinv[src] * dinv[dst]
    h = x @ W  # linear transform
    msg = h[src] * norm[:, None]  # gather + scale
    out = jnp.zeros((n, W.shape[1]), dtype=x.dtype).at[dst].add(msg)  # scatter-add
    return out + b


def setup_inputs(seed: int = 0) -> dict:
    key = jax.random.key(seed)
    k1, k2, k3, k4, k5 = jax.random.split(key, 5)
    x = jax.random.normal(k1, (N_NODES, DIM_IN), dtype=jnp.float32)
    edge_index = jax.random.randint(k2, (2, 320000), 0, N_NODES, dtype=jnp.int64)
    # Glorot-style init for the two GCNConv layers
    W1 = jax.random.normal(k3, (DIM_IN, DIM_H), dtype=jnp.float32) * (1.0 / np.sqrt(DIM_IN))
    b1 = jnp.zeros((DIM_H,), dtype=jnp.float32)
    W2 = jax.random.normal(k4, (DIM_H, DIM_OUT), dtype=jnp.float32) * (1.0 / np.sqrt(DIM_H))
    b2 = jnp.zeros((DIM_OUT,), dtype=jnp.float32)
    return {"x": x, "edge_index": edge_index, "W1": W1, "b1": b1, "W2": W2, "b2": b2}


def reference(x, edge_index, W1, b1, W2, b2):
    # Dropout (p=0.5) is identity in eval mode
    h = gcn_conv(x, edge_index, W1, b1)
    h = jax.nn.relu(h)
    h = gcn_conv(h, edge_index, W2, b2)
    return jax.nn.log_softmax(h, axis=1)

if __name__ == "__main__":
    import jax
    _d = setup_inputs()
    print(jax.jit(kernel)(*tuple(_d.values())))

</pallas_src>

<mosaic_0001>
#map = affine_map<(d0, d1) -> (0, 0)>
#map1 = affine_map<(d0, d1) -> (0, 0, 0)>
module attributes {stable_mosaic.version = 14 : i64} {
  func.func @_agg(%arg0: i32, %arg1: i32, %arg2: memref<10240x128xf32, #tpu.memory_space<hbm>>, %arg3: memref<32x80x128xi32, #tpu.memory_space<hbm>>, %arg4: memref<32x80x128xi32, #tpu.memory_space<hbm>>, %arg5: memref<2x10240x128xf32, #tpu.memory_space<hbm>>, %arg6: memref<40x128xi32, #tpu.memory_space<vmem>>, %arg7: memref<40x128xi32, #tpu.memory_space<vmem>>, %arg8: memref<128x128xf32, #tpu.memory_space<vmem>>, %arg9: memref<128x128xf32, #tpu.memory_space<vmem>>, %arg10: memref<10240x128xf32, #tpu.memory_space<vmem_shared>>, %arg11: memref<!tpu.dma_semaphore, #tpu.memory_space<semaphore_mem>>, %arg12: memref<!tpu.dma_semaphore, #tpu.memory_space<semaphore_mem>>) attributes {dimension_semantics = [#tpu.dimension_semantics<core_parallel>, #tpu.dimension_semantics<subcore_parallel>], iteration_bounds = array<i64: 2, 16>, scalar_prefetch = 0 : i64, scratch_operands = 7 : i64, tpu.core_type = #tpu.core_type<sc_vector_subcore>, window_params = [{transform_indices = #map}, {transform_indices = #map1}, {transform_indices = #map1}, {transform_indices = #map1}]} {
    %mul3A = arith.constant 2 : i32
    %mul3A_0 = arith.muli %arg1, %mul3A : i32
    %add3A = arith.addi %mul3A_0, %arg0 : i32
    %broadcast_in_dim3A = arith.constant 0.000000e+00 : f32
    %broadcast_in_dim3A_1 = vector.broadcast %broadcast_in_dim3A : f32 to vector<16xf32>
    %scan3A = arith.constant 0 : i32
    %scan3A_2 = arith.constant 0 : i32
    %scan3A_3 = arith.constant 128 : i32
    %scan3A_4 = arith.addi %scan3A_2, %scan3A_3 : i32
    %scan3A_5 = arith.constant 1 : i32
    %scan3A_6 = scf.for %scan3A_74 = %scan3A_2 to %scan3A_4 step %scan3A_5 iter_args(%scan3A_75 = %scan3A) -> (i32)  : i32 {
      %swap3A = arith.index_cast %scan3A_74 : i32 to index
      %swap3A_76 = arith.constant 0 : index
      %swap3A_77 = tpu.vector_load %arg8[%swap3A, %swap3A_76] {strides = array<i32>} : memref<128x128xf32, #tpu.memory_space<vmem>>, vector<1x16xf32>,
      %swap3A_78 = vector.shape_cast %swap3A_77 : vector<1x16xf32> to vector<16xf32>
      %swap3A_79 = vector.shape_cast %broadcast_in_dim3A_1 : vector<16xf32> to vector<1x16xf32>
      tpu.vector_store %arg8[%swap3A, %swap3A_76], %swap3A_79 {strides = array<i32>} : memref<128x128xf32, #tpu.memory_space<vmem>>, vector<1x16xf32>,
      %swap3A_80 = arith.index_cast %scan3A_74 : i32 to index
      %swap3A_81 = arith.constant 16 : index
      %swap3A_82 = tpu.vector_load %arg8[%swap3A_80, %swap3A_81] {strides = array<i32>} : memref<128x128xf32, #tpu.memory_space<vmem>>, vector<1x16xf32>,
      %swap3A_83 = vector.shape_cast %swap3A_82 : vector<1x16xf32> to vector<16xf32>
      %swap3A_84 = vector.shape_cast %broadcast_in_dim3A_1 : vector<16xf32> to vector<1x16xf32>
      tpu.vector_store %arg8[%swap3A_80, %swap3A_81], %swap3A_84 {strides = array<i32>} : memref<128x128xf32, #tpu.memory_space<vmem>>, vector<1x16xf32>,
      %swap3A_85 = arith.index_cast %scan3A_74 : i32 to index
      %swap3A_86 = arith.constant 32 : index
      %swap3A_87 = tpu.vector_load %arg8[%swap3A_85, %swap3A_86] {strides = array<i32>} : memref<128x128xf32, #tpu.memory_space<vmem>>, vector<1x16xf32>,
      %swap3A_88 = vector.shape_cast %swap3A_87 : vector<1x16xf32> to vector<16xf32>
      %swap3A_89 = vector.shape_cast %broadcast_in_dim3A_1 : vector<16xf32> to vector<1x16xf32>
      tpu.vector_store %arg8[%swap3A_85, %swap3A_86], %swap3A_89 {strides = array<i32>} : memref<128x128xf32, #tpu.memory_space<vmem>>, vector<1x16xf32>,
      %swap3A_90 = arith.index_cast %scan3A_74 : i32 to index
      %swap3A_91 = arith.constant 48 : index
      %swap3A_92 = tpu.vector_load %arg8[%swap3A_90, %swap3A_91] {strides = array<i32>} : memref<128x128xf32, #tpu.memory_space<vmem>>, vector<1x16xf32>,
      %swap3A_93 = vector.shape_cast %swap3A_92 : vector<1x16xf32> to vector<16xf32>
      %swap3A_94 = vector.shape_cast %broadcast_in_dim3A_1 : vector<16xf32> to vector<1x16xf32>
      tpu.vector_store %arg8[%swap3A_90, %swap3A_91], %swap3A_94 {strides = array<i32>} : memref<128x128xf32, #tpu.memory_space<vmem>>, vector<1x16xf32>,
      %swap3A_95 = arith.index_cast %scan3A_74 : i32 to index
      %swap3A_96 = arith.constant 64 : index
      %swap3A_97 = tpu.vector_load %arg8[%swap3A_95, %swap3A_96] {strides = array<i32>} : memref<128x128xf32, #tpu.memory_space<vmem>>, vector<1x16xf32>,
      %swap3A_98 = vector.shape_cast %swap3A_97 : vector<1x16xf32> to vector<16xf32>
      %swap3A_99 = vector.shape_cast %broadcast_in_dim3A_1 : vector<16xf32> to vector<1x16xf32>
      tpu.vector_store %arg8[%swap3A_95, %swap3A_96], %swap3A_99 {strides = array<i32>} : memref<128x128xf32, #tpu.memory_space<vmem>>, vector<1x16xf32>,
      %swap3A_100 = arith.index_cast %scan3A_74 : i32 to index
      %swap3A_101 = arith.constant 80 : index
      %swap3A_102 = tpu.vector_load %arg8[%swap3A_100, %swap3A_101] {strides = array<i32>} : memref<128x128xf32, #tpu.memory_space<vmem>>, vector<1x16xf32>,
      %swap3A_103 = vector.shape_cast %swap3A_102 : vector<1x16xf32> to vector<16xf32>
      %swap3A_104 = vector.shape_cast %broadcast_in_dim3A_1 : vector<16xf32> to vector<1x16xf32>
      tpu.vector_store %arg8[%swap3A_100, %swap3A_101], %swap3A_104 {strides = array<i32>} : memref<128x128xf32, #tpu.memory_space<vmem>>, vector<1x16xf32>,
      %swap3A_105 = arith.index_cast %scan3A_74 : i32 to index
      %swap3A_106 = arith.constant 96 : index
      %swap3A_107 = tpu.vector_load %arg8[%swap3A_105, %swap3A_106] {strides = array<i32>} : memref<128x128xf32, #tpu.memory_space<vmem>>, vector<1x16xf32>,
      %swap3A_108 = vector.shape_cast %swap3A_107 : vector<1x16xf32> to vector<16xf32>
      %swap3A_109 = vector.shape_cast %broadcast_in_dim3A_1 : vector<16xf32> to vector<1x16xf32>
      tpu.vector_store %arg8[%swap3A_105, %swap3A_106], %swap3A_109 {strides = array<i32>} : memref<128x128xf32, #tpu.memory_space<vmem>>, vector<1x16xf32>,
      %swap3A_110 = arith.index_cast %scan3A_74 : i32 to index
      %swap3A_111 = arith.constant 112 : index
      %swap3A_112 = tpu.vector_load %arg8[%swap3A_110, %swap3A_111] {strides = array<i32>} : memref<128x128xf32, #tpu.memory_space<vmem>>, vector<1x16xf32>,
      %swap3A_113 = vector.shape_cast %swap3A_112 : vector<1x16xf32> to vector<16xf32>
      %swap3A_114 = vector.shape_cast %broadcast_in_dim3A_1 : vector<16xf32> to vector<1x16xf32>
      tpu.vector_store %arg8[%swap3A_110, %swap3A_111], %swap3A_114 {strides = array<i32>} : memref<128x128xf32, #tpu.memory_space<vmem>>, vector<1x16xf32>,
      %scan3A_115 = arith.constant 0 : i32
      scf.yield %scan3A_115 : i32
    }
    %scan3A_7 = arith.constant 128 : i32
    %mul3A_8 = arith.constant 640 : i32
    %mul3A_9 = arith.muli %arg1, %mul3A_8 : i32
    %add3A_10 = arith.constant 0 : i32
    %add3A_11 = arith.addi %mul3A_9, %add3A_10 : i32
    "tpu.region"() ({
      %run_scoped3A = tpu.sem_alloc : memref<!tpu.dma_semaphore, #tpu.memory_space<semaphore_mem>>
      %dma_start3A_74 = arith.constant 0 : i32
      %dma_start3A_75 = tpu.memref_slice %arg10[%add3A_11, %dma_start3A_74] : memref<10240x128xf32, #tpu.memory_space<vmem_shared>> -> memref<128x128xf32, #tpu.memory_space<vmem_shared>>
      %dma_start3A_76 = arith.constant 0 : i32
      %dma_start3A_77 = tpu.memref_slice %arg10[%add3A_11, %dma_start3A_76] : memref<10240x128xf32, #tpu.memory_space<vmem_shared>> -> memref<128x128xf32, #tpu.memory_space<vmem_shared>>
      tpu.enqueue_dma source(%arg8 : memref<128x128xf32, #tpu.memory_space<vmem>>) target(%dma_start3A_77 : memref<128x128xf32, #tpu.memory_space<vmem_shared>>) target_semaphore(%run_scoped3A : memref<!tpu.dma_semaphore, #tpu.memory_space<semaphore_mem>>)
      %dma_wait3A = arith.constant 0 : i32
      %dma_wait3A_78 = tpu.memref_slice %arg10[%add3A_11, %dma_wait3A] : memref<10240x128xf32, #tpu.memory_space<vmem_shared>> -> memref<128x128xf32, #tpu.memory_space<vmem_shared>>
      %dma_wait3A_79 = arith.constant 0 : i32
      %dma_wait3A_80 = tpu.memref_slice %arg10[%add3A_11, %dma_wait3A_79] : memref<10240x128xf32, #tpu.memory_space<vmem_shared>> -> memref<128x128xf32, #tpu.memory_space<vmem_shared>>
      tpu.wait_dma2 semaphore(%run_scoped3A : memref<!tpu.dma_semaphore, #tpu.memory_space<semaphore_mem>>) src(%arg8 : memref<128x128xf32, #tpu.memory_space<vmem>>) dst(%dma_wait3A_80 : memref<128x128xf32, #tpu.memory_space<vmem_shared>>)
      tpu.yield
    }) : () -> ()
    %mul3A_12 = arith.constant 640 : i32
    %mul3A_13 = arith.muli %arg1, %mul3A_12 : i32
    %add3A_14 = arith.constant 128 : i32
    %add3A_15 = arith.addi %mul3A_13, %add3A_14 : i32
    "tpu.region"() ({
      %run_scoped3A = tpu.sem_alloc : memref<!tpu.dma_semaphore, #tpu.memory_space<semaphore_mem>>
      %dma_start3A_74 = arith.constant 0 : i32
      %dma_start3A_75 = tpu.memref_slice %arg10[%add3A_15, %dma_start3A_74] : memref<10240x128xf32, #tpu.memory_space<vmem_shared>> -> memref<128x128xf32, #tpu.memory_space<vmem_shared>>
      %dma_start3A_76 = arith.constant 0 : i32
      %dma_start3A_77 = tpu.memref_slice %arg10[%add3A_15, %dma_start3A_76] : memref<10240x128xf32, #tpu.memory_space<vmem_shared>> -> memref<128x128xf32, #tpu.memory_space<vmem_shared>>
      tpu.enqueue_dma source(%arg8 : memref<128x128xf32, #tpu.memory_space<vmem>>) target(%dma_start3A_77 : memref<128x128xf32, #tpu.memory_space<vmem_shared>>) target_semaphore(%run_scoped3A : memref<!tpu.dma_semaphore, #tpu.memory_space<semaphore_mem>>)
      %dma_wait3A = arith.constant 0 : i32
      %dma_wait3A_78 = tpu.memref_slice %arg10[%add3A_15, %dma_wait3A] : memref<10240x128xf32, #tpu.memory_space<vmem_shared>> -> memref<128x128xf32, #tpu.memory_space<vmem_shared>>
      %dma_wait3A_79 = arith.constant 0 : i32
      %dma_wait3A_80 = tpu.memref_slice %arg10[%add3A_15, %dma_wait3A_79] : memref<10240x128xf32, #tpu.memory_space<vmem_shared>> -> memref<128x128xf32, #tpu.memory_space<vmem_shared>>
      tpu.wait_dma2 semaphore(%run_scoped3A : memref<!tpu.dma_semaphore, #tpu.memory_space<semaphore_mem>>) src(%arg8 : memref<128x128xf32, #tpu.memory_space<vmem>>) dst(%dma_wait3A_80 : memref<128x128xf32, #tpu.memory_space<vmem_shared>>)
      tpu.yield
    }) : () -> ()
    %mul3A_16 = arith.constant 640 : i32
    %mul3A_17 = arith.muli %arg1, %mul3A_16 : i32
    %add3A_18 = arith.constant 256 : i32
    %add3A_19 = arith.addi %mul3A_17, %add3A_18 : i32
    "tpu.region"() ({
      %run_scoped3A = tpu.sem_alloc : memref<!tpu.dma_semaphore, #tpu.memory_space<semaphore_mem>>
      %dma_start3A_74 = arith.constant 0 : i32
      %dma_start3A_75 = tpu.memref_slice %arg10[%add3A_19, %dma_start3A_74] : memref<10240x128xf32, #tpu.memory_space<vmem_shared>> -> memref<128x128xf32, #tpu.memory_space<vmem_shared>>
      %dma_start3A_76 = arith.constant 0 : i32
      %dma_start3A_77 = tpu.memref_slice %arg10[%add3A_19, %dma_start3A_76] : memref<10240x128xf32, #tpu.memory_space<vmem_shared>> -> memref<128x128xf32, #tpu.memory_space<vmem_shared>>
      tpu.enqueue_dma source(%arg8 : memref<128x128xf32, #tpu.memory_space<vmem>>) target(%dma_start3A_77 : memref<128x128xf32, #tpu.memory_space<vmem_shared>>) target_semaphore(%run_scoped3A : memref<!tpu.dma_semaphore, #tpu.memory_space<semaphore_mem>>)
      %dma_wait3A = arith.constant 0 : i32
      %dma_wait3A_78 = tpu.memref_slice %arg10[%add3A_19, %dma_wait3A] : memref<10240x128xf32, #tpu.memory_space<vmem_shared>> -> memref<128x128xf32, #tpu.memory_space<vmem_shared>>
      %dma_wait3A_79 = arith.constant 0 : i32
      %dma_wait3A_80 = tpu.memref_slice %arg10[%add3A_19, %dma_wait3A_79] : memref<10240x128xf32, #tpu.memory_space<vmem_shared>> -> memref<128x128xf32, #tpu.memory_space<vmem_shared>>
      tpu.wait_dma2 semaphore(%run_scoped3A : memref<!tpu.dma_semaphore, #tpu.memory_space<semaphore_mem>>) src(%arg8 : memref<128x128xf32, #tpu.memory_space<vmem>>) dst(%dma_wait3A_80 : memref<128x128xf32, #tpu.memory_space<vmem_shared>>)
      tpu.yield
    }) : () -> ()
    %mul3A_20 = arith.constant 640 : i32
    %mul3A_21 = arith.muli %arg1, %mul3A_20 : i32
    %add3A_22 = arith.constant 384 : i32
    %add3A_23 = arith.addi %mul3A_21, %add3A_22 : i32
    "tpu.region"() ({
      %run_scoped3A = tpu.sem_alloc : memref<!tpu.dma_semaphore, #tpu.memory_space<semaphore_mem>>
      %dma_start3A_74 = arith.constant 0 : i32
      %dma_start3A_75 = tpu.memref_slice %arg10[%add3A_23, %dma_start3A_74] : memref<10240x128xf32, #tpu.memory_space<vmem_shared>> -> memref<128x128xf32, #tpu.memory_space<vmem_shared>>
      %dma_start3A_76 = arith.constant 0 : i32
      %dma_start3A_77 = tpu.memref_slice %arg10[%add3A_23, %dma_start3A_76] : memref<10240x128xf32, #tpu.memory_space<vmem_shared>> -> memref<128x128xf32, #tpu.memory_space<vmem_shared>>
      tpu.enqueue_dma source(%arg8 : memref<128x128xf32, #tpu.memory_space<vmem>>) target(%dma_start3A_77 : memref<128x128xf32, #tpu.memory_space<vmem_shared>>) target_semaphore(%run_scoped3A : memref<!tpu.dma_semaphore, #tpu.memory_space<semaphore_mem>>)
      %dma_wait3A = arith.constant 0 : i32
      %dma_wait3A_78 = tpu.memref_slice %arg10[%add3A_23, %dma_wait3A] : memref<10240x128xf32, #tpu.memory_space<vmem_shared>> -> memref<128x128xf32, #tpu.memory_space<vmem_shared>>
      %dma_wait3A_79 = arith.constant 0 : i32
      %dma_wait3A_80 = tpu.memref_slice %arg10[%add3A_23, %dma_wait3A_79] : memref<10240x128xf32, #tpu.memory_space<vmem_shared>> -> memref<128x128xf32, #tpu.memory_space<vmem_shared>>
      tpu.wait_dma2 semaphore(%run_scoped3A : memref<!tpu.dma_semaphore, #tpu.memory_space<semaphore_mem>>) src(%arg8 : memref<128x128xf32, #tpu.memory_space<vmem>>) dst(%dma_wait3A_80 : memref<128x128xf32, #tpu.memory_space<vmem_shared>>)
      tpu.yield
    }) : () -> ()
    %mul3A_24 = arith.constant 640 : i32
    %mul3A_25 = arith.muli %arg1, %mul3A_24 : i32
    %add3A_26 = arith.constant 512 : i32
    %add3A_27 = arith.addi %mul3A_25, %add3A_26 : i32
    "tpu.region"() ({
      %run_scoped3A = tpu.sem_alloc : memref<!tpu.dma_semaphore, #tpu.memory_space<semaphore_mem>>
      %dma_start3A_74 = arith.constant 0 : i32
      %dma_start3A_75 = tpu.memref_slice %arg10[%add3A_27, %dma_start3A_74] : memref<10240x128xf32, #tpu.memory_space<vmem_shared>> -> memref<128x128xf32, #tpu.memory_space<vmem_shared>>
      %dma_start3A_76 = arith.constant 0 : i32
      %dma_start3A_77 = tpu.memref_slice %arg10[%add3A_27, %dma_start3A_76] : memref<10240x128xf32, #tpu.memory_space<vmem_shared>> -> memref<128x128xf32, #tpu.memory_space<vmem_shared>>
      tpu.enqueue_dma source(%arg8 : memref<128x128xf32, #tpu.memory_space<vmem>>) target(%dma_start3A_77 : memref<128x128xf32, #tpu.memory_space<vmem_shared>>) target_semaphore(%run_scoped3A : memref<!tpu.dma_semaphore, #tpu.memory_space<semaphore_mem>>)
      %dma_wait3A = arith.constant 0 : i32
      %dma_wait3A_78 = tpu.memref_slice %arg10[%add3A_27, %dma_wait3A] : memref<10240x128xf32, #tpu.memory_space<vmem_shared>> -> memref<128x128xf32, #tpu.memory_space<vmem_shared>>
      %dma_wait3A_79 = arith.constant 0 : i32
      %dma_wait3A_80 = tpu.memref_slice %arg10[%add3A_27, %dma_wait3A_79] : memref<10240x128xf32, #tpu.memory_space<vmem_shared>> -> memref<128x128xf32, #tpu.memory_space<vmem_shared>>
      tpu.wait_dma2 semaphore(%run_scoped3A : memref<!tpu.dma_semaphore, #tpu.memory_space<semaphore_mem>>) src(%arg8 : memref<128x128xf32, #tpu.memory_space<vmem>>) dst(%dma_wait3A_80 : memref<128x128xf32, #tpu.memory_space<vmem_shared>>)
      tpu.yield
    }) : () -> ()
    %barrier3A = arith.constant 0 : index
    tpu.barrier barrier_id(%barrier3A)
    "tpu.region"() ({
      %run_scoped3A = tpu.sem_alloc : memref<!tpu.dma_semaphore, #tpu.memory_space<semaphore_mem>>
      %dma_start3A_74 = arith.constant 0 : i32
      %dma_start3A_75 = arith.constant 0 : i32
      %dma_start3A_76 = tpu.memref_slice %arg3[%add3A, %dma_start3A_74, %dma_start3A_75] : memref<32x80x128xi32, #tpu.memory_space<hbm>> -> memref<1x40x128xi32, #tpu.memory_space<hbm>>
      %dma_start3A_77 = tpu.memref_squeeze %dma_start3A_76 : memref<1x40x128xi32, #tpu.memory_space<hbm>> -> memref<40x128xi32, #tpu.memory_space<hbm>>
      %dma_start3A_78 = arith.constant 0 : i32
      %dma_start3A_79 = arith.constant 0 : i32
      %dma_start3A_80 = tpu.memref_slice %arg3[%add3A, %dma_start3A_78, %dma_start3A_79] : memref<32x80x128xi32, #tpu.memory_space<hbm>> -> memref<1x40x128xi32, #tpu.memory_space<hbm>>
      %dma_start3A_81 = tpu.memref_squeeze %dma_start3A_80 : memref<1x40x128xi32, #tpu.memory_space<hbm>> -> memref<40x128xi32, #tpu.memory_space<hbm>>
      tpu.enqueue_dma source(%dma_start3A_81 : memref<40x128xi32, #tpu.memory_space<hbm>>) target(%arg6 : memref<40x128xi32, #tpu.memory_space<vmem>>) target_semaphore(%run_scoped3A : memref<!tpu.dma_semaphore, #tpu.memory_space<semaphore_mem>>)
      %dma_wait3A = arith.constant 0 : i32
      %dma_wait3A_82 = arith.constant 0 : i32
      %dma_wait3A_83 = tpu.memref_slice %arg3[%add3A, %dma_wait3A, %dma_wait3A_82] : memref<32x80x128xi32, #tpu.memory_space<hbm>> -> memref<1x40x128xi32, #tpu.memory_space<hbm>>
      %dma_wait3A_84 = tpu.memref_squeeze %dma_wait3A_83 : memref<1x40x128xi32, #tpu.memory_space<hbm>> -> memref<40x128xi32, #tpu.memory_space<hbm>>
      %dma_wait3A_85 = arith.constant 0 : i32
      %dma_wait3A_86 = arith.constant 0 : i32
      %dma_wait3A_87 = tpu.memref_slice %arg3[%add3A, %dma_wait3A_85, %dma_wait3A_86] : memref<32x80x128xi32, #tpu.memory_space<hbm>> -> memref<1x40x128xi32, #tpu.memory_space<hbm>>
      %dma_wait3A_88 = tpu.memref_squeeze %dma_wait3A_87 : memref<1x40x128xi32, #tpu.memory_space<hbm>> -> memref<40x128xi32, #tpu.memory_space<hbm>>
      tpu.wait_dma2 semaphore(%run_scoped3A : memref<!tpu.dma_semaphore, #tpu.memory_space<semaphore_mem>>) src(%dma_wait3A_88 : memref<40x128xi32, #tpu.memory_space<hbm>>) dst(%arg6 : memref<40x128xi32, #tpu.memory_space<vmem>>)
      tpu.yield
    }) : () -> ()
    "tpu.region"() ({
      %run_scoped3A = tpu.sem_alloc : memref<!tpu.dma_semaphore, #tpu.memory_space<semaphore_mem>>
      %dma_start3A_74 = arith.constant 0 : i32
      %dma_start3A_75 = arith.constant 0 : i32
      %dma_start3A_76 = tpu.memref_slice %arg4[%add3A, %dma_start3A_74, %dma_start3A_75] : memref<32x80x128xi32, #tpu.memory_space<hbm>> -> memref<1x40x128xi32, #tpu.memory_space<hbm>>
      %dma_start3A_77 = tpu.memref_squeeze %dma_start3A_76 : memref<1x40x128xi32, #tpu.memory_space<hbm>> -> memref<40x128xi32, #tpu.memory_space<hbm>>
      %dma_start3A_78 = arith.constant 0 : i32
      %dma_start3A_79 = arith.constant 0 : i32
      %dma_start3A_80 = tpu.memref_slice %arg4[%add3A, %dma_start3A_78, %dma_start3A_79] : memref<32x80x128xi32, #tpu.memory_space<hbm>> -> memref<1x40x128xi32, #tpu.memory_space<hbm>>
      %dma_start3A_81 = tpu.memref_squeeze %dma_start3A_80 : memref<1x40x128xi32, #tpu.memory_space<hbm>> -> memref<40x128xi32, #tpu.memory_space<hbm>>
      tpu.enqueue_dma source(%dma_start3A_81 : memref<40x128xi32, #tpu.memory_space<hbm>>) target(%arg7 : memref<40x128xi32, #tpu.memory_space<vmem>>) target_semaphore(%run_scoped3A : memref<!tpu.dma_semaphore, #tpu.memory_space<semaphore_mem>>)
      %dma_wait3A = arith.constant 0 : i32
      %dma_wait3A_82 = arith.constant 0 : i32
      %dma_wait3A_83 = tpu.memref_slice %arg4[%add3A, %dma_wait3A, %dma_wait3A_82] : memref<32x80x128xi32, #tpu.memory_space<hbm>> -> memref<1x40x128xi32, #tpu.memory_space<hbm>>
      %dma_wait3A_84 = tpu.memref_squeeze %dma_wait3A_83 : memref<1x40x128xi32, #tpu.memory_space<hbm>> -> memref<40x128xi32, #tpu.memory_space<hbm>>
      %dma_wait3A_85 = arith.constant 0 : i32
      %dma_wait3A_86 = arith.constant 0 : i32
      %dma_wait3A_87 = tpu.memref_slice %arg4[%add3A, %dma_wait3A_85, %dma_wait3A_86] : memref<32x80x128xi32, #tpu.memory_space<hbm>> -> memref<1x40x128xi32, #tpu.memory_space<hbm>>
      %dma_wait3A_88 = tpu.memref_squeeze %dma_wait3A_87 : memref<1x40x128xi32, #tpu.memory_space<hbm>> -> memref<40x128xi32, #tpu.memory_space<hbm>>
      tpu.wait_dma2 semaphore(%run_scoped3A : memref<!tpu.dma_semaphore, #tpu.memory_space<semaphore_mem>>) src(%dma_wait3A_88 : memref<40x128xi32, #tpu.memory_space<hbm>>) dst(%arg7 : memref<40x128xi32, #tpu.memory_space<vmem>>)
      tpu.yield
    }) : () -> ()
    %dma_start3A = arith.constant 0 : i32
    %dma_start3A_28 = arith.constant 0 : i32
    %dma_start3A_29 = tpu.memref_slice %arg6[%dma_start3A, %dma_start3A_28] : memref<40x128xi32, #tpu.memory_space<vmem>> -> memref<1x128xi32, #tpu.memory_space<vmem>>
    %dma_start3A_30 = tpu.memref_squeeze %dma_start3A_29 : memref<1x128xi32, #tpu.memory_space<vmem>> -> memref<128xi32, #tpu.memory_space<vmem>>
    %dma_start3A_31 = arith.constant 0 : i32
    %dma_start3A_32 = arith.constant 0 : i32
    %dma_start3A_33 = tpu.memref_slice %arg2[%dma_start3A_31, %dma_start3A_32] : memref<10240x128xf32, #tpu.memory_space<hbm>> -> memref<10240x128xf32, #tpu.memory_space<hbm>>
    tpu.enqueue_indirect_dma source(%dma_start3A_33 : memref<10240x128xf32, #tpu.memory_space<hbm>>) target(%arg8 : memref<128x128xf32, #tpu.memory_space<vmem>>) offsets(%dma_start3A_30 : memref<128xi32, #tpu.memory_space<vmem>>) semaphore(%arg11 : memref<!tpu.dma_semaphore, #tpu.memory_space<semaphore_mem>>)
    %dma_start3A_34 = arith.constant 1 : i32
    %dma_start3A_35 = arith.constant 0 : i32
    %dma_start3A_36 = tpu.memref_slice %arg6[%dma_start3A_34, %dma_start3A_35] : memref<40x128xi32, #tpu.memory_space<vmem>> -> memref<1x128xi32, #tpu.memory_space<vmem>>
    %dma_start3A_37 = tpu.memref_squeeze %dma_start3A_36 : memref<1x128xi32, #tpu.memory_space<vmem>> -> memref<128xi32, #tpu.memory_space<vmem>>
    %dma_start3A_38 = arith.constant 0 : i32
    %dma_start3A_39 = arith.constant 0 : i32
    %dma_start3A_40 = tpu.memref_slice %arg2[%dma_start3A_38, %dma_start3A_39] : memref<10240x128xf32, #tpu.memory_space<hbm>> -> memref<10240x128xf32, #tpu.memory_space<hbm>>
    tpu.enqueue_indirect_dma source(%dma_start3A_40 : memref<10240x128xf32, #tpu.memory_space<hbm>>) target(%arg9 : memref<128x128xf32, #tpu.memory_space<vmem>>) offsets(%dma_start3A_37 : memref<128xi32, #tpu.memory_space<vmem>>) semaphore(%arg12 : memref<!tpu.dma_semaphore, #tpu.memory_space<semaphore_mem>>)
    %scan3A_41 = arith.constant 0 : i32
    %scan3A_42 = arith.constant 0 : i32
    %scan3A_43 = arith.constant 20 : i32
    %scan3A_44 = arith.addi %scan3A_42, %scan3A_43 : i32
    %scan3A_45 = arith.constant 1 : i32
    %scan3A_46 = scf.for %scan3A_74 = %scan3A_42 to %scan3A_44 step %scan3A_45 iter_args(%scan3A_75 = %scan3A_41) -> (i32)  : i32 {
      %mul3A_76 = arith.constant 2 : i32
      %mul3A_77 = arith.muli %mul3A_76, %scan3A_74 : i32
      %dma_wait3A = arith.constant 0 : i32
      %dma_wait3A_78 = tpu.memref_slice %arg6[%mul3A_77, %dma_wait3A] : memref<40x128xi32, #tpu.memory_space<vmem>> -> memref<1x128xi32, #tpu.memory_space<vmem>>
      %dma_wait3A_79 = tpu.memref_squeeze %dma_wait3A_78 : memref<1x128xi32, #tpu.memory_space<vmem>> -> memref<128xi32, #tpu.memory_space<vmem>>
      %dma_wait3A_80 = arith.constant 0 : i32
      %dma_wait3A_81 = arith.constant 0 : i32
      %dma_wait3A_82 = tpu.memref_slice %arg2[%dma_wait3A_80, %dma_wait3A_81] : memref<10240x128xf32, #tpu.memory_space<hbm>> -> memref<10240x128xf32, #tpu.memory_space<hbm>>
      tpu.wait_indirect_dma semaphore(%arg11 : memref<!tpu.dma_semaphore, #tpu.memory_space<semaphore_mem>>) src(%dma_wait3A_82 : memref<10240x128xf32, #tpu.memory_space<hbm>>) dst(%arg8 : memref<128x128xf32, #tpu.memory_space<vmem>>)
      "tpu.region"() ({
        %run_scoped3A = tpu.sem_alloc : memref<!tpu.dma_semaphore, #tpu.memory_space<semaphore_mem>>
        %dma_start3A_101 = arith.constant 0 : i32
        %dma_start3A_102 = tpu.memref_slice %arg7[%mul3A_77, %dma_start3A_101] : memref<40x128xi32, #tpu.memory_space<vmem>> -> memref<1x128xi32, #tpu.memory_space<vmem>>
        %dma_start3A_103 = tpu.memref_squeeze %dma_start3A_102 : memref<1x128xi32, #tpu.memory_space<vmem>> -> memref<128xi32, #tpu.memory_space<vmem>>
        %dma_start3A_104 = arith.constant 0 : i32
        %dma_start3A_105 = arith.constant 0 : i32
        %dma_start3A_106 = tpu.memref_slice %arg10[%dma_start3A_104, %dma_start3A_105] : memref<10240x128xf32, #tpu.memory_space<vmem_shared>> -> memref<10240x128xf32, #tpu.memory_space<vmem_shared>>
        tpu.enqueue_indirect_dma source(%arg8 : memref<128x128xf32, #tpu.memory_space<vmem>>) target(%dma_start3A_106 : memref<10240x128xf32, #tpu.memory_space<vmem_shared>>) offsets(%dma_start3A_103 : memref<128xi32, #tpu.memory_space<vmem>>) semaphore(%run_scoped3A : memref<!tpu.dma_semaphore, #tpu.memory_space<semaphore_mem>>) {add = true}
        %dma_wait3A_107 = arith.constant 0 : i32
        %dma_wait3A_108 = tpu.memref_slice %arg7[%mul3A_77, %dma_wait3A_107] : memref<40x128xi32, #tpu.memory_space<vmem>> -> memref<1x128xi32, #tpu.memory_space<vmem>>
        %dma_wait3A_109 = tpu.memref_squeeze %dma_wait3A_108 : memref<1x128xi32, #tpu.memory_space<vmem>> -> memref<128xi32, #tpu.memory_space<vmem>>
        %dma_wait3A_110 = arith.constant 0 : i32
        %dma_wait3A_111 = arith.constant 0 : i32
        %dma_wait3A_112 = tpu.memref_slice %arg10[%dma_wait3A_110, %dma_wait3A_111] : memref<10240x128xf32, #tpu.memory_space<vmem_shared>> -> memref<10240x128xf32, #tpu.memory_space<vmem_shared>>
        tpu.wait_indirect_dma semaphore(%run_scoped3A : memref<!tpu.dma_semaphore, #tpu.memory_space<semaphore_mem>>) src(%arg8 : memref<128x128xf32, #tpu.memory_space<vmem>>) dst(%dma_wait3A_112 : memref<10240x128xf32, #tpu.memory_space<vmem_shared>>)
        tpu.yield
      }) : () -> ()
      %lt3A = arith.constant 19 : i32
      %lt3A_83 = arith.cmpi slt, %scan3A_74, %lt3A : i32
      %convert_element_type3A = arith.extui %lt3A_83 : i1 to i32
      %cond3A = arith.constant 0 : i32
      %cond3A_84 = arith.cmpi ne, %convert_element_type3A, %cond3A : i32
      scf.if %cond3A_84 {
        %add3A_101 = arith.constant 2 : i32
        %add3A_102 = arith.addi %mul3A_77, %add3A_101 : i32
        %dma_start3A_103 = arith.constant 0 : i32
        %dma_start3A_104 = tpu.memref_slice %arg6[%add3A_102, %dma_start3A_103] : memref<40x128xi32, #tpu.memory_space<vmem>> -> memref<1x128xi32, #tpu.memory_space<vmem>>
        %dma_start3A_105 = tpu.memref_squeeze %dma_start3A_104 : memref<1x128xi32, #tpu.memory_space<vmem>> -> memref<128xi32, #tpu.memory_space<vmem>>
        %dma_start3A_106 = arith.constant 0 : i32
        %dma_start3A_107 = arith.constant 0 : i32
        %dma_start3A_108 = tpu.memref_slice %arg2[%dma_start3A_106, %dma_start3A_107] : memref<10240x128xf32, #tpu.memory_space<hbm>> -> memref<10240x128xf32, #tpu.memory_space<hbm>>
        tpu.enqueue_indirect_dma source(%dma_start3A_108 : memref<10240x128xf32, #tpu.memory_space<hbm>>) target(%arg8 : memref<128x128xf32, #tpu.memory_space<vmem>>) offsets(%dma_start3A_105 : memref<128xi32, #tpu.memory_space<vmem>>) semaphore(%arg11 : memref<!tpu.dma_semaphore, #tpu.memory_space<semaphore_mem>>)
      } else {
      }
      %add3A_85 = arith.constant 1 : i32
      %add3A_86 = arith.addi %mul3A_77, %add3A_85 : i32
      %dma_wait3A_87 = arith.constant 0 : i32
      %dma_wait3A_88 = tpu.memref_slice %arg6[%add3A_86, %dma_wait3A_87] : memref<40x128xi32, #tpu.memory_space<vmem>> -> memref<1x128xi32, #tpu.memory_space<vmem>>
      %dma_wait3A_89 = tpu.memref_squeeze %dma_wait3A_88 : memref<1x128xi32, #tpu.memory_space<vmem>> -> memref<128xi32, #tpu.memory_space<vmem>>
      %dma_wait3A_90 = arith.constant 0 : i32
      %dma_wait3A_91 = arith.constant 0 : i32
      %dma_wait3A_92 = tpu.memref_slice %arg2[%dma_wait3A_90, %dma_wait3A_91] : memref<10240x128xf32, #tpu.memory_space<hbm>> -> memref<10240x128xf32, #tpu.memory_space<hbm>>
      tpu.wait_indirect_dma semaphore(%arg12 : memref<!tpu.dma_semaphore, #tpu.memory_space<semaphore_mem>>) src(%dma_wait3A_92 : memref<10240x128xf32, #tpu.memory_space<hbm>>) dst(%arg9 : memref<128x128xf32, #tpu.memory_space<vmem>>)
      %add3A_93 = arith.constant 1 : i32
      %add3A_94 = arith.addi %mul3A_77, %add3A_93 : i32
      "tpu.region"() ({
        %run_scoped3A = tpu.sem_alloc : memref<!tpu.dma_semaphore, #tpu.memory_space<semaphore_mem>>
        %dma_start3A_101 = arith.constant 0 : i32
        %dma_start3A_102 = tpu.memref_slice %arg7[%add3A_94, %dma_start3A_101] : memref<40x128xi32, #tpu.memory_space<vmem>> -> memref<1x128xi32, #tpu.memory_space<vmem>>
        %dma_start3A_103 = tpu.memref_squeeze %dma_start3A_102 : memref<1x128xi32, #tpu.memory_space<vmem>> -> memref<128xi32, #tpu.memory_space<vmem>>
        %dma_start3A_104 = arith.constant 0 : i32
        %dma_start3A_105 = arith.constant 0 : i32
        %dma_start3A_106 = tpu.memref_slice %arg10[%dma_start3A_104, %dma_start3A_105] : memref<10240x128xf32, #tpu.memory_space<vmem_shared>> -> memref<10240x128xf32, #tpu.memory_space<vmem_shared>>
        tpu.enqueue_indirect_dma source(%arg9 : memref<128x128xf32, #tpu.memory_space<vmem>>) target(%dma_start3A_106 : memref<10240x128xf32, #tpu.memory_space<vmem_shared>>) offsets(%dma_start3A_103 : memref<128xi32, #tpu.memory_space<vmem>>) semaphore(%run_scoped3A : memref<!tpu.dma_semaphore, #tpu.memory_space<semaphore_mem>>) {add = true}
        %dma_wait3A_107 = arith.constant 0 : i32
        %dma_wait3A_108 = tpu.memref_slice %arg7[%add3A_94, %dma_wait3A_107] : memref<40x128xi32, #tpu.memory_space<vmem>> -> memref<1x128xi32, #tpu.memory_space<vmem>>
        %dma_wait3A_109 = tpu.memref_squeeze %dma_wait3A_108 : memref<1x128xi32, #tpu.memory_space<vmem>> -> memref<128xi32, #tpu.memory_space<vmem>>
        %dma_wait3A_110 = arith.constant 0 : i32
        %dma_wait3A_111 = arith.constant 0 : i32
        %dma_wait3A_112 = tpu.memref_slice %arg10[%dma_wait3A_110, %dma_wait3A_111] : memref<10240x128xf32, #tpu.memory_space<vmem_shared>> -> memref<10240x128xf32, #tpu.memory_space<vmem_shared>>
        tpu.wait_indirect_dma semaphore(%run_scoped3A : memref<!tpu.dma_semaphore, #tpu.memory_space<semaphore_mem>>) src(%arg9 : memref<128x128xf32, #tpu.memory_space<vmem>>) dst(%dma_wait3A_112 : memref<10240x128xf32, #tpu.memory_space<vmem_shared>>)
        tpu.yield
      }) : () -> ()
      %lt3A_95 = arith.constant 19 : i32
      %lt3A_96 = arith.cmpi slt, %scan3A_74, %lt3A_95 : i32
      %convert_element_type3A_97 = arith.extui %lt3A_96 : i1 to i32
      %cond3A_98 = arith.constant 0 : i32
      %cond3A_99 = arith.cmpi ne, %convert_element_type3A_97, %cond3A_98 : i32
      scf.if %cond3A_99 {
        %add3A_101 = arith.constant 3 : i32
        %add3A_102 = arith.addi %mul3A_77, %add3A_101 : i32
        %dma_start3A_103 = arith.constant 0 : i32
        %dma_start3A_104 = tpu.memref_slice %arg6[%add3A_102, %dma_start3A_103] : memref<40x128xi32, #tpu.memory_space<vmem>> -> memref<1x128xi32, #tpu.memory_space<vmem>>
        %dma_start3A_105 = tpu.memref_squeeze %dma_start3A_104 : memref<1x128xi32, #tpu.memory_space<vmem>> -> memref<128xi32, #tpu.memory_space<vmem>>
        %dma_start3A_106 = arith.constant 0 : i32
        %dma_start3A_107 = arith.constant 0 : i32
        %dma_start3A_108 = tpu.memref_slice %arg2[%dma_start3A_106, %dma_start3A_107] : memref<10240x128xf32, #tpu.memory_space<hbm>> -> memref<10240x128xf32, #tpu.memory_space<hbm>>
        tpu.enqueue_indirect_dma source(%dma_start3A_108 : memref<10240x128xf32, #tpu.memory_space<hbm>>) target(%arg9 : memref<128x128xf32, #tpu.memory_space<vmem>>) offsets(%dma_start3A_105 : memref<128xi32, #tpu.memory_space<vmem>>) semaphore(%arg12 : memref<!tpu.dma_semaphore, #tpu.memory_space<semaphore_mem>>)
      } else {
      }
      %scan3A_100 = arith.constant 0 : i32
      scf.yield %scan3A_100 : i32
    }
    %scan3A_47 = arith.constant 20 : i32
    "tpu.region"() ({
      %run_scoped3A = tpu.sem_alloc : memref<!tpu.dma_semaphore, #tpu.memory_space<semaphore_mem>>
      %dma_start3A_74 = arith.constant 40 : i32
      %dma_start3A_75 = arith.constant 0 : i32
      %dma_start3A_76 = tpu.memref_slice %arg3[%add3A, %dma_start3A_74, %dma_start3A_75] : memref<32x80x128xi32, #tpu.memory_space<hbm>> -> memref<1x40x128xi32, #tpu.memory_space<hbm>>
      %dma_start3A_77 = tpu.memref_squeeze %dma_start3A_76 : memref<1x40x128xi32, #tpu.memory_space<hbm>> -> memref<40x128xi32, #tpu.memory_space<hbm>>
      %dma_start3A_78 = arith.constant 40 : i32
      %dma_start3A_79 = arith.constant 0 : i32
      %dma_start3A_80 = tpu.memref_slice %arg3[%add3A, %dma_start3A_78, %dma_start3A_79] : memref<32x80x128xi32, #tpu.memory_space<hbm>> -> memref<1x40x128xi32, #tpu.memory_space<hbm>>
      %dma_start3A_81 = tpu.memref_squeeze %dma_start3A_80 : memref<1x40x128xi32, #tpu.memory_space<hbm>> -> memref<40x128xi32, #tpu.memory_space<hbm>>
      tpu.enqueue_dma source(%dma_start3A_81 : memref<40x128xi32, #tpu.memory_space<hbm>>) target(%arg6 : memref<40x128xi32, #tpu.memory_space<vmem>>) target_semaphore(%run_scoped3A : memref<!tpu.dma_semaphore, #tpu.memory_space<semaphore_mem>>)
      %dma_wait3A = arith.constant 40 : i32
      %dma_wait3A_82 = arith.constant 0 : i32
      %dma_wait3A_83 = tpu.memref_slice %arg3[%add3A, %dma_wait3A, %dma_wait3A_82] : memref<32x80x128xi32, #tpu.memory_space<hbm>> -> memref<1x40x128xi32, #tpu.memory_space<hbm>>
      %dma_wait3A_84 = tpu.memref_squeeze %dma_wait3A_83 : memref<1x40x128xi32, #tpu.memory_space<hbm>> -> memref<40x128xi32, #tpu.memory_space<hbm>>
      %dma_wait3A_85 = arith.constant 40 : i32
      %dma_wait3A_86 = arith.constant 0 : i32
      %dma_wait3A_87 = tpu.memref_slice %arg3[%add3A, %dma_wait3A_85, %dma_wait3A_86] : memref<32x80x128xi32, #tpu.memory_space<hbm>> -> memref<1x40x128xi32, #tpu.memory_space<hbm>>
      %dma_wait3A_88 = tpu.memref_squeeze %dma_wait3A_87 : memref<1x40x128xi32, #tpu.memory_space<hbm>> -> memref<40x128xi32, #tpu.memory_space<hbm>>
      tpu.wait_dma2 semaphore(%run_scoped3A : memref<!tpu.dma_semaphore, #tpu.memory_space<semaphore_mem>>) src(%dma_wait3A_88 : memref<40x128xi32, #tpu.memory_space<hbm>>) dst(%arg6 : memref<40x128xi32, #tpu.memory_space<vmem>>)
      tpu.yield
    }) : () -> ()
    "tpu.region"() ({
      %run_scoped3A = tpu.sem_alloc : memref<!tpu.dma_semaphore, #tpu.memory_space<semaphore_mem>>
      %dma_start3A_74 = arith.constant 40 : i32
      %dma_start3A_75 = arith.constant 0 : i32
      %dma_start3A_76 = tpu.memref_slice %arg4[%add3A, %dma_start3A_74, %dma_start3A_75] : memref<32x80x128xi32, #tpu.memory_space<hbm>> -> memref<1x40x128xi32, #tpu.memory_space<hbm>>
      %dma_start3A_77 = tpu.memref_squeeze %dma_start3A_76 : memref<1x40x128xi32, #tpu.memory_space<hbm>> -> memref<40x128xi32, #tpu.memory_space<hbm>>
      %dma_start3A_78 = arith.constant 40 : i32
      %dma_start3A_79 = arith.constant 0 : i32
      %dma_start3A_80 = tpu.memref_slice %arg4[%add3A, %dma_start3A_78, %dma_start3A_79] : memref<32x80x128xi32, #tpu.memory_space<hbm>> -> memref<1x40x128xi32, #tpu.memory_space<hbm>>
      %dma_start3A_81 = tpu.memref_squeeze %dma_start3A_80 : memref<1x40x128xi32, #tpu.memory_space<hbm>> -> memref<40x128xi32, #tpu.memory_space<hbm>>
      tpu.enqueue_dma source(%dma_start3A_81 : memref<40x128xi32, #tpu.memory_space<hbm>>) target(%arg7 : memref<40x128xi32, #tpu.memory_space<vmem>>) target_semaphore(%run_scoped3A : memref<!tpu.dma_semaphore, #tpu.memory_space<semaphore_mem>>)
      %dma_wait3A = arith.constant 40 : i32
      %dma_wait3A_82 = arith.constant 0 : i32
      %dma_wait3A_83 = tpu.memref_slice %arg4[%add3A, %dma_wait3A, %dma_wait3A_82] : memref<32x80x128xi32, #tpu.memory_space<hbm>> -> memref<1x40x128xi32, #tpu.memory_space<hbm>>
      %dma_wait3A_84 = tpu.memref_squeeze %dma_wait3A_83 : memref<1x40x128xi32, #tpu.memory_space<hbm>> -> memref<40x128xi32, #tpu.memory_space<hbm>>
      %dma_wait3A_85 = arith.constant 40 : i32
      %dma_wait3A_86 = arith.constant 0 : i32
      %dma_wait3A_87 = tpu.memref_slice %arg4[%add3A, %dma_wait3A_85, %dma_wait3A_86] : memref<32x80x128xi32, #tpu.memory_space<hbm>> -> memref<1x40x128xi32, #tpu.memory_space<hbm>>
      %dma_wait3A_88 = tpu.memref_squeeze %dma_wait3A_87 : memref<1x40x128xi32, #tpu.memory_space<hbm>> -> memref<40x128xi32, #tpu.memory_space<hbm>>
      tpu.wait_dma2 semaphore(%run_scoped3A : memref<!tpu.dma_semaphore, #tpu.memory_space<semaphore_mem>>) src(%dma_wait3A_88 : memref<40x128xi32, #tpu.memory_space<hbm>>) dst(%arg7 : memref<40x128xi32, #tpu.memory_space<vmem>>)
      tpu.yield
    }) : () -> ()
    %dma_start3A_48 = arith.constant 0 : i32
    %dma_start3A_49 = arith.constant 0 : i32
    %dma_start3A_50 = tpu.memref_slice %arg6[%dma_start3A_48, %dma_start3A_49] : memref<40x128xi32, #tpu.memory_space<vmem>> -> memref<1x128xi32, #tpu.memory_space<vmem>>
    %dma_start3A_51 = tpu.memref_squeeze %dma_start3A_50 : memref<1x128xi32, #tpu.memory_space<vmem>> -> memref<128xi32, #tpu.memory_space<vmem>>
    %dma_start3A_52 = arith.constant 0 : i32
    %dma_start3A_53 = arith.constant 0 : i32
    %dma_start3A_54 = tpu.memref_slice %arg2[%dma_start3A_52, %dma_start3A_53] : memref<10240x128xf32, #tpu.memory_space<hbm>> -> memref<10240x128xf32, #tpu.memory_space<hbm>>
    tpu.enqueue_indirect_dma source(%dma_start3A_54 : memref<10240x128xf32, #tpu.memory_space<hbm>>) target(%arg8 : memref<128x128xf32, #tpu.memory_space<vmem>>) offsets(%dma_start3A_51 : memref<128xi32, #tpu.memory_space<vmem>>) semaphore(%arg11 : memref<!tpu.dma_semaphore, #tpu.memory_space<semaphore_mem>>)
    %dma_start3A_55 = arith.constant 1 : i32
    %dma_start3A_56 = arith.constant 0 : i32
    %dma_start3A_57 = tpu.memref_slice %arg6[%dma_start3A_55, %dma_start3A_56] : memref<40x128xi32, #tpu.memory_space<vmem>> -> memref<1x128xi32, #tpu.memory_space<vmem>>
    %dma_start3A_58 = tpu.memref_squeeze %dma_start3A_57 : memref<1x128xi32, #tpu.memory_space<vmem>> -> memref<128xi32, #tpu.memory_space<vmem>>
    %dma_start3A_59 = arith.constant 0 : i32
    %dma_start3A_60 = arith.constant 0 : i32
    %dma_start3A_61 = tpu.memref_slice %arg2[%dma_start3A_59, %dma_start3A_60] : memref<10240x128xf32, #tpu.memory_space<hbm>> -> memref<10240x128xf32, #tpu.memory_space<hbm>>
    tpu.enqueue_indirect_dma source(%dma_start3A_61 : memref<10240x128xf32, #tpu.memory_space<hbm>>) target(%arg9 : memref<128x128xf32, #tpu.memory_space<vmem>>) offsets(%dma_start3A_58 : memref<128xi32, #tpu.memory_space<vmem>>) semaphore(%arg12 : memref<!tpu.dma_semaphore, #tpu.memory_space<semaphore_mem>>)
    %scan3A_62 = arith.constant 0 : i32
    %scan3A_63 = arith.constant 0 : i32
    %scan3A_64 = arith.constant 20 : i32
    %scan3A_65 = arith.addi %scan3A_63, %scan3A_64 : i32
    %scan3A_66 = arith.constant 1 : i32
    %scan3A_67 = scf.for %scan3A_74 = %scan3A_63 to %scan3A_65 step %scan3A_66 iter_args(%scan3A_75 = %scan3A_62) -> (i32)  : i32 {
      %mul3A_76 = arith.constant 2 : i32
      %mul3A_77 = arith.muli %mul3A_76, %scan3A_74 : i32
      %dma_wait3A = arith.constant 0 : i32
      %dma_wait3A_78 = tpu.memref_slice %arg6[%mul3A_77, %dma_wait3A] : memref<40x128xi32, #tpu.memory_space<vmem>> -> memref<1x128xi32, #tpu.memory_space<vmem>>
      %dma_wait3A_79 = tpu.memref_squeeze %dma_wait3A_78 : memref<1x128xi32, #tpu.memory_space<vmem>> -> memref<128xi32, #tpu.memory_space<vmem>>
      %dma_wait3A_80 = arith.constant 0 : i32
      %dma_wait3A_81 = arith.constant 0 : i32
      %dma_wait3A_82 = tpu.memref_slice %arg2[%dma_wait3A_80, %dma_wait3A_81] : memref<10240x128xf32, #tpu.memory_space<hbm>> -> memref<10240x128xf32, #tpu.memory_space<hbm>>
      tpu.wait_indirect_dma semaphore(%arg11 : memref<!tpu.dma_semaphore, #tpu.memory_space<semaphore_mem>>) src(%dma_wait3A_82 : memref<10240x128xf32, #tpu.memory_space<hbm>>) dst(%arg8 : memref<128x128xf32, #tpu.memory_space<vmem>>)
      "tpu.region"() ({
        %run_scoped3A = tpu.sem_alloc : memref<!tpu.dma_semaphore, #tpu.memory_space<semaphore_mem>>
        %dma_start3A_101 = arith.constant 0 : i32
        %dma_start3A_102 = tpu.memref_slice %arg7[%mul3A_77, %dma_start3A_101] : memref<40x128xi32, #tpu.memory_space<vmem>> -> memref<1x128xi32, #tpu.memory_space<vmem>>
        %dma_start3A_103 = tpu.memref_squeeze %dma_start3A_102 : memref<1x128xi32, #tpu.memory_space<vmem>> -> memref<128xi32, #tpu.memory_space<vmem>>
        %dma_start3A_104 = arith.constant 0 : i32
        %dma_start3A_105 = arith.constant 0 : i32
        %dma_start3A_106 = tpu.memref_slice %arg10[%dma_start3A_104, %dma_start3A_105] : memref<10240x128xf32, #tpu.memory_space<vmem_shared>> -> memref<10240x128xf32, #tpu.memory_space<vmem_shared>>
        tpu.enqueue_indirect_dma source(%arg8 : memref<128x128xf32, #tpu.memory_space<vmem>>) target(%dma_start3A_106 : memref<10240x128xf32, #tpu.memory_space<vmem_shared>>) offsets(%dma_start3A_103 : memref<128xi32, #tpu.memory_space<vmem>>) semaphore(%run_scoped3A : memref<!tpu.dma_semaphore, #tpu.memory_space<semaphore_mem>>) {add = true}
        %dma_wait3A_107 = arith.constant 0 : i32
        %dma_wait3A_108 = tpu.memref_slice %arg7[%mul3A_77, %dma_wait3A_107] : memref<40x128xi32, #tpu.memory_space<vmem>> -> memref<1x128xi32, #tpu.memory_space<vmem>>
        %dma_wait3A_109 = tpu.memref_squeeze %dma_wait3A_108 : memref<1x128xi32, #tpu.memory_space<vmem>> -> memref<128xi32, #tpu.memory_space<vmem>>
        %dma_wait3A_110 = arith.constant 0 : i32
        %dma_wait3A_111 = arith.constant 0 : i32
        %dma_wait3A_112 = tpu.memref_slice %arg10[%dma_wait3A_110, %dma_wait3A_111] : memref<10240x128xf32, #tpu.memory_space<vmem_shared>> -> memref<10240x128xf32, #tpu.memory_space<vmem_shared>>
        tpu.wait_indirect_dma semaphore(%run_scoped3A : memref<!tpu.dma_semaphore, #tpu.memory_space<semaphore_mem>>) src(%arg8 : memref<128x128xf32, #tpu.memory_space<vmem>>) dst(%dma_wait3A_112 : memref<10240x128xf32, #tpu.memory_space<vmem_shared>>)
        tpu.yield
      }) : () -> ()
      %lt3A = arith.constant 19 : i32
      %lt3A_83 = arith.cmpi slt, %scan3A_74, %lt3A : i32
      %convert_element_type3A = arith.extui %lt3A_83 : i1 to i32
      %cond3A = arith.constant 0 : i32
      %cond3A_84 = arith.cmpi ne, %convert_element_type3A, %cond3A : i32
      scf.if %cond3A_84 {
        %add3A_101 = arith.constant 2 : i32
        %add3A_102 = arith.addi %mul3A_77, %add3A_101 : i32
        %dma_start3A_103 = arith.constant 0 : i32
        %dma_start3A_104 = tpu.memref_slice %arg6[%add3A_102, %dma_start3A_103] : memref<40x128xi32, #tpu.memory_space<vmem>> -> memref<1x128xi32, #tpu.memory_space<vmem>>
        %dma_start3A_105 = tpu.memref_squeeze %dma_start3A_104 : memref<1x128xi32, #tpu.memory_space<vmem>> -> memref<128xi32, #tpu.memory_space<vmem>>
        %dma_start3A_106 = arith.constant 0 : i32
        %dma_start3A_107 = arith.constant 0 : i32
        %dma_start3A_108 = tpu.memref_slice %arg2[%dma_start3A_106, %dma_start3A_107] : memref<10240x128xf32, #tpu.memory_space<hbm>> -> memref<10240x128xf32, #tpu.memory_space<hbm>>
        tpu.enqueue_indirect_dma source(%dma_start3A_108 : memref<10240x128xf32, #tpu.memory_space<hbm>>) target(%arg8 : memref<128x128xf32, #tpu.memory_space<vmem>>) offsets(%dma_start3A_105 : memref<128xi32, #tpu.memory_space<vmem>>) semaphore(%arg11 : memref<!tpu.dma_semaphore, #tpu.memory_space<semaphore_mem>>)
      } else {
      }
      %add3A_85 = arith.constant 1 : i32
      %add3A_86 = arith.addi %mul3A_77, %add3A_85 : i32
      %dma_wait3A_87 = arith.constant 0 : i32
      %dma_wait3A_88 = tpu.memref_slice %arg6[%add3A_86, %dma_wait3A_87] : memref<40x128xi32, #tpu.memory_space<vmem>> -> memref<1x128xi32, #tpu.memory_space<vmem>>
      %dma_wait3A_89 = tpu.memref_squeeze %dma_wait3A_88 : memref<1x128xi32, #tpu.memory_space<vmem>> -> memref<128xi32, #tpu.memory_space<vmem>>
      %dma_wait3A_90 = arith.constant 0 : i32
      %dma_wait3A_91 = arith.constant 0 : i32
      %dma_wait3A_92 = tpu.memref_slice %arg2[%dma_wait3A_90, %dma_wait3A_91] : memref<10240x128xf32, #tpu.memory_space<hbm>> -> memref<10240x128xf32, #tpu.memory_space<hbm>>
      tpu.wait_indirect_dma semaphore(%arg12 : memref<!tpu.dma_semaphore, #tpu.memory_space<semaphore_mem>>) src(%dma_wait3A_92 : memref<10240x128xf32, #tpu.memory_space<hbm>>) dst(%arg9 : memref<128x128xf32, #tpu.memory_space<vmem>>)
      %add3A_93 = arith.constant 1 : i32
      %add3A_94 = arith.addi %mul3A_77, %add3A_93 : i32
      "tpu.region"() ({
        %run_scoped3A = tpu.sem_alloc : memref<!tpu.dma_semaphore, #tpu.memory_space<semaphore_mem>>
        %dma_start3A_101 = arith.constant 0 : i32
        %dma_start3A_102 = tpu.memref_slice %arg7[%add3A_94, %dma_start3A_101] : memref<40x128xi32, #tpu.memory_space<vmem>> -> memref<1x128xi32, #tpu.memory_space<vmem>>
        %dma_start3A_103 = tpu.memref_squeeze %dma_start3A_102 : memref<1x128xi32, #tpu.memory_space<vmem>> -> memref<128xi32, #tpu.memory_space<vmem>>
        %dma_start3A_104 = arith.constant 0 : i32
        %dma_start3A_105 = arith.constant 0 : i32
        %dma_start3A_106 = tpu.memref_slice %arg10[%dma_start3A_104, %dma_start3A_105] : memref<10240x128xf32, #tpu.memory_space<vmem_shared>> -> memref<10240x128xf32, #tpu.memory_space<vmem_shared>>
        tpu.enqueue_indirect_dma source(%arg9 : memref<128x128xf32, #tpu.memory_space<vmem>>) target(%dma_start3A_106 : memref<10240x128xf32, #tpu.memory_space<vmem_shared>>) offsets(%dma_start3A_103 : memref<128xi32, #tpu.memory_space<vmem>>) semaphore(%run_scoped3A : memref<!tpu.dma_semaphore, #tpu.memory_space<semaphore_mem>>) {add = true}
        %dma_wait3A_107 = arith.constant 0 : i32
        %dma_wait3A_108 = tpu.memref_slice %arg7[%add3A_94, %dma_wait3A_107] : memref<40x128xi32, #tpu.memory_space<vmem>> -> memref<1x128xi32, #tpu.memory_space<vmem>>
        %dma_wait3A_109 = tpu.memref_squeeze %dma_wait3A_108 : memref<1x128xi32, #tpu.memory_space<vmem>> -> memref<128xi32, #tpu.memory_space<vmem>>
        %dma_wait3A_110 = arith.constant 0 : i32
        %dma_wait3A_111 = arith.constant 0 : i32
        %dma_wait3A_112 = tpu.memref_slice %arg10[%dma_wait3A_110, %dma_wait3A_111] : memref<10240x128xf32, #tpu.memory_space<vmem_shared>> -> memref<10240x128xf32, #tpu.memory_space<vmem_shared>>
        tpu.wait_indirect_dma semaphore(%run_scoped3A : memref<!tpu.dma_semaphore, #tpu.memory_space<semaphore_mem>>) src(%arg9 : memref<128x128xf32, #tpu.memory_space<vmem>>) dst(%dma_wait3A_112 : memref<10240x128xf32, #tpu.memory_space<vmem_shared>>)
        tpu.yield
      }) : () -> ()
      %lt3A_95 = arith.constant 19 : i32
      %lt3A_96 = arith.cmpi slt, %scan3A_74, %lt3A_95 : i32
      %convert_element_type3A_97 = arith.extui %lt3A_96 : i1 to i32
      %cond3A_98 = arith.constant 0 : i32
      %cond3A_99 = arith.cmpi ne, %convert_element_type3A_97, %cond3A_98 : i32
      scf.if %cond3A_99 {
        %add3A_101 = arith.constant 3 : i32
        %add3A_102 = arith.addi %mul3A_77, %add3A_101 : i32
        %dma_start3A_103 = arith.constant 0 : i32
        %dma_start3A_104 = tpu.memref_slice %arg6[%add3A_102, %dma_start3A_103] : memref<40x128xi32, #tpu.memory_space<vmem>> -> memref<1x128xi32, #tpu.memory_space<vmem>>
        %dma_start3A_105 = tpu.memref_squeeze %dma_start3A_104 : memref<1x128xi32, #tpu.memory_space<vmem>> -> memref<128xi32, #tpu.memory_space<vmem>>
        %dma_start3A_106 = arith.constant 0 : i32
        %dma_start3A_107 = arith.constant 0 : i32
        %dma_start3A_108 = tpu.memref_slice %arg2[%dma_start3A_106, %dma_start3A_107] : memref<10240x128xf32, #tpu.memory_space<hbm>> -> memref<10240x128xf32, #tpu.memory_space<hbm>>
        tpu.enqueue_indirect_dma source(%dma_start3A_108 : memref<10240x128xf32, #tpu.memory_space<hbm>>) target(%arg9 : memref<128x128xf32, #tpu.memory_space<vmem>>) offsets(%dma_start3A_105 : memref<128xi32, #tpu.memory_space<vmem>>) semaphore(%arg12 : memref<!tpu.dma_semaphore, #tpu.memory_space<semaphore_mem>>)
      } else {
      }
      %scan3A_100 = arith.constant 0 : i32
      scf.yield %scan3A_100 : i32
    }
    %scan3A_68 = arith.constant 20 : i32
    %barrier3A_69 = arith.constant 0 : index
    tpu.barrier barrier_id(%barrier3A_69)
    %mul3A_70 = arith.constant 640 : i32
    %mul3A_71 = arith.muli %arg1, %mul3A_70 : i32
    %mul3A_72 = arith.constant 640 : i32
    %mul3A_73 = arith.muli %arg1, %mul3A_72 : i32
    "tpu.region"() ({
      %run_scoped3A = tpu.sem_alloc : memref<!tpu.dma_semaphore, #tpu.memory_space<semaphore_mem>>
      %dma_start3A_74 = arith.constant 0 : i32
      %dma_start3A_75 = tpu.memref_slice %arg5[%arg0, %mul3A_73, %dma_start3A_74] : memref<2x10240x128xf32, #tpu.memory_space<hbm>> -> memref<1x640x128xf32, #tpu.memory_space<hbm>>
      %dma_start3A_76 = tpu.memref_squeeze %dma_start3A_75 : memref<1x640x128xf32, #tpu.memory_space<hbm>> -> memref<640x128xf32, #tpu.memory_space<hbm>>
      %dma_start3A_77 = arith.constant 0 : i32
      %dma_start3A_78 = tpu.memref_slice %arg10[%mul3A_71, %dma_start3A_77] : memref<10240x128xf32, #tpu.memory_space<vmem_shared>> -> memref<640x128xf32, #tpu.memory_space<vmem_shared>>
      tpu.enqueue_dma source(%dma_start3A_78 : memref<640x128xf32, #tpu.memory_space<vmem_shared>>) target(%dma_start3A_76 : memref<640x128xf32, #tpu.memory_space<hbm>>) target_semaphore(%run_scoped3A : memref<!tpu.dma_semaphore, #tpu.memory_space<semaphore_mem>>)
      %dma_wait3A = arith.constant 0 : i32
      %dma_wait3A_79 = tpu.memref_slice %arg5[%arg0, %mul3A_73, %dma_wait3A] : memref<2x10240x128xf32, #tpu.memory_space<hbm>> -> memref<1x640x128xf32, #tpu.memory_space<hbm>>
      %dma_wait3A_80 = tpu.memref_squeeze %dma_wait3A_79 : memref<1x640x128xf32, #tpu.memory_space<hbm>> -> memref<640x128xf32, #tpu.memory_space<hbm>>
      %dma_wait3A_81 = arith.constant 0 : i32
      %dma_wait3A_82 = tpu.memref_slice %arg10[%mul3A_71, %dma_wait3A_81] : memref<10240x128xf32, #tpu.memory_space<vmem_shared>> -> memref<640x128xf32, #tpu.memory_space<vmem_shared>>
      tpu.wait_dma2 semaphore(%run_scoped3A : memref<!tpu.dma_semaphore, #tpu.memory_space<semaphore_mem>>) src(%dma_wait3A_82 : memref<640x128xf32, #tpu.memory_space<vmem_shared>>) dst(%dma_wait3A_80 : memref<640x128xf32, #tpu.memory_space<hbm>>)
      tpu.yield
    }) : () -> ()
    return
  }
}

#map = affine_map<(d0, d1) -> (0, 0, 0)>
module attributes {stable_mosaic.version = 14 : i64} {
  func.func @_sc_count(%arg0: i32, %arg1: i32, %arg2: memref<32x80x128xi32, #tpu.memory_space<hbm>>, %arg3: memref<2x10240x128xf32, #tpu.memory_space<hbm>>, %arg4: memref<80x128xi32, #tpu.memory_space<vmem>>, %arg5: memref<128x128xf32, #tpu.memory_space<vmem>>, %arg6: memref<10240x128xf32, #tpu.memory_space<vmem_shared>>) attributes {dimension_semantics = [#tpu.dimension_semantics<core_parallel>, #tpu.dimension_semantics<subcore_parallel>], iteration_bounds = array<i64: 2, 16>, scalar_prefetch = 0 : i64, scratch_operands = 3 : i64, tpu.core_type = #tpu.core_type<sc_vector_subcore>, window_params = [{transform_indices = #map}, {transform_indices = #map}]} {
    %mul3A = arith.constant 2 : i32
    %mul3A_0 = arith.muli %arg1, %mul3A : i32
    %add3A = arith.addi %mul3A_0, %arg0 : i32
    %broadcast_in_dim3A = arith.constant 0.000000e+00 : f32
    %broadcast_in_dim3A_1 = vector.broadcast %broadcast_in_dim3A : f32 to vector<16xf32>
    %scan3A = arith.constant 0 : i32
    %scan3A_2 = arith.constant 0 : i32
    %scan3A_3 = arith.constant 128 : i32
    %scan3A_4 = arith.addi %scan3A_2, %scan3A_3 : i32
    %scan3A_5 = arith.constant 1 : i32
    %scan3A_6 = scf.for %scan3A_49 = %scan3A_2 to %scan3A_4 step %scan3A_5 iter_args(%scan3A_50 = %scan3A) -> (i32)  : i32 {
      %swap3A = arith.index_cast %scan3A_49 : i32 to index
      %swap3A_51 = arith.constant 0 : index
      %swap3A_52 = tpu.vector_load %arg5[%swap3A, %swap3A_51] {strides = array<i32>} : memref<128x128xf32, #tpu.memory_space<vmem>>, vector<1x16xf32>,
      %swap3A_53 = vector.shape_cast %swap3A_52 : vector<1x16xf32> to vector<16xf32>
      %swap3A_54 = vector.shape_cast %broadcast_in_dim3A_1 : vector<16xf32> to vector<1x16xf32>
      tpu.vector_store %arg5[%swap3A, %swap3A_51], %swap3A_54 {strides = array<i32>} : memref<128x128xf32, #tpu.memory_space<vmem>>, vector<1x16xf32>,
      %swap3A_55 = arith.index_cast %scan3A_49 : i32 to index
      %swap3A_56 = arith.constant 16 : index
      %swap3A_57 = tpu.vector_load %arg5[%swap3A_55, %swap3A_56] {strides = array<i32>} : memref<128x128xf32, #tpu.memory_space<vmem>>, vector<1x16xf32>,
      %swap3A_58 = vector.shape_cast %swap3A_57 : vector<1x16xf32> to vector<16xf32>
      %swap3A_59 = vector.shape_cast %broadcast_in_dim3A_1 : vector<16xf32> to vector<1x16xf32>
      tpu.vector_store %arg5[%swap3A_55, %swap3A_56], %swap3A_59 {strides = array<i32>} : memref<128x128xf32, #tpu.memory_space<vmem>>, vector<1x16xf32>,
      %swap3A_60 = arith.index_cast %scan3A_49 : i32 to index
      %swap3A_61 = arith.constant 32 : index
      %swap3A_62 = tpu.vector_load %arg5[%swap3A_60, %swap3A_61] {strides = array<i32>} : memref<128x128xf32, #tpu.memory_space<vmem>>, vector<1x16xf32>,
      %swap3A_63 = vector.shape_cast %swap3A_62 : vector<1x16xf32> to vector<16xf32>
      %swap3A_64 = vector.shape_cast %broadcast_in_dim3A_1 : vector<16xf32> to vector<1x16xf32>
      tpu.vector_store %arg5[%swap3A_60, %swap3A_61], %swap3A_64 {strides = array<i32>} : memref<128x128xf32, #tpu.memory_space<vmem>>, vector<1x16xf32>,
      %swap3A_65 = arith.index_cast %scan3A_49 : i32 to index
      %swap3A_66 = arith.constant 48 : index
      %swap3A_67 = tpu.vector_load %arg5[%swap3A_65, %swap3A_66] {strides = array<i32>} : memref<128x128xf32, #tpu.memory_space<vmem>>, vector<1x16xf32>,
      %swap3A_68 = vector.shape_cast %swap3A_67 : vector<1x16xf32> to vector<16xf32>
      %swap3A_69 = vector.shape_cast %broadcast_in_dim3A_1 : vector<16xf32> to vector<1x16xf32>
      tpu.vector_store %arg5[%swap3A_65, %swap3A_66], %swap3A_69 {strides = array<i32>} : memref<128x128xf32, #tpu.memory_space<vmem>>, vector<1x16xf32>,
      %swap3A_70 = arith.index_cast %scan3A_49 : i32 to index
      %swap3A_71 = arith.constant 64 : index
      %swap3A_72 = tpu.vector_load %arg5[%swap3A_70, %swap3A_71] {strides = array<i32>} : memref<128x128xf32, #tpu.memory_space<vmem>>, vector<1x16xf32>,
      %swap3A_73 = vector.shape_cast %swap3A_72 : vector<1x16xf32> to vector<16xf32>
      %swap3A_74 = vector.shape_cast %broadcast_in_dim3A_1 : vector<16xf32> to vector<1x16xf32>
      tpu.vector_store %arg5[%swap3A_70, %swap3A_71], %swap3A_74 {strides = array<i32>} : memref<128x128xf32, #tpu.memory_space<vmem>>, vector<1x16xf32>,
      %swap3A_75 = arith.index_cast %scan3A_49 : i32 to index
      %swap3A_76 = arith.constant 80 : index
      %swap3A_77 = tpu.vector_load %arg5[%swap3A_75, %swap3A_76] {strides = array<i32>} : memref<128x128xf32, #tpu.memory_space<vmem>>, vector<1x16xf32>,
      %swap3A_78 = vector.shape_cast %swap3A_77 : vector<1x16xf32> to vector<16xf32>
      %swap3A_79 = vector.shape_cast %broadcast_in_dim3A_1 : vector<16xf32> to vector<1x16xf32>
      tpu.vector_store %arg5[%swap3A_75, %swap3A_76], %swap3A_79 {strides = array<i32>} : memref<128x128xf32, #tpu.memory_space<vmem>>, vector<1x16xf32>,
      %swap3A_80 = arith.index_cast %scan3A_49 : i32 to index
      %swap3A_81 = arith.constant 96 : index
      %swap3A_82 = tpu.vector_load %arg5[%swap3A_80, %swap3A_81] {strides = array<i32>} : memref<128x128xf32, #tpu.memory_space<vmem>>, vector<1x16xf32>,
      %swap3A_83 = vector.shape_cast %swap3A_82 : vector<1x16xf32> to vector<16xf32>
      %swap3A_84 = vector.shape_cast %broadcast_in_dim3A_1 : vector<16xf32> to vector<1x16xf32>
      tpu.vector_store %arg5[%swap3A_80, %swap3A_81], %swap3A_84 {strides = array<i32>} : memref<128x128xf32, #tpu.memory_space<vmem>>, vector<1x16xf32>,
      %swap3A_85 = arith.index_cast %scan3A_49 : i32 to index
      %swap3A_86 = arith.constant 112 : index
      %swap3A_87 = tpu.vector_load %arg5[%swap3A_85, %swap3A_86] {strides = array<i32>} : memref<128x128xf32, #tpu.memory_space<vmem>>, vector<1x16xf32>,
      %swap3A_88 = vector.shape_cast %swap3A_87 : vector<1x16xf32> to vector<16xf32>
      %swap3A_89 = vector.shape_cast %broadcast_in_dim3A_1 : vector<16xf32> to vector<1x16xf32>
      tpu.vector_store %arg5[%swap3A_85, %swap3A_86], %swap3A_89 {strides = array<i32>} : memref<128x128xf32, #tpu.memory_space<vmem>>, vector<1x16xf32>,
      %scan3A_90 = arith.constant 0 : i32
      scf.yield %scan3A_90 : i32
    }
    %scan3A_7 = arith.constant 128 : i32
    %mul3A_8 = arith.constant 640 : i32
    %mul3A_9 = arith.muli %arg1, %mul3A_8 : i32
    %add3A_10 = arith.constant 0 : i32
    %add3A_11 = arith.addi %mul3A_9, %add3A_10 : i32
    "tpu.region"() ({
      %run_scoped3A = tpu.sem_alloc : memref<!tpu.dma_semaphore, #tpu.memory_space<semaphore_mem>>
      %dma_start3A = arith.constant 0 : i32
      %dma_start3A_49 = tpu.memref_slice %arg6[%add3A_11, %dma_start3A] : memref<10240x128xf32, #tpu.memory_space<vmem_shared>> -> memref<128x128xf32, #tpu.memory_space<vmem_shared>>
      %dma_start3A_50 = arith.constant 0 : i32
      %dma_start3A_51 = tpu.memref_slice %arg6[%add3A_11, %dma_start3A_50] : memref<10240x128xf32, #tpu.memory_space<vmem_shared>> -> memref<128x128xf32, #tpu.memory_space<vmem_shared>>
      tpu.enqueue_dma source(%arg5 : memref<128x128xf32, #tpu.memory_space<vmem>>) target(%dma_start3A_51 : memref<128x128xf32, #tpu.memory_space<vmem_shared>>) target_semaphore(%run_scoped3A : memref<!tpu.dma_semaphore, #tpu.memory_space<semaphore_mem>>)
      %dma_wait3A = arith.constant 0 : i32
      %dma_wait3A_52 = tpu.memref_slice %arg6[%add3A_11, %dma_wait3A] : memref<10240x128xf32, #tpu.memory_space<vmem_shared>> -> memref<128x128xf32, #tpu.memory_space<vmem_shared>>
      %dma_wait3A_53 = arith.constant 0 : i32
      %dma_wait3A_54 = tpu.memref_slice %arg6[%add3A_11, %dma_wait3A_53] : memref<10240x128xf32, #tpu.memory_space<vmem_shared>> -> memref<128x128xf32, #tpu.memory_space<vmem_shared>>
      tpu.wait_dma2 semaphore(%run_scoped3A : memref<!tpu.dma_semaphore, #tpu.memory_space<semaphore_mem>>) src(%arg5 : memref<128x128xf32, #tpu.memory_space<vmem>>) dst(%dma_wait3A_54 : memref<128x128xf32, #tpu.memory_space<vmem_shared>>)
      tpu.yield
    }) : () -> ()
    %mul3A_12 = arith.constant 640 : i32
    %mul3A_13 = arith.muli %arg1, %mul3A_12 : i32
    %add3A_14 = arith.constant 128 : i32
    %add3A_15 = arith.addi %mul3A_13, %add3A_14 : i32
    "tpu.region"() ({
      %run_scoped3A = tpu.sem_alloc : memref<!tpu.dma_semaphore, #tpu.memory_space<semaphore_mem>>
      %dma_start3A = arith.constant 0 : i32
      %dma_start3A_49 = tpu.memref_slice %arg6[%add3A_15, %dma_start3A] : memref<10240x128xf32, #tpu.memory_space<vmem_shared>> -> memref<128x128xf32, #tpu.memory_space<vmem_shared>>
      %dma_start3A_50 = arith.constant 0 : i32
      %dma_start3A_51 = tpu.memref_slice %arg6[%add3A_15, %dma_start3A_50] : memref<10240x128xf32, #tpu.memory_space<vmem_shared>> -> memref<128x128xf32, #tpu.memory_space<vmem_shared>>
      tpu.enqueue_dma source(%arg5 : memref<128x128xf32, #tpu.memory_space<vmem>>) target(%dma_start3A_51 : memref<128x128xf32, #tpu.memory_space<vmem_shared>>) target_semaphore(%run_scoped3A : memref<!tpu.dma_semaphore, #tpu.memory_space<semaphore_mem>>)
      %dma_wait3A = arith.constant 0 : i32
      %dma_wait3A_52 = tpu.memref_slice %arg6[%add3A_15, %dma_wait3A] : memref<10240x128xf32, #tpu.memory_space<vmem_shared>> -> memref<128x128xf32, #tpu.memory_space<vmem_shared>>
      %dma_wait3A_53 = arith.constant 0 : i32
      %dma_wait3A_54 = tpu.memref_slice %arg6[%add3A_15, %dma_wait3A_53] : memref<10240x128xf32, #tpu.memory_space<vmem_shared>> -> memref<128x128xf32, #tpu.memory_space<vmem_shared>>
      tpu.wait_dma2 semaphore(%run_scoped3A : memref<!tpu.dma_semaphore, #tpu.memory_space<semaphore_mem>>) src(%arg5 : memref<128x128xf32, #tpu.memory_space<vmem>>) dst(%dma_wait3A_54 : memref<128x128xf32, #tpu.memory_space<vmem_shared>>)
      tpu.yield
    }) : () -> ()
    %mul3A_16 = arith.constant 640 : i32
    %mul3A_17 = arith.muli %arg1, %mul3A_16 : i32
    %add3A_18 = arith.constant 256 : i32
    %add3A_19 = arith.addi %mul3A_17, %add3A_18 : i32
    "tpu.region"() ({
      %run_scoped3A = tpu.sem_alloc : memref<!tpu.dma_semaphore, #tpu.memory_space<semaphore_mem>>
      %dma_start3A = arith.constant 0 : i32
      %dma_start3A_49 = tpu.memref_slice %arg6[%add3A_19, %dma_start3A] : memref<10240x128xf32, #tpu.memory_space<vmem_shared>> -> memref<128x128xf32, #tpu.memory_space<vmem_shared>>
      %dma_start3A_50 = arith.constant 0 : i32
      %dma_start3A_51 = tpu.memref_slice %arg6[%add3A_19, %dma_start3A_50] : memref<10240x128xf32, #tpu.memory_space<vmem_shared>> -> memref<128x128xf32, #tpu.memory_space<vmem_shared>>
      tpu.enqueue_dma source(%arg5 : memref<128x128xf32, #tpu.memory_space<vmem>>) target(%dma_start3A_51 : memref<128x128xf32, #tpu.memory_space<vmem_shared>>) target_semaphore(%run_scoped3A : memref<!tpu.dma_semaphore, #tpu.memory_space<semaphore_mem>>)
      %dma_wait3A = arith.constant 0 : i32
      %dma_wait3A_52 = tpu.memref_slice %arg6[%add3A_19, %dma_wait3A] : memref<10240x128xf32, #tpu.memory_space<vmem_shared>> -> memref<128x128xf32, #tpu.memory_space<vmem_shared>>
      %dma_wait3A_53 = arith.constant 0 : i32
      %dma_wait3A_54 = tpu.memref_slice %arg6[%add3A_19, %dma_wait3A_53] : memref<10240x128xf32, #tpu.memory_space<vmem_shared>> -> memref<128x128xf32, #tpu.memory_space<vmem_shared>>
      tpu.wait_dma2 semaphore(%run_scoped3A : memref<!tpu.dma_semaphore, #tpu.memory_space<semaphore_mem>>) src(%arg5 : memref<128x128xf32, #tpu.memory_space<vmem>>) dst(%dma_wait3A_54 : memref<128x128xf32, #tpu.memory_space<vmem_shared>>)
      tpu.yield
    }) : () -> ()
    %mul3A_20 = arith.constant 640 : i32
    %mul3A_21 = arith.muli %arg1, %mul3A_20 : i32
    %add3A_22 = arith.constant 384 : i32
    %add3A_23 = arith.addi %mul3A_21, %add3A_22 : i32
    "tpu.region"() ({
      %run_scoped3A = tpu.sem_alloc : memref<!tpu.dma_semaphore, #tpu.memory_space<semaphore_mem>>
      %dma_start3A = arith.constant 0 : i32
      %dma_start3A_49 = tpu.memref_slice %arg6[%add3A_23, %dma_start3A] : memref<10240x128xf32, #tpu.memory_space<vmem_shared>> -> memref<128x128xf32, #tpu.memory_space<vmem_shared>>
      %dma_start3A_50 = arith.constant 0 : i32
      %dma_start3A_51 = tpu.memref_slice %arg6[%add3A_23, %dma_start3A_50] : memref<10240x128xf32, #tpu.memory_space<vmem_shared>> -> memref<128x128xf32, #tpu.memory_space<vmem_shared>>
      tpu.enqueue_dma source(%arg5 : memref<128x128xf32, #tpu.memory_space<vmem>>) target(%dma_start3A_51 : memref<128x128xf32, #tpu.memory_space<vmem_shared>>) target_semaphore(%run_scoped3A : memref<!tpu.dma_semaphore, #tpu.memory_space<semaphore_mem>>)
      %dma_wait3A = arith.constant 0 : i32
      %dma_wait3A_52 = tpu.memref_slice %arg6[%add3A_23, %dma_wait3A] : memref<10240x128xf32, #tpu.memory_space<vmem_shared>> -> memref<128x128xf32, #tpu.memory_space<vmem_shared>>
      %dma_wait3A_53 = arith.constant 0 : i32
      %dma_wait3A_54 = tpu.memref_slice %arg6[%add3A_23, %dma_wait3A_53] : memref<10240x128xf32, #tpu.memory_space<vmem_shared>> -> memref<128x128xf32, #tpu.memory_space<vmem_shared>>
      tpu.wait_dma2 semaphore(%run_scoped3A : memref<!tpu.dma_semaphore, #tpu.memory_space<semaphore_mem>>) src(%arg5 : memref<128x128xf32, #tpu.memory_space<vmem>>) dst(%dma_wait3A_54 : memref<128x128xf32, #tpu.memory_space<vmem_shared>>)
      tpu.yield
    }) : () -> ()
    %mul3A_24 = arith.constant 640 : i32
    %mul3A_25 = arith.muli %arg1, %mul3A_24 : i32
    %add3A_26 = arith.constant 512 : i32
    %add3A_27 = arith.addi %mul3A_25, %add3A_26 : i32
    "tpu.region"() ({
      %run_scoped3A = tpu.sem_alloc : memref<!tpu.dma_semaphore, #tpu.memory_space<semaphore_mem>>
      %dma_start3A = arith.constant 0 : i32
      %dma_start3A_49 = tpu.memref_slice %arg6[%add3A_27, %dma_start3A] : memref<10240x128xf32, #tpu.memory_space<vmem_shared>> -> memref<128x128xf32, #tpu.memory_space<vmem_shared>>
      %dma_start3A_50 = arith.constant 0 : i32
      %dma_start3A_51 = tpu.memref_slice %arg6[%add3A_27, %dma_start3A_50] : memref<10240x128xf32, #tpu.memory_space<vmem_shared>> -> memref<128x128xf32, #tpu.memory_space<vmem_shared>>
      tpu.enqueue_dma source(%arg5 : memref<128x128xf32, #tpu.memory_space<vmem>>) target(%dma_start3A_51 : memref<128x128xf32, #tpu.memory_space<vmem_shared>>) target_semaphore(%run_scoped3A : memref<!tpu.dma_semaphore, #tpu.memory_space<semaphore_mem>>)
      %dma_wait3A = arith.constant 0 : i32
      %dma_wait3A_52 = tpu.memref_slice %arg6[%add3A_27, %dma_wait3A] : memref<10240x128xf32, #tpu.memory_space<vmem_shared>> -> memref<128x128xf32, #tpu.memory_space<vmem_shared>>
      %dma_wait3A_53 = arith.constant 0 : i32
      %dma_wait3A_54 = tpu.memref_slice %arg6[%add3A_27, %dma_wait3A_53] : memref<10240x128xf32, #tpu.memory_space<vmem_shared>> -> memref<128x128xf32, #tpu.memory_space<vmem_shared>>
      tpu.wait_dma2 semaphore(%run_scoped3A : memref<!tpu.dma_semaphore, #tpu.memory_space<semaphore_mem>>) src(%arg5 : memref<128x128xf32, #tpu.memory_space<vmem>>) dst(%dma_wait3A_54 : memref<128x128xf32, #tpu.memory_space<vmem_shared>>)
      tpu.yield
    }) : () -> ()
    %broadcast_in_dim3A_28 = arith.constant 1.000000e+00 : f32
    %broadcast_in_dim3A_29 = vector.broadcast %broadcast_in_dim3A_28 : f32 to vector<16xf32>
    %scan3A_30 = arith.constant 0 : i32
    %scan3A_31 = arith.constant 0 : i32
    %scan3A_32 = arith.constant 128 : i32
    %scan3A_33 = arith.addi %scan3A_31, %scan3A_32 : i32
    %scan3A_34 = arith.constant 1 : i32
    %scan3A_35 = scf.for %scan3A_49 = %scan3A_31 to %scan3A_33 step %scan3A_34 iter_args(%scan3A_50 = %scan3A_30) -> (i32)  : i32 {
      %swap3A = arith.index_cast %scan3A_49 : i32 to index
      %swap3A_51 = arith.constant 0 : index
      %swap3A_52 = tpu.vector_load %arg5[%swap3A, %swap3A_51] {strides = array<i32>} : memref<128x128xf32, #tpu.memory_space<vmem>>, vector<1x16xf32>,
      %swap3A_53 = vector.shape_cast %swap3A_52 : vector<1x16xf32> to vector<16xf32>
      %swap3A_54 = vector.shape_cast %broadcast_in_dim3A_29 : vector<16xf32> to vector<1x16xf32>
      tpu.vector_store %arg5[%swap3A, %swap3A_51], %swap3A_54 {strides = array<i32>} : memref<128x128xf32, #tpu.memory_space<vmem>>, vector<1x16xf32>,
      %swap3A_55 = arith.index_cast %scan3A_49 : i32 to index
      %swap3A_56 = arith.constant 16 : index
      %swap3A_57 = tpu.vector_load %arg5[%swap3A_55, %swap3A_56] {strides = array<i32>} : memref<128x128xf32, #tpu.memory_space<vmem>>, vector<1x16xf32>,
      %swap3A_58 = vector.shape_cast %swap3A_57 : vector<1x16xf32> to vector<16xf32>
      %swap3A_59 = vector.shape_cast %broadcast_in_dim3A_29 : vector<16xf32> to vector<1x16xf32>
      tpu.vector_store %arg5[%swap3A_55, %swap3A_56], %swap3A_59 {strides = array<i32>} : memref<128x128xf32, #tpu.memory_space<vmem>>, vector<1x16xf32>,
      %swap3A_60 = arith.index_cast %scan3A_49 : i32 to index
      %swap3A_61 = arith.constant 32 : index
      %swap3A_62 = tpu.vector_load %arg5[%swap3A_60, %swap3A_61] {strides = array<i32>} : memref<128x128xf32, #tpu.memory_space<vmem>>, vector<1x16xf32>,
      %swap3A_63 = vector.shape_cast %swap3A_62 : vector<1x16xf32> to vector<16xf32>
      %swap3A_64 = vector.shape_cast %broadcast_in_dim3A_29 : vector<16xf32> to vector<1x16xf32>
      tpu.vector_store %arg5[%swap3A_60, %swap3A_61], %swap3A_64 {strides = array<i32>} : memref<128x128xf32, #tpu.memory_space<vmem>>, vector<1x16xf32>,
      %swap3A_65 = arith.index_cast %scan3A_49 : i32 to index
      %swap3A_66 = arith.constant 48 : index
      %swap3A_67 = tpu.vector_load %arg5[%swap3A_65, %swap3A_66] {strides = array<i32>} : memref<128x128xf32, #tpu.memory_space<vmem>>, vector<1x16xf32>,
      %swap3A_68 = vector.shape_cast %swap3A_67 : vector<1x16xf32> to vector<16xf32>
      %swap3A_69 = vector.shape_cast %broadcast_in_dim3A_29 : vector<16xf32> to vector<1x16xf32>
      tpu.vector_store %arg5[%swap3A_65, %swap3A_66], %swap3A_69 {strides = array<i32>} : memref<128x128xf32, #tpu.memory_space<vmem>>, vector<1x16xf32>,
      %swap3A_70 = arith.index_cast %scan3A_49 : i32 to index
      %swap3A_71 = arith.constant 64 : index
      %swap3A_72 = tpu.vector_load %arg5[%swap3A_70, %swap3A_71] {strides = array<i32>} : memref<128x128xf32, #tpu.memory_space<vmem>>, vector<1x16xf32>,
      %swap3A_73 = vector.shape_cast %swap3A_72 : vector<1x16xf32> to vector<16xf32>
      %swap3A_74 = vector.shape_cast %broadcast_in_dim3A_29 : vector<16xf32> to vector<1x16xf32>
      tpu.vector_store %arg5[%swap3A_70, %swap3A_71], %swap3A_74 {strides = array<i32>} : memref<128x128xf32, #tpu.memory_space<vmem>>, vector<1x16xf32>,
      %swap3A_75 = arith.index_cast %scan3A_49 : i32 to index
      %swap3A_76 = arith.constant 80 : index
      %swap3A_77 = tpu.vector_load %arg5[%swap3A_75, %swap3A_76] {strides = array<i32>} : memref<128x128xf32, #tpu.memory_space<vmem>>, vector<1x16xf32>,
      %swap3A_78 = vector.shape_cast %swap3A_77 : vector<1x16xf32> to vector<16xf32>
      %swap3A_79 = vector.shape_cast %broadcast_in_dim3A_29 : vector<16xf32> to vector<1x16xf32>
      tpu.vector_store %arg5[%swap3A_75, %swap3A_76], %swap3A_79 {strides = array<i32>} : memref<128x128xf32, #tpu.memory_space<vmem>>, vector<1x16xf32>,
      %swap3A_80 = arith.index_cast %scan3A_49 : i32 to index
      %swap3A_81 = arith.constant 96 : index
      %swap3A_82 = tpu.vector_load %arg5[%swap3A_80, %swap3A_81] {strides = array<i32>} : memref<128x128xf32, #tpu.memory_space<vmem>>, vector<1x16xf32>,
      %swap3A_83 = vector.shape_cast %swap3A_82 : vector<1x16xf32> to vector<16xf32>
      %swap3A_84 = vector.shape_cast %broadcast_in_dim3A_29 : vector<16xf32> to vector<1x16xf32>
      tpu.vector_store %arg5[%swap3A_80, %swap3A_81], %swap3A_84 {strides = array<i32>} : memref<128x128xf32, #tpu.memory_space<vmem>>, vector<1x16xf32>,
      %swap3A_85 = arith.index_cast %scan3A_49 : i32 to index
      %swap3A_86 = arith.constant 112 : index
      %swap3A_87 = tpu.vector_load %arg5[%swap3A_85, %swap3A_86] {strides = array<i32>} : memref<128x128xf32, #tpu.memory_space<vmem>>, vector<1x16xf32>,
      %swap3A_88 = vector.shape_cast %swap3A_87 : vector<1x16xf32> to vector<16xf32>
      %swap3A_89 = vector.shape_cast %broadcast_in_dim3A_29 : vector<16xf32> to vector<1x16xf32>
      tpu.vector_store %arg5[%swap3A_85, %swap3A_86], %swap3A_89 {strides = array<i32>} : memref<128x128xf32, #tpu.memory_space<vmem>>, vector<1x16xf32>,
      %scan3A_90 = arith.constant 0 : i32
      scf.yield %scan3A_90 : i32
    }
    %scan3A_36 = arith.constant 128 : i32
    "tpu.region"() ({
      %run_scoped3A = tpu.sem_alloc : memref<!tpu.dma_semaphore, #tpu.memory_space<semaphore_mem>>
      %dma_start3A = arith.constant 0 : i32
      %dma_start3A_49 = arith.constant 0 : i32
      %dma_start3A_50 = tpu.memref_slice %arg2[%add3A, %dma_start3A, %dma_start3A_49] : memref<32x80x128xi32, #tpu.memory_space<hbm>> -> memref<1x80x128xi32, #tpu.memory_space<hbm>>
      %dma_start3A_51 = tpu.memref_squeeze %dma_start3A_50 : memref<1x80x128xi32, #tpu.memory_space<hbm>> -> memref<80x128xi32, #tpu.memory_space<hbm>>
      %dma_start3A_52 = arith.constant 0 : i32
      %dma_start3A_53 = arith.constant 0 : i32
      %dma_start3A_54 = tpu.memref_slice %arg2[%add3A, %dma_start3A_52, %dma_start3A_53] : memref<32x80x128xi32, #tpu.memory_space<hbm>> -> memref<1x80x128xi32, #tpu.memory_space<hbm>>
      %dma_start3A_55 = tpu.memref_squeeze %dma_start3A_54 : memref<1x80x128xi32, #tpu.memory_space<hbm>> -> memref<80x128xi32, #tpu.memory_space<hbm>>
      tpu.enqueue_dma source(%dma_start3A_55 : memref<80x128xi32, #tpu.memory_space<hbm>>) target(%arg4 : memref<80x128xi32, #tpu.memory_space<vmem>>) target_semaphore(%run_scoped3A : memref<!tpu.dma_semaphore, #tpu.memory_space<semaphore_mem>>)
      %dma_wait3A = arith.constant 0 : i32
      %dma_wait3A_56 = arith.constant 0 : i32
      %dma_wait3A_57 = tpu.memref_slice %arg2[%add3A, %dma_wait3A, %dma_wait3A_56] : memref<32x80x128xi32, #tpu.memory_space<hbm>> -> memref<1x80x128xi32, #tpu.memory_space<hbm>>
      %dma_wait3A_58 = tpu.memref_squeeze %dma_wait3A_57 : memref<1x80x128xi32, #tpu.memory_space<hbm>> -> memref<80x128xi32, #tpu.memory_space<hbm>>
      %dma_wait3A_59 = arith.constant 0 : i32
      %dma_wait3A_60 = arith.constant 0 : i32
      %dma_wait3A_61 = tpu.memref_slice %arg2[%add3A, %dma_wait3A_59, %dma_wait3A_60] : memref<32x80x128xi32, #tpu.memory_space<hbm>> -> memref<1x80x128xi32, #tpu.memory_space<hbm>>
      %dma_wait3A_62 = tpu.memref_squeeze %dma_wait3A_61 : memref<1x80x128xi32, #tpu.memory_space<hbm>> -> memref<80x128xi32, #tpu.memory_space<hbm>>
      tpu.wait_dma2 semaphore(%run_scoped3A : memref<!tpu.dma_semaphore, #tpu.memory_space<semaphore_mem>>) src(%dma_wait3A_62 : memref<80x128xi32, #tpu.memory_space<hbm>>) dst(%arg4 : memref<80x128xi32, #tpu.memory_space<vmem>>)
      tpu.yield
    }) : () -> ()
    %barrier3A = arith.constant 0 : index
    tpu.barrier barrier_id(%barrier3A)
    %scan3A_37 = arith.constant 0 : i32
    %scan3A_38 = arith.constant 0 : i32
    %scan3A_39 = arith.constant 80 : i32
    %scan3A_40 = arith.addi %scan3A_38, %scan3A_39 : i32
    %scan3A_41 = arith.constant 1 : i32
    %scan3A_42 = scf.for %scan3A_49 = %scan3A_38 to %scan3A_40 step %scan3A_41 iter_args(%scan3A_50 = %scan3A_37) -> (i32)  : i32 {
      "tpu.region"() ({
        %run_scoped3A = tpu.sem_alloc : memref<!tpu.dma_semaphore, #tpu.memory_space<semaphore_mem>>
        %dma_start3A = arith.constant 0 : i32
        %dma_start3A_52 = tpu.memref_slice %arg4[%scan3A_49, %dma_start3A] : memref<80x128xi32, #tpu.memory_space<vmem>> -> memref<1x128xi32, #tpu.memory_space<vmem>>
        %dma_start3A_53 = tpu.memref_squeeze %dma_start3A_52 : memref<1x128xi32, #tpu.memory_space<vmem>> -> memref<128xi32, #tpu.memory_space<vmem>>
        %dma_start3A_54 = arith.constant 0 : i32
        %dma_start3A_55 = arith.constant 0 : i32
        %dma_start3A_56 = tpu.memref_slice %arg6[%dma_start3A_54, %dma_start3A_55] : memref<10240x128xf32, #tpu.memory_space<vmem_shared>> -> memref<10240x128xf32, #tpu.memory_space<vmem_shared>>
        tpu.enqueue_indirect_dma source(%arg5 : memref<128x128xf32, #tpu.memory_space<vmem>>) target(%dma_start3A_56 : memref<10240x128xf32, #tpu.memory_space<vmem_shared>>) offsets(%dma_start3A_53 : memref<128xi32, #tpu.memory_space<vmem>>) semaphore(%run_scoped3A : memref<!tpu.dma_semaphore, #tpu.memory_space<semaphore_mem>>) {add = true}
        %dma_wait3A = arith.constant 0 : i32
        %dma_wait3A_57 = tpu.memref_slice %arg4[%scan3A_49, %dma_wait3A] : memref<80x128xi32, #tpu.memory_space<vmem>> -> memref<1x128xi32, #tpu.memory_space<vmem>>
        %dma_wait3A_58 = tpu.memref_squeeze %dma_wait3A_57 : memref<1x128xi32, #tpu.memory_space<vmem>> -> memref<128xi32, #tpu.memory_space<vmem>>
        %dma_wait3A_59 = arith.constant 0 : i32
        %dma_wait3A_60 = arith.constant 0 : i32
        %dma_wait3A_61 = tpu.memref_slice %arg6[%dma_wait3A_59, %dma_wait3A_60] : memref<10240x128xf32, #tpu.memory_space<vmem_shared>> -> memref<10240x128xf32, #tpu.memory_space<vmem_shared>>
        tpu.wait_indirect_dma semaphore(%run_scoped3A : memref<!tpu.dma_semaphore, #tpu.memory_space<semaphore_mem>>) src(%arg5 : memref<128x128xf32, #tpu.memory_space<vmem>>) dst(%dma_wait3A_61 : memref<10240x128xf32, #tpu.memory_space<vmem_shared>>)
        tpu.yield
      }) : () -> ()
      %scan3A_51 = arith.constant 0 : i32
      scf.yield %scan3A_51 : i32
    }
    %scan3A_43 = arith.constant 80 : i32
    %barrier3A_44 = arith.constant 0 : index
    tpu.barrier barrier_id(%barrier3A_44)
    %mul3A_45 = arith.constant 640 : i32
    %mul3A_46 = arith.muli %arg1, %mul3A_45 : i32
    %mul3A_47 = arith.constant 640 : i32
    %mul3A_48 = arith.muli %arg1, %mul3A_47 : i32
    "tpu.region"() ({
      %run_scoped3A = tpu.sem_alloc : memref<!tpu.dma_semaphore, #tpu.memory_space<semaphore_mem>>
      %dma_start3A = arith.constant 0 : i32
      %dma_start3A_49 = tpu.memref_slice %arg3[%arg0, %mul3A_48, %dma_start3A] : memref<2x10240x128xf32, #tpu.memory_space<hbm>> -> memref<1x640x128xf32, #tpu.memory_space<hbm>>
      %dma_start3A_50 = tpu.memref_squeeze %dma_start3A_49 : memref<1x640x128xf32, #tpu.memory_space<hbm>> -> memref<640x128xf32, #tpu.memory_space<hbm>>
      %dma_start3A_51 = arith.constant 0 : i32
      %dma_start3A_52 = tpu.memref_slice %arg6[%mul3A_46, %dma_start3A_51] : memref<10240x128xf32, #tpu.memory_space<vmem_shared>> -> memref<640x128xf32, #tpu.memory_space<vmem_shared>>
      tpu.enqueue_dma source(%dma_start3A_52 : memref<640x128xf32, #tpu.memory_space<vmem_shared>>) target(%dma_start3A_50 : memref<640x128xf32, #tpu.memory_space<hbm>>) target_semaphore(%run_scoped3A : memref<!tpu.dma_semaphore, #tpu.memory_space<semaphore_mem>>)
      %dma_wait3A = arith.constant 0 : i32
      %dma_wait3A_53 = tpu.memref_slice %arg3[%arg0, %mul3A_48, %dma_wait3A] : memref<2x10240x128xf32, #tpu.memory_space<hbm>> -> memref<1x640x128xf32, #tpu.memory_space<hbm>>
      %dma_wait3A_54 = tpu.memref_squeeze %dma_wait3A_53 : memref<1x640x128xf32, #tpu.memory_space<hbm>> -> memref<640x128xf32, #tpu.memory_space<hbm>>
      %dma_wait3A_55 = arith.constant 0 : i32
      %dma_wait3A_56 = tpu.memref_slice %arg6[%mul3A_46, %dma_wait3A_55] : memref<10240x128xf32, #tpu.memory_space<vmem_shared>> -> memref<640x128xf32, #tpu.memory_space<vmem_shared>>
      tpu.wait_dma2 semaphore(%run_scoped3A : memref<!tpu.dma_semaphore, #tpu.memory_space<semaphore_mem>>) src(%dma_wait3A_56 : memref<640x128xf32, #tpu.memory_space<vmem_shared>>) dst(%dma_wait3A_54 : memref<640x128xf32, #tpu.memory_space<hbm>>)
      tpu.yield
    }) : () -> ()
    return
  }
}

#map = affine_map<(d0, d1) -> (0, 0)>
#map1 = affine_map<(d0, d1) -> (0, 0, 0)>
module attributes {stable_mosaic.version = 14 : i64} {
  func.func @_agg(%arg0: i32, %arg1: i32, %arg2: memref<10240x128xf32, #tpu.memory_space<hbm>>, %arg3: memref<32x80x128xi32, #tpu.memory_space<hbm>>, %arg4: memref<32x80x128xi32, #tpu.memory_space<hbm>>, %arg5: memref<2x10240x128xf32, #tpu.memory_space<hbm>>, %arg6: memref<40x128xi32, #tpu.memory_space<vmem>>, %arg7: memref<40x128xi32, #tpu.memory_space<vmem>>, %arg8: memref<128x128xf32, #tpu.memory_space<vmem>>, %arg9: memref<128x128xf32, #tpu.memory_space<vmem>>, %arg10: memref<10240x128xf32, #tpu.memory_space<vmem_shared>>, %arg11: memref<!tpu.dma_semaphore, #tpu.memory_space<semaphore_mem>>, %arg12: memref<!tpu.dma_semaphore, #tpu.memory_space<semaphore_mem>>) attributes {dimension_semantics = [#tpu.dimension_semantics<core_parallel>, #tpu.dimension_semantics<subcore_parallel>], iteration_bounds = array<i64: 2, 16>, scalar_prefetch = 0 : i64, scratch_operands = 7 : i64, tpu.core_type = #tpu.core_type<sc_vector_subcore>, window_params = [{transform_indices = #map}, {transform_indices = #map1}, {transform_indices = #map1}, {transform_indices = #map1}]} {
    %mul3A = arith.constant 2 : i32
    %mul3A_0 = arith.muli %arg1, %mul3A : i32
    %add3A = arith.addi %mul3A_0, %arg0 : i32
    %broadcast_in_dim3A = arith.constant 0.000000e+00 : f32
    %broadcast_in_dim3A_1 = vector.broadcast %broadcast_in_dim3A : f32 to vector<16xf32>
    %scan3A = arith.constant 0 : i32
    %scan3A_2 = arith.constant 0 : i32
    %scan3A_3 = arith.constant 128 : i32
    %scan3A_4 = arith.addi %scan3A_2, %scan3A_3 : i32
    %scan3A_5 = arith.constant 1 : i32
    %scan3A_6 = scf.for %scan3A_74 = %scan3A_2 to %scan3A_4 step %scan3A_5 iter_args(%scan3A_75 = %scan3A) -> (i32)  : i32 {
      %swap3A = arith.index_cast %scan3A_74 : i32 to index
      %swap3A_76 = arith.constant 0 : index
      %swap3A_77 = tpu.vector_load %arg8[%swap3A, %swap3A_76] {strides = array<i32>} : memref<128x128xf32, #tpu.memory_space<vmem>>, vector<1x16xf32>,
      %swap3A_78 = vector.shape_cast %swap3A_77 : vector<1x16xf32> to vector<16xf32>
      %swap3A_79 = vector.shape_cast %broadcast_in_dim3A_1 : vector<16xf32> to vector<1x16xf32>
      tpu.vector_store %arg8[%swap3A, %swap3A_76], %swap3A_79 {strides = array<i32>} : memref<128x128xf32, #tpu.memory_space<vmem>>, vector<1x16xf32>,
      %swap3A_80 = arith.index_cast %scan3A_74 : i32 to index
      %swap3A_81 = arith.constant 16 : index
      %swap3A_82 = tpu.vector_load %arg8[%swap3A_80, %swap3A_81] {strides = array<i32>} : memref<128x128xf32, #tpu.memory_space<vmem>>, vector<1x16xf32>,
      %swap3A_83 = vector.shape_cast %swap3A_82 : vector<1x16xf32> to vector<16xf32>
      %swap3A_84 = vector.shape_cast %broadcast_in_dim3A_1 : vector<16xf32> to vector<1x16xf32>
      tpu.vector_store %arg8[%swap3A_80, %swap3A_81], %swap3A_84 {strides = array<i32>} : memref<128x128xf32, #tpu.memory_space<vmem>>, vector<1x16xf32>,
      %swap3A_85 = arith.index_cast %scan3A_74 : i32 to index
      %swap3A_86 = arith.constant 32 : index
      %swap3A_87 = tpu.vector_load %arg8[%swap3A_85, %swap3A_86] {strides = array<i32>} : memref<128x128xf32, #tpu.memory_space<vmem>>, vector<1x16xf32>,
      %swap3A_88 = vector.shape_cast %swap3A_87 : vector<1x16xf32> to vector<16xf32>
      %swap3A_89 = vector.shape_cast %broadcast_in_dim3A_1 : vector<16xf32> to vector<1x16xf32>
      tpu.vector_store %arg8[%swap3A_85, %swap3A_86], %swap3A_89 {strides = array<i32>} : memref<128x128xf32, #tpu.memory_space<vmem>>, vector<1x16xf32>,
      %swap3A_90 = arith.index_cast %scan3A_74 : i32 to index
      %swap3A_91 = arith.constant 48 : index
      %swap3A_92 = tpu.vector_load %arg8[%swap3A_90, %swap3A_91] {strides = array<i32>} : memref<128x128xf32, #tpu.memory_space<vmem>>, vector<1x16xf32>,
      %swap3A_93 = vector.shape_cast %swap3A_92 : vector<1x16xf32> to vector<16xf32>
      %swap3A_94 = vector.shape_cast %broadcast_in_dim3A_1 : vector<16xf32> to vector<1x16xf32>
      tpu.vector_store %arg8[%swap3A_90, %swap3A_91], %swap3A_94 {strides = array<i32>} : memref<128x128xf32, #tpu.memory_space<vmem>>, vector<1x16xf32>,
      %swap3A_95 = arith.index_cast %scan3A_74 : i32 to index
      %swap3A_96 = arith.constant 64 : index
      %swap3A_97 = tpu.vector_load %arg8[%swap3A_95, %swap3A_96] {strides = array<i32>} : memref<128x128xf32, #tpu.memory_space<vmem>>, vector<1x16xf32>,
      %swap3A_98 = vector.shape_cast %swap3A_97 : vector<1x16xf32> to vector<16xf32>
      %swap3A_99 = vector.shape_cast %broadcast_in_dim3A_1 : vector<16xf32> to vector<1x16xf32>
      tpu.vector_store %arg8[%swap3A_95, %swap3A_96], %swap3A_99 {strides = array<i32>} : memref<128x128xf32, #tpu.memory_space<vmem>>, vector<1x16xf32>,
      %swap3A_100 = arith.index_cast %scan3A_74 : i32 to index
      %swap3A_101 = arith.constant 80 : index
      %swap3A_102 = tpu.vector_load %arg8[%swap3A_100, %swap3A_101] {strides = array<i32>} : memref<128x128xf32, #tpu.memory_space<vmem>>, vector<1x16xf32>,
      %swap3A_103 = vector.shape_cast %swap3A_102 : vector<1x16xf32> to vector<16xf32>
      %swap3A_104 = vector.shape_cast %broadcast_in_dim3A_1 : vector<16xf32> to vector<1x16xf32>
      tpu.vector_store %arg8[%swap3A_100, %swap3A_101], %swap3A_104 {strides = array<i32>} : memref<128x128xf32, #tpu.memory_space<vmem>>, vector<1x16xf32>,
      %swap3A_105 = arith.index_cast %scan3A_74 : i32 to index
      %swap3A_106 = arith.constant 96 : index
      %swap3A_107 = tpu.vector_load %arg8[%swap3A_105, %swap3A_106] {strides = array<i32>} : memref<128x128xf32, #tpu.memory_space<vmem>>, vector<1x16xf32>,
      %swap3A_108 = vector.shape_cast %swap3A_107 : vector<1x16xf32> to vector<16xf32>
      %swap3A_109 = vector.shape_cast %broadcast_in_dim3A_1 : vector<16xf32> to vector<1x16xf32>
      tpu.vector_store %arg8[%swap3A_105, %swap3A_106], %swap3A_109 {strides = array<i32>} : memref<128x128xf32, #tpu.memory_space<vmem>>, vector<1x16xf32>,
      %swap3A_110 = arith.index_cast %scan3A_74 : i32 to index
      %swap3A_111 = arith.constant 112 : index
      %swap3A_112 = tpu.vector_load %arg8[%swap3A_110, %swap3A_111] {strides = array<i32>} : memref<128x128xf32, #tpu.memory_space<vmem>>, vector<1x16xf32>,
      %swap3A_113 = vector.shape_cast %swap3A_112 : vector<1x16xf32> to vector<16xf32>
      %swap3A_114 = vector.shape_cast %broadcast_in_dim3A_1 : vector<16xf32> to vector<1x16xf32>
      tpu.vector_store %arg8[%swap3A_110, %swap3A_111], %swap3A_114 {strides = array<i32>} : memref<128x128xf32, #tpu.memory_space<vmem>>, vector<1x16xf32>,
      %scan3A_115 = arith.constant 0 : i32
      scf.yield %scan3A_115 : i32
    }
    %scan3A_7 = arith.constant 128 : i32
    %mul3A_8 = arith.constant 640 : i32
    %mul3A_9 = arith.muli %arg1, %mul3A_8 : i32
    %add3A_10 = arith.constant 0 : i32
    %add3A_11 = arith.addi %mul3A_9, %add3A_10 : i32
    "tpu.region"() ({
      %run_scoped3A = tpu.sem_alloc : memref<!tpu.dma_semaphore, #tpu.memory_space<semaphore_mem>>
      %dma_start3A_74 = arith.constant 0 : i32
      %dma_start3A_75 = tpu.memref_slice %arg10[%add3A_11, %dma_start3A_74] : memref<10240x128xf32, #tpu.memory_space<vmem_shared>> -> memref<128x128xf32, #tpu.memory_space<vmem_shared>>
      %dma_start3A_76 = arith.constant 0 : i32
      %dma_start3A_77 = tpu.memref_slice %arg10[%add3A_11, %dma_start3A_76] : memref<10240x128xf32, #tpu.memory_space<vmem_shared>> -> memref<128x128xf32, #tpu.memory_space<vmem_shared>>
      tpu.enqueue_dma source(%arg8 : memref<128x128xf32, #tpu.memory_space<vmem>>) target(%dma_start3A_77 : memref<128x128xf32, #tpu.memory_space<vmem_shared>>) target_semaphore(%run_scoped3A : memref<!tpu.dma_semaphore, #tpu.memory_space<semaphore_mem>>)
      %dma_wait3A = arith.constant 0 : i32
      %dma_wait3A_78 = tpu.memref_slice %arg10[%add3A_11, %dma_wait3A] : memref<10240x128xf32, #tpu.memory_space<vmem_shared>> -> memref<128x128xf32, #tpu.memory_space<vmem_shared>>
      %dma_wait3A_79 = arith.constant 0 : i32
      %dma_wait3A_80 = tpu.memref_slice %arg10[%add3A_11, %dma_wait3A_79] : memref<10240x128xf32, #tpu.memory_space<vmem_shared>> -> memref<128x128xf32, #tpu.memory_space<vmem_shared>>
      tpu.wait_dma2 semaphore(%run_scoped3A : memref<!tpu.dma_semaphore, #tpu.memory_space<semaphore_mem>>) src(%arg8 : memref<128x128xf32, #tpu.memory_space<vmem>>) dst(%dma_wait3A_80 : memref<128x128xf32, #tpu.memory_space<vmem_shared>>)
      tpu.yield
    }) : () -> ()
    %mul3A_12 = arith.constant 640 : i32
    %mul3A_13 = arith.muli %arg1, %mul3A_12 : i32
    %add3A_14 = arith.constant 128 : i32
    %add3A_15 = arith.addi %mul3A_13, %add3A_14 : i32
    "tpu.region"() ({
      %run_scoped3A = tpu.sem_alloc : memref<!tpu.dma_semaphore, #tpu.memory_space<semaphore_mem>>
      %dma_start3A_74 = arith.constant 0 : i32
      %dma_start3A_75 = tpu.memref_slice %arg10[%add3A_15, %dma_start3A_74] : memref<10240x128xf32, #tpu.memory_space<vmem_shared>> -> memref<128x128xf32, #tpu.memory_space<vmem_shared>>
      %dma_start3A_76 = arith.constant 0 : i32
      %dma_start3A_77 = tpu.memref_slice %arg10[%add3A_15, %dma_start3A_76] : memref<10240x128xf32, #tpu.memory_space<vmem_shared>> -> memref<128x128xf32, #tpu.memory_space<vmem_shared>>
      tpu.enqueue_dma source(%arg8 : memref<128x128xf32, #tpu.memory_space<vmem>>) target(%dma_start3A_77 : memref<128x128xf32, #tpu.memory_space<vmem_shared>>) target_semaphore(%run_scoped3A : memref<!tpu.dma_semaphore, #tpu.memory_space<semaphore_mem>>)
      %dma_wait3A = arith.constant 0 : i32
      %dma_wait3A_78 = tpu.memref_slice %arg10[%add3A_15, %dma_wait3A] : memref<10240x128xf32, #tpu.memory_space<vmem_shared>> -> memref<128x128xf32, #tpu.memory_space<vmem_shared>>
      %dma_wait3A_79 = arith.constant 0 : i32
      %dma_wait3A_80 = tpu.memref_slice %arg10[%add3A_15, %dma_wait3A_79] : memref<10240x128xf32, #tpu.memory_space<vmem_shared>> -> memref<128x128xf32, #tpu.memory_space<vmem_shared>>
      tpu.wait_dma2 semaphore(%run_scoped3A : memref<!tpu.dma_semaphore, #tpu.memory_space<semaphore_mem>>) src(%arg8 : memref<128x128xf32, #tpu.memory_space<vmem>>) dst(%dma_wait3A_80 : memref<128x128xf32, #tpu.memory_space<vmem_shared>>)
      tpu.yield
    }) : () -> ()
    %mul3A_16 = arith.constant 640 : i32
    %mul3A_17 = arith.muli %arg1, %mul3A_16 : i32
    %add3A_18 = arith.constant 256 : i32
    %add3A_19 = arith.addi %mul3A_17, %add3A_18 : i32
    "tpu.region"() ({
      %run_scoped3A = tpu.sem_alloc : memref<!tpu.dma_semaphore, #tpu.memory_space<semaphore_mem>>
      %dma_start3A_74 = arith.constant 0 : i32
      %dma_start3A_75 = tpu.memref_slice %arg10[%add3A_19, %dma_start3A_74] : memref<10240x128xf32, #tpu.memory_space<vmem_shared>> -> memref<128x128xf32, #tpu.memory_space<vmem_shared>>
      %dma_start3A_76 = arith.constant 0 : i32
      %dma_start3A_77 = tpu.memref_slice %arg10[%add3A_19, %dma_start3A_76] : memref<10240x128xf32, #tpu.memory_space<vmem_shared>> -> memref<128x128xf32, #tpu.memory_space<vmem_shared>>
      tpu.enqueue_dma source(%arg8 : memref<128x128xf32, #tpu.memory_space<vmem>>) target(%dma_start3A_77 : memref<128x128xf32, #tpu.memory_space<vmem_shared>>) target_semaphore(%run_scoped3A : memref<!tpu.dma_semaphore, #tpu.memory_space<semaphore_mem>>)
      %dma_wait3A = arith.constant 0 : i32
      %dma_wait3A_78 = tpu.memref_slice %arg10[%add3A_19, %dma_wait3A] : memref<10240x128xf32, #tpu.memory_space<vmem_shared>> -> memref<128x128xf32, #tpu.memory_space<vmem_shared>>
      %dma_wait3A_79 = arith.constant 0 : i32
      %dma_wait3A_80 = tpu.memref_slice %arg10[%add3A_19, %dma_wait3A_79] : memref<10240x128xf32, #tpu.memory_space<vmem_shared>> -> memref<128x128xf32, #tpu.memory_space<vmem_shared>>
      tpu.wait_dma2 semaphore(%run_scoped3A : memref<!tpu.dma_semaphore, #tpu.memory_space<semaphore_mem>>) src(%arg8 : memref<128x128xf32, #tpu.memory_space<vmem>>) dst(%dma_wait3A_80 : memref<128x128xf32, #tpu.memory_space<vmem_shared>>)
      tpu.yield
    }) : () -> ()
    %mul3A_20 = arith.constant 640 : i32
    %mul3A_21 = arith.muli %arg1, %mul3A_20 : i32
    %add3A_22 = arith.constant 384 : i32
    %add3A_23 = arith.addi %mul3A_21, %add3A_22 : i32
    "tpu.region"() ({
      %run_scoped3A = tpu.sem_alloc : memref<!tpu.dma_semaphore, #tpu.memory_space<semaphore_mem>>
      %dma_start3A_74 = arith.constant 0 : i32
      %dma_start3A_75 = tpu.memref_slice %arg10[%add3A_23, %dma_start3A_74] : memref<10240x128xf32, #tpu.memory_space<vmem_shared>> -> memref<128x128xf32, #tpu.memory_space<vmem_shared>>
      %dma_start3A_76 = arith.constant 0 : i32
      %dma_start3A_77 = tpu.memref_slice %arg10[%add3A_23, %dma_start3A_76] : memref<10240x128xf32, #tpu.memory_space<vmem_shared>> -> memref<128x128xf32, #tpu.memory_space<vmem_shared>>
      tpu.enqueue_dma source(%arg8 : memref<128x128xf32, #tpu.memory_space<vmem>>) target(%dma_start3A_77 : memref<128x128xf32, #tpu.memory_space<vmem_shared>>) target_semaphore(%run_scoped3A : memref<!tpu.dma_semaphore, #tpu.memory_space<semaphore_mem>>)
      %dma_wait3A = arith.constant 0 : i32
      %dma_wait3A_78 = tpu.memref_slice %arg10[%add3A_23, %dma_wait3A] : memref<10240x128xf32, #tpu.memory_space<vmem_shared>> -> memref<128x128xf32, #tpu.memory_space<vmem_shared>>
      %dma_wait3A_79 = arith.constant 0 : i32
      %dma_wait3A_80 = tpu.memref_slice %arg10[%add3A_23, %dma_wait3A_79] : memref<10240x128xf32, #tpu.memory_space<vmem_shared>> -> memref<128x128xf32, #tpu.memory_space<vmem_shared>>
      tpu.wait_dma2 semaphore(%run_scoped3A : memref<!tpu.dma_semaphore, #tpu.memory_space<semaphore_mem>>) src(%arg8 : memref<128x128xf32, #tpu.memory_space<vmem>>) dst(%dma_wait3A_80 : memref<128x128xf32, #tpu.memory_space<vmem_shared>>)
      tpu.yield
    }) : () -> ()
    %mul3A_24 = arith.constant 640 : i32
    %mul3A_25 = arith.muli %arg1, %mul3A_24 : i32
    %add3A_26 = arith.constant 512 : i32
    %add3A_27 = arith.addi %mul3A_25, %add3A_26 : i32
    "tpu.region"() ({
      %run_scoped3A = tpu.sem_alloc : memref<!tpu.dma_semaphore, #tpu.memory_space<semaphore_mem>>
      %dma_start3A_74 = arith.constant 0 : i32
      %dma_start3A_75 = tpu.memref_slice %arg10[%add3A_27, %dma_start3A_74] : memref<10240x128xf32, #tpu.memory_space<vmem_shared>> -> memref<128x128xf32, #tpu.memory_space<vmem_shared>>
      %dma_start3A_76 = arith.constant 0 : i32
      %dma_start3A_77 = tpu.memref_slice %arg10[%add3A_27, %dma_start3A_76] : memref<10240x128xf32, #tpu.memory_space<vmem_shared>> -> memref<128x128xf32, #tpu.memory_space<vmem_shared>>
      tpu.enqueue_dma source(%arg8 : memref<128x128xf32, #tpu.memory_space<vmem>>) target(%dma_start3A_77 : memref<128x128xf32, #tpu.memory_space<vmem_shared>>) target_semaphore(%run_scoped3A : memref<!tpu.dma_semaphore, #tpu.memory_space<semaphore_mem>>)
      %dma_wait3A = arith.constant 0 : i32
      %dma_wait3A_78 = tpu.memref_slice %arg10[%add3A_27, %dma_wait3A] : memref<10240x128xf32, #tpu.memory_space<vmem_shared>> -> memref<128x128xf32, #tpu.memory_space<vmem_shared>>
      %dma_wait3A_79 = arith.constant 0 : i32
      %dma_wait3A_80 = tpu.memref_slice %arg10[%add3A_27, %dma_wait3A_79] : memref<10240x128xf32, #tpu.memory_space<vmem_shared>> -> memref<128x128xf32, #tpu.memory_space<vmem_shared>>
      tpu.wait_dma2 semaphore(%run_scoped3A : memref<!tpu.dma_semaphore, #tpu.memory_space<semaphore_mem>>) src(%arg8 : memref<128x128xf32, #tpu.memory_space<vmem>>) dst(%dma_wait3A_80 : memref<128x128xf32, #tpu.memory_space<vmem_shared>>)
      tpu.yield
    }) : () -> ()
    %barrier3A = arith.constant 0 : index
    tpu.barrier barrier_id(%barrier3A)
    "tpu.region"() ({
      %run_scoped3A = tpu.sem_alloc : memref<!tpu.dma_semaphore, #tpu.memory_space<semaphore_mem>>
      %dma_start3A_74 = arith.constant 0 : i32
      %dma_start3A_75 = arith.constant 0 : i32
      %dma_start3A_76 = tpu.memref_slice %arg3[%add3A, %dma_start3A_74, %dma_start3A_75] : memref<32x80x128xi32, #tpu.memory_space<hbm>> -> memref<1x40x128xi32, #tpu.memory_space<hbm>>
      %dma_start3A_77 = tpu.memref_squeeze %dma_start3A_76 : memref<1x40x128xi32, #tpu.memory_space<hbm>> -> memref<40x128xi32, #tpu.memory_space<hbm>>
      %dma_start3A_78 = arith.constant 0 : i32
      %dma_start3A_79 = arith.constant 0 : i32
      %dma_start3A_80 = tpu.memref_slice %arg3[%add3A, %dma_start3A_78, %dma_start3A_79] : memref<32x80x128xi32, #tpu.memory_space<hbm>> -> memref<1x40x128xi32, #tpu.memory_space<hbm>>
      %dma_start3A_81 = tpu.memref_squeeze %dma_start3A_80 : memref<1x40x128xi32, #tpu.memory_space<hbm>> -> memref<40x128xi32, #tpu.memory_space<hbm>>
      tpu.enqueue_dma source(%dma_start3A_81 : memref<40x128xi32, #tpu.memory_space<hbm>>) target(%arg6 : memref<40x128xi32, #tpu.memory_space<vmem>>) target_semaphore(%run_scoped3A : memref<!tpu.dma_semaphore, #tpu.memory_space<semaphore_mem>>)
      %dma_wait3A = arith.constant 0 : i32
      %dma_wait3A_82 = arith.constant 0 : i32
      %dma_wait3A_83 = tpu.memref_slice %arg3[%add3A, %dma_wait3A, %dma_wait3A_82] : memref<32x80x128xi32, #tpu.memory_space<hbm>> -> memref<1x40x128xi32, #tpu.memory_space<hbm>>
      %dma_wait3A_84 = tpu.memref_squeeze %dma_wait3A_83 : memref<1x40x128xi32, #tpu.memory_space<hbm>> -> memref<40x128xi32, #tpu.memory_space<hbm>>
      %dma_wait3A_85 = arith.constant 0 : i32
      %dma_wait3A_86 = arith.constant 0 : i32
      %dma_wait3A_87 = tpu.memref_slice %arg3[%add3A, %dma_wait3A_85, %dma_wait3A_86] : memref<32x80x128xi32, #tpu.memory_space<hbm>> -> memref<1x40x128xi32, #tpu.memory_space<hbm>>
      %dma_wait3A_88 = tpu.memref_squeeze %dma_wait3A_87 : memref<1x40x128xi32, #tpu.memory_space<hbm>> -> memref<40x128xi32, #tpu.memory_space<hbm>>
      tpu.wait_dma2 semaphore(%run_scoped3A : memref<!tpu.dma_semaphore, #tpu.memory_space<semaphore_mem>>) src(%dma_wait3A_88 : memref<40x128xi32, #tpu.memory_space<hbm>>) dst(%arg6 : memref<40x128xi32, #tpu.memory_space<vmem>>)
      tpu.yield
    }) : () -> ()
    "tpu.region"() ({
      %run_scoped3A = tpu.sem_alloc : memref<!tpu.dma_semaphore, #tpu.memory_space<semaphore_mem>>
      %dma_start3A_74 = arith.constant 0 : i32
      %dma_start3A_75 = arith.constant 0 : i32
      %dma_start3A_76 = tpu.memref_slice %arg4[%add3A, %dma_start3A_74, %dma_start3A_75] : memref<32x80x128xi32, #tpu.memory_space<hbm>> -> memref<1x40x128xi32, #tpu.memory_space<hbm>>
      %dma_start3A_77 = tpu.memref_squeeze %dma_start3A_76 : memref<1x40x128xi32, #tpu.memory_space<hbm>> -> memref<40x128xi32, #tpu.memory_space<hbm>>
      %dma_start3A_78 = arith.constant 0 : i32
      %dma_start3A_79 = arith.constant 0 : i32
      %dma_start3A_80 = tpu.memref_slice %arg4[%add3A, %dma_start3A_78, %dma_start3A_79] : memref<32x80x128xi32, #tpu.memory_space<hbm>> -> memref<1x40x128xi32, #tpu.memory_space<hbm>>
      %dma_start3A_81 = tpu.memref_squeeze %dma_start3A_80 : memref<1x40x128xi32, #tpu.memory_space<hbm>> -> memref<40x128xi32, #tpu.memory_space<hbm>>
      tpu.enqueue_dma source(%dma_start3A_81 : memref<40x128xi32, #tpu.memory_space<hbm>>) target(%arg7 : memref<40x128xi32, #tpu.memory_space<vmem>>) target_semaphore(%run_scoped3A : memref<!tpu.dma_semaphore, #tpu.memory_space<semaphore_mem>>)
      %dma_wait3A = arith.constant 0 : i32
      %dma_wait3A_82 = arith.constant 0 : i32
      %dma_wait3A_83 = tpu.memref_slice %arg4[%add3A, %dma_wait3A, %dma_wait3A_82] : memref<32x80x128xi32, #tpu.memory_space<hbm>> -> memref<1x40x128xi32, #tpu.memory_space<hbm>>
      %dma_wait3A_84 = tpu.memref_squeeze %dma_wait3A_83 : memref<1x40x128xi32, #tpu.memory_space<hbm>> -> memref<40x128xi32, #tpu.memory_space<hbm>>
      %dma_wait3A_85 = arith.constant 0 : i32
      %dma_wait3A_86 = arith.constant 0 : i32
      %dma_wait3A_87 = tpu.memref_slice %arg4[%add3A, %dma_wait3A_85, %dma_wait3A_86] : memref<32x80x128xi32, #tpu.memory_space<hbm>> -> memref<1x40x128xi32, #tpu.memory_space<hbm>>
      %dma_wait3A_88 = tpu.memref_squeeze %dma_wait3A_87 : memref<1x40x128xi32, #tpu.memory_space<hbm>> -> memref<40x128xi32, #tpu.memory_space<hbm>>
      tpu.wait_dma2 semaphore(%run_scoped3A : memref<!tpu.dma_semaphore, #tpu.memory_space<semaphore_mem>>) src(%dma_wait3A_88 : memref<40x128xi32, #tpu.memory_space<hbm>>) dst(%arg7 : memref<40x128xi32, #tpu.memory_space<vmem>>)
      tpu.yield
    }) : () -> ()
    %dma_start3A = arith.constant 0 : i32
    %dma_start3A_28 = arith.constant 0 : i32
    %dma_start3A_29 = tpu.memref_slice %arg6[%dma_start3A, %dma_start3A_28] : memref<40x128xi32, #tpu.memory_space<vmem>> -> memref<1x128xi32, #tpu.memory_space<vmem>>
    %dma_start3A_30 = tpu.memref_squeeze %dma_start3A_29 : memref<1x128xi32, #tpu.memory_space<vmem>> -> memref<128xi32, #tpu.memory_space<vmem>>
    %dma_start3A_31 = arith.constant 0 : i32
    %dma_start3A_32 = arith.constant 0 : i32
    %dma_start3A_33 = tpu.memref_slice %arg2[%dma_start3A_31, %dma_start3A_32] : memref<10240x128xf32, #tpu.memory_space<hbm>> -> memref<10240x128xf32, #tpu.memory_space<hbm>>
    tpu.enqueue_indirect_dma source(%dma_start3A_33 : memref<10240x128xf32, #tpu.memory_space<hbm>>) target(%arg8 : memref<128x128xf32, #tpu.memory_space<vmem>>) offsets(%dma_start3A_30 : memref<128xi32, #tpu.memory_space<vmem>>) semaphore(%arg11 : memref<!tpu.dma_semaphore, #tpu.memory_space<semaphore_mem>>)
    %dma_start3A_34 = arith.constant 1 : i32
    %dma_start3A_35 = arith.constant 0 : i32
    %dma_start3A_36 = tpu.memref_slice %arg6[%dma_start3A_34, %dma_start3A_35] : memref<40x128xi32, #tpu.memory_space<vmem>> -> memref<1x128xi32, #tpu.memory_space<vmem>>
    %dma_start3A_37 = tpu.memref_squeeze %dma_start3A_36 : memref<1x128xi32, #tpu.memory_space<vmem>> -> memref<128xi32, #tpu.memory_space<vmem>>
    %dma_start3A_38 = arith.constant 0 : i32
    %dma_start3A_39 = arith.constant 0 : i32
    %dma_start3A_40 = tpu.memref_slice %arg2[%dma_start3A_38, %dma_start3A_39] : memref<10240x128xf32, #tpu.memory_space<hbm>> -> memref<10240x128xf32, #tpu.memory_space<hbm>>
    tpu.enqueue_indirect_dma source(%dma_start3A_40 : memref<10240x128xf32, #tpu.memory_space<hbm>>) target(%arg9 : memref<128x128xf32, #tpu.memory_space<vmem>>) offsets(%dma_start3A_37 : memref<128xi32, #tpu.memory_space<vmem>>) semaphore(%arg12 : memref<!tpu.dma_semaphore, #tpu.memory_space<semaphore_mem>>)
    %scan3A_41 = arith.constant 0 : i32
    %scan3A_42 = arith.constant 0 : i32
    %scan3A_43 = arith.constant 20 : i32
    %scan3A_44 = arith.addi %scan3A_42, %scan3A_43 : i32
    %scan3A_45 = arith.constant 1 : i32
    %scan3A_46 = scf.for %scan3A_74 = %scan3A_42 to %scan3A_44 step %scan3A_45 iter_args(%scan3A_75 = %scan3A_41) -> (i32)  : i32 {
      %mul3A_76 = arith.constant 2 : i32
      %mul3A_77 = arith.muli %mul3A_76, %scan3A_74 : i32
      %dma_wait3A = arith.constant 0 : i32
      %dma_wait3A_78 = tpu.memref_slice %arg6[%mul3A_77, %dma_wait3A] : memref<40x128xi32, #tpu.memory_space<vmem>> -> memref<1x128xi32, #tpu.memory_space<vmem>>
      %dma_wait3A_79 = tpu.memref_squeeze %dma_wait3A_78 : memref<1x128xi32, #tpu.memory_space<vmem>> -> memref<128xi32, #tpu.memory_space<vmem>>
      %dma_wait3A_80 = arith.constant 0 : i32
      %dma_wait3A_81 = arith.constant 0 : i32
      %dma_wait3A_82 = tpu.memref_slice %arg2[%dma_wait3A_80, %dma_wait3A_81] : memref<10240x128xf32, #tpu.memory_space<hbm>> -> memref<10240x128xf32, #tpu.memory_space<hbm>>
      tpu.wait_indirect_dma semaphore(%arg11 : memref<!tpu.dma_semaphore, #tpu.memory_space<semaphore_mem>>) src(%dma_wait3A_82 : memref<10240x128xf32, #tpu.memory_space<hbm>>) dst(%arg8 : memref<128x128xf32, #tpu.memory_space<vmem>>)
      "tpu.region"() ({
        %run_scoped3A = tpu.sem_alloc : memref<!tpu.dma_semaphore, #tpu.memory_space<semaphore_mem>>
        %dma_start3A_101 = arith.constant 0 : i32
        %dma_start3A_102 = tpu.memref_slice %arg7[%mul3A_77, %dma_start3A_101] : memref<40x128xi32, #tpu.memory_space<vmem>> -> memref<1x128xi32, #tpu.memory_space<vmem>>
        %dma_start3A_103 = tpu.memref_squeeze %dma_start3A_102 : memref<1x128xi32, #tpu.memory_space<vmem>> -> memref<128xi32, #tpu.memory_space<vmem>>
        %dma_start3A_104 = arith.constant 0 : i32
        %dma_start3A_105 = arith.constant 0 : i32
        %dma_start3A_106 = tpu.memref_slice %arg10[%dma_start3A_104, %dma_start3A_105] : memref<10240x128xf32, #tpu.memory_space<vmem_shared>> -> memref<10240x128xf32, #tpu.memory_space<vmem_shared>>
        tpu.enqueue_indirect_dma source(%arg8 : memref<128x128xf32, #tpu.memory_space<vmem>>) target(%dma_start3A_106 : memref<10240x128xf32, #tpu.memory_space<vmem_shared>>) offsets(%dma_start3A_103 : memref<128xi32, #tpu.memory_space<vmem>>) semaphore(%run_scoped3A : memref<!tpu.dma_semaphore, #tpu.memory_space<semaphore_mem>>) {add = true}
        %dma_wait3A_107 = arith.constant 0 : i32
        %dma_wait3A_108 = tpu.memref_slice %arg7[%mul3A_77, %dma_wait3A_107] : memref<40x128xi32, #tpu.memory_space<vmem>> -> memref<1x128xi32, #tpu.memory_space<vmem>>
        %dma_wait3A_109 = tpu.memref_squeeze %dma_wait3A_108 : memref<1x128xi32, #tpu.memory_space<vmem>> -> memref<128xi32, #tpu.memory_space<vmem>>
        %dma_wait3A_110 = arith.constant 0 : i32
        %dma_wait3A_111 = arith.constant 0 : i32
        %dma_wait3A_112 = tpu.memref_slice %arg10[%dma_wait3A_110, %dma_wait3A_111] : memref<10240x128xf32, #tpu.memory_space<vmem_shared>> -> memref<10240x128xf32, #tpu.memory_space<vmem_shared>>
        tpu.wait_indirect_dma semaphore(%run_scoped3A : memref<!tpu.dma_semaphore, #tpu.memory_space<semaphore_mem>>) src(%arg8 : memref<128x128xf32, #tpu.memory_space<vmem>>) dst(%dma_wait3A_112 : memref<10240x128xf32, #tpu.memory_space<vmem_shared>>)
        tpu.yield
      }) : () -> ()
      %lt3A = arith.constant 19 : i32
      %lt3A_83 = arith.cmpi slt, %scan3A_74, %lt3A : i32
      %convert_element_type3A = arith.extui %lt3A_83 : i1 to i32
      %cond3A = arith.constant 0 : i32
      %cond3A_84 = arith.cmpi ne, %convert_element_type3A, %cond3A : i32
      scf.if %cond3A_84 {
        %add3A_101 = arith.constant 2 : i32
        %add3A_102 = arith.addi %mul3A_77, %add3A_101 : i32
        %dma_start3A_103 = arith.constant 0 : i32
        %dma_start3A_104 = tpu.memref_slice %arg6[%add3A_102, %dma_start3A_103] : memref<40x128xi32, #tpu.memory_space<vmem>> -> memref<1x128xi32, #tpu.memory_space<vmem>>
        %dma_start3A_105 = tpu.memref_squeeze %dma_start3A_104 : memref<1x128xi32, #tpu.memory_space<vmem>> -> memref<128xi32, #tpu.memory_space<vmem>>
        %dma_start3A_106 = arith.constant 0 : i32
        %dma_start3A_107 = arith.constant 0 : i32
        %dma_start3A_108 = tpu.memref_slice %arg2[%dma_start3A_106, %dma_start3A_107] : memref<10240x128xf32, #tpu.memory_space<hbm>> -> memref<10240x128xf32, #tpu.memory_space<hbm>>
        tpu.enqueue_indirect_dma source(%dma_start3A_108 : memref<10240x128xf32, #tpu.memory_space<hbm>>) target(%arg8 : memref<128x128xf32, #tpu.memory_space<vmem>>) offsets(%dma_start3A_105 : memref<128xi32, #tpu.memory_space<vmem>>) semaphore(%arg11 : memref<!tpu.dma_semaphore, #tpu.memory_space<semaphore_mem>>)
      } else {
      }
      %add3A_85 = arith.constant 1 : i32
      %add3A_86 = arith.addi %mul3A_77, %add3A_85 : i32
      %dma_wait3A_87 = arith.constant 0 : i32
      %dma_wait3A_88 = tpu.memref_slice %arg6[%add3A_86, %dma_wait3A_87] : memref<40x128xi32, #tpu.memory_space<vmem>> -> memref<1x128xi32, #tpu.memory_space<vmem>>
      %dma_wait3A_89 = tpu.memref_squeeze %dma_wait3A_88 : memref<1x128xi32, #tpu.memory_space<vmem>> -> memref<128xi32, #tpu.memory_space<vmem>>
      %dma_wait3A_90 = arith.constant 0 : i32
      %dma_wait3A_91 = arith.constant 0 : i32
      %dma_wait3A_92 = tpu.memref_slice %arg2[%dma_wait3A_90, %dma_wait3A_91] : memref<10240x128xf32, #tpu.memory_space<hbm>> -> memref<10240x128xf32, #tpu.memory_space<hbm>>
      tpu.wait_indirect_dma semaphore(%arg12 : memref<!tpu.dma_semaphore, #tpu.memory_space<semaphore_mem>>) src(%dma_wait3A_92 : memref<10240x128xf32, #tpu.memory_space<hbm>>) dst(%arg9 : memref<128x128xf32, #tpu.memory_space<vmem>>)
      %add3A_93 = arith.constant 1 : i32
      %add3A_94 = arith.addi %mul3A_77, %add3A_93 : i32
      "tpu.region"() ({
        %run_scoped3A = tpu.sem_alloc : memref<!tpu.dma_semaphore, #tpu.memory_space<semaphore_mem>>
        %dma_start3A_101 = arith.constant 0 : i32
        %dma_start3A_102 = tpu.memref_slice %arg7[%add3A_94, %dma_start3A_101] : memref<40x128xi32, #tpu.memory_space<vmem>> -> memref<1x128xi32, #tpu.memory_space<vmem>>
        %dma_start3A_103 = tpu.memref_squeeze %dma_start3A_102 : memref<1x128xi32, #tpu.memory_space<vmem>> -> memref<128xi32, #tpu.memory_space<vmem>>
        %dma_start3A_104 = arith.constant 0 : i32
        %dma_start3A_105 = arith.constant 0 : i32
        %dma_start3A_106 = tpu.memref_slice %arg10[%dma_start3A_104, %dma_start3A_105] : memref<10240x128xf32, #tpu.memory_space<vmem_shared>> -> memref<10240x128xf32, #tpu.memory_space<vmem_shared>>
        tpu.enqueue_indirect_dma source(%arg9 : memref<128x128xf32, #tpu.memory_space<vmem>>) target(%dma_start3A_106 : memref<10240x128xf32, #tpu.memory_space<vmem_shared>>) offsets(%dma_start3A_103 : memref<128xi32, #tpu.memory_space<vmem>>) semaphore(%run_scoped3A : memref<!tpu.dma_semaphore, #tpu.memory_space<semaphore_mem>>) {add = true}
        %dma_wait3A_107 = arith.constant 0 : i32
        %dma_wait3A_108 = tpu.memref_slice %arg7[%add3A_94, %dma_wait3A_107] : memref<40x128xi32, #tpu.memory_space<vmem>> -> memref<1x128xi32, #tpu.memory_space<vmem>>
        %dma_wait3A_109 = tpu.memref_squeeze %dma_wait3A_108 : memref<1x128xi32, #tpu.memory_space<vmem>> -> memref<128xi32, #tpu.memory_space<vmem>>
        %dma_wait3A_110 = arith.constant 0 : i32
        %dma_wait3A_111 = arith.constant 0 : i32
        %dma_wait3A_112 = tpu.memref_slice %arg10[%dma_wait3A_110, %dma_wait3A_111] : memref<10240x128xf32, #tpu.memory_space<vmem_shared>> -> memref<10240x128xf32, #tpu.memory_space<vmem_shared>>
        tpu.wait_indirect_dma semaphore(%run_scoped3A : memref<!tpu.dma_semaphore, #tpu.memory_space<semaphore_mem>>) src(%arg9 : memref<128x128xf32, #tpu.memory_space<vmem>>) dst(%dma_wait3A_112 : memref<10240x128xf32, #tpu.memory_space<vmem_shared>>)
        tpu.yield
      }) : () -> ()
      %lt3A_95 = arith.constant 19 : i32
      %lt3A_96 = arith.cmpi slt, %scan3A_74, %lt3A_95 : i32
      %convert_element_type3A_97 = arith.extui %lt3A_96 : i1 to i32
      %cond3A_98 = arith.constant 0 : i32
      %cond3A_99 = arith.cmpi ne, %convert_element_type3A_97, %cond3A_98 : i32
      scf.if %cond3A_99 {
        %add3A_101 = arith.constant 3 : i32
        %add3A_102 = arith.addi %mul3A_77, %add3A_101 : i32
        %dma_start3A_103 = arith.constant 0 : i32
        %dma_start3A_104 = tpu.memref_slice %arg6[%add3A_102, %dma_start3A_103] : memref<40x128xi32, #tpu.memory_space<vmem>> -> memref<1x128xi32, #tpu.memory_space<vmem>>
        %dma_start3A_105 = tpu.memref_squeeze %dma_start3A_104 : memref<1x128xi32, #tpu.memory_space<vmem>> -> memref<128xi32, #tpu.memory_space<vmem>>
        %dma_start3A_106 = arith.constant 0 : i32
        %dma_start3A_107 = arith.constant 0 : i32
        %dma_start3A_108 = tpu.memref_slice %arg2[%dma_start3A_106, %dma_start3A_107] : memref<10240x128xf32, #tpu.memory_space<hbm>> -> memref<10240x128xf32, #tpu.memory_space<hbm>>
        tpu.enqueue_indirect_dma source(%dma_start3A_108 : memref<10240x128xf32, #tpu.memory_space<hbm>>) target(%arg9 : memref<128x128xf32, #tpu.memory_space<vmem>>) offsets(%dma_start3A_105 : memref<128xi32, #tpu.memory_space<vmem>>) semaphore(%arg12 : memref<!tpu.dma_semaphore, #tpu.memory_space<semaphore_mem>>)
      } else {
      }
      %scan3A_100 = arith.constant 0 : i32
      scf.yield %scan3A_100 : i32
    }
    %scan3A_47 = arith.constant 20 : i32
    "tpu.region"() ({
      %run_scoped3A = tpu.sem_alloc : memref<!tpu.dma_semaphore, #tpu.memory_space<semaphore_mem>>
      %dma_start3A_74 = arith.constant 40 : i32
      %dma_start3A_75 = arith.constant 0 : i32
      %dma_start3A_76 = tpu.memref_slice %arg3[%add3A, %dma_start3A_74, %dma_start3A_75] : memref<32x80x128xi32, #tpu.memory_space<hbm>> -> memref<1x40x128xi32, #tpu.memory_space<hbm>>
      %dma_start3A_77 = tpu.memref_squeeze %dma_start3A_76 : memref<1x40x128xi32, #tpu.memory_space<hbm>> -> memref<40x128xi32, #tpu.memory_space<hbm>>
      %dma_start3A_78 = arith.constant 40 : i32
      %dma_start3A_79 = arith.constant 0 : i32
      %dma_start3A_80 = tpu.memref_slice %arg3[%add3A, %dma_start3A_78, %dma_start3A_79] : memref<32x80x128xi32, #tpu.memory_space<hbm>> -> memref<1x40x128xi32, #tpu.memory_space<hbm>>
      %dma_start3A_81 = tpu.memref_squeeze %dma_start3A_80 : memref<1x40x128xi32, #tpu.memory_space<hbm>> -> memref<40x128xi32, #tpu.memory_space<hbm>>
      tpu.enqueue_dma source(%dma_start3A_81 : memref<40x128xi32, #tpu.memory_space<hbm>>) target(%arg6 : memref<40x128xi32, #tpu.memory_space<vmem>>) target_semaphore(%run_scoped3A : memref<!tpu.dma_semaphore, #tpu.memory_space<semaphore_mem>>)
      %dma_wait3A = arith.constant 40 : i32
      %dma_wait3A_82 = arith.constant 0 : i32
      %dma_wait3A_83 = tpu.memref_slice %arg3[%add3A, %dma_wait3A, %dma_wait3A_82] : memref<32x80x128xi32, #tpu.memory_space<hbm>> -> memref<1x40x128xi32, #tpu.memory_space<hbm>>
      %dma_wait3A_84 = tpu.memref_squeeze %dma_wait3A_83 : memref<1x40x128xi32, #tpu.memory_space<hbm>> -> memref<40x128xi32, #tpu.memory_space<hbm>>
      %dma_wait3A_85 = arith.constant 40 : i32
      %dma_wait3A_86 = arith.constant 0 : i32
      %dma_wait3A_87 = tpu.memref_slice %arg3[%add3A, %dma_wait3A_85, %dma_wait3A_86] : memref<32x80x128xi32, #tpu.memory_space<hbm>> -> memref<1x40x128xi32, #tpu.memory_space<hbm>>
      %dma_wait3A_88 = tpu.memref_squeeze %dma_wait3A_87 : memref<1x40x128xi32, #tpu.memory_space<hbm>> -> memref<40x128xi32, #tpu.memory_space<hbm>>
      tpu.wait_dma2 semaphore(%run_scoped3A : memref<!tpu.dma_semaphore, #tpu.memory_space<semaphore_mem>>) src(%dma_wait3A_88 : memref<40x128xi32, #tpu.memory_space<hbm>>) dst(%arg6 : memref<40x128xi32, #tpu.memory_space<vmem>>)
      tpu.yield
    }) : () -> ()
    "tpu.region"() ({
      %run_scoped3A = tpu.sem_alloc : memref<!tpu.dma_semaphore, #tpu.memory_space<semaphore_mem>>
      %dma_start3A_74 = arith.constant 40 : i32
      %dma_start3A_75 = arith.constant 0 : i32
      %dma_start3A_76 = tpu.memref_slice %arg4[%add3A, %dma_start3A_74, %dma_start3A_75] : memref<32x80x128xi32, #tpu.memory_space<hbm>> -> memref<1x40x128xi32, #tpu.memory_space<hbm>>
      %dma_start3A_77 = tpu.memref_squeeze %dma_start3A_76 : memref<1x40x128xi32, #tpu.memory_space<hbm>> -> memref<40x128xi32, #tpu.memory_space<hbm>>
      %dma_start3A_78 = arith.constant 40 : i32
      %dma_start3A_79 = arith.constant 0 : i32
      %dma_start3A_80 = tpu.memref_slice %arg4[%add3A, %dma_start3A_78, %dma_start3A_79] : memref<32x80x128xi32, #tpu.memory_space<hbm>> -> memref<1x40x128xi32, #tpu.memory_space<hbm>>
      %dma_start3A_81 = tpu.memref_squeeze %dma_start3A_80 : memref<1x40x128xi32, #tpu.memory_space<hbm>> -> memref<40x128xi32, #tpu.memory_space<hbm>>
      tpu.enqueue_dma source(%dma_start3A_81 : memref<40x128xi32, #tpu.memory_space<hbm>>) target(%arg7 : memref<40x128xi32, #tpu.memory_space<vmem>>) target_semaphore(%run_scoped3A : memref<!tpu.dma_semaphore, #tpu.memory_space<semaphore_mem>>)
      %dma_wait3A = arith.constant 40 : i32
      %dma_wait3A_82 = arith.constant 0 : i32
      %dma_wait3A_83 = tpu.memref_slice %arg4[%add3A, %dma_wait3A, %dma_wait3A_82] : memref<32x80x128xi32, #tpu.memory_space<hbm>> -> memref<1x40x128xi32, #tpu.memory_space<hbm>>
      %dma_wait3A_84 = tpu.memref_squeeze %dma_wait3A_83 : memref<1x40x128xi32, #tpu.memory_space<hbm>> -> memref<40x128xi32, #tpu.memory_space<hbm>>
      %dma_wait3A_85 = arith.constant 40 : i32
      %dma_wait3A_86 = arith.constant 0 : i32
      %dma_wait3A_87 = tpu.memref_slice %arg4[%add3A, %dma_wait3A_85, %dma_wait3A_86] : memref<32x80x128xi32, #tpu.memory_space<hbm>> -> memref<1x40x128xi32, #tpu.memory_space<hbm>>
      %dma_wait3A_88 = tpu.memref_squeeze %dma_wait3A_87 : memref<1x40x128xi32, #tpu.memory_space<hbm>> -> memref<40x128xi32, #tpu.memory_space<hbm>>
      tpu.wait_dma2 semaphore(%run_scoped3A : memref<!tpu.dma_semaphore, #tpu.memory_space<semaphore_mem>>) src(%dma_wait3A_88 : memref<40x128xi32, #tpu.memory_space<hbm>>) dst(%arg7 : memref<40x128xi32, #tpu.memory_space<vmem>>)
      tpu.yield
    }) : () -> ()
    %dma_start3A_48 = arith.constant 0 : i32
    %dma_start3A_49 = arith.constant 0 : i32
    %dma_start3A_50 = tpu.memref_slice %arg6[%dma_start3A_48, %dma_start3A_49] : memref<40x128xi32, #tpu.memory_space<vmem>> -> memref<1x128xi32, #tpu.memory_space<vmem>>
    %dma_start3A_51 = tpu.memref_squeeze %dma_start3A_50 : memref<1x128xi32, #tpu.memory_space<vmem>> -> memref<128xi32, #tpu.memory_space<vmem>>
    %dma_start3A_52 = arith.constant 0 : i32
    %dma_start3A_53 = arith.constant 0 : i32
    %dma_start3A_54 = tpu.memref_slice %arg2[%dma_start3A_52, %dma_start3A_53] : memref<10240x128xf32, #tpu.memory_space<hbm>> -> memref<10240x128xf32, #tpu.memory_space<hbm>>
    tpu.enqueue_indirect_dma source(%dma_start3A_54 : memref<10240x128xf32, #tpu.memory_space<hbm>>) target(%arg8 : memref<128x128xf32, #tpu.memory_space<vmem>>) offsets(%dma_start3A_51 : memref<128xi32, #tpu.memory_space<vmem>>) semaphore(%arg11 : memref<!tpu.dma_semaphore, #tpu.memory_space<semaphore_mem>>)
    %dma_start3A_55 = arith.constant 1 : i32
    %dma_start3A_56 = arith.constant 0 : i32
    %dma_start3A_57 = tpu.memref_slice %arg6[%dma_start3A_55, %dma_start3A_56] : memref<40x128xi32, #tpu.memory_space<vmem>> -> memref<1x128xi32, #tpu.memory_space<vmem>>
    %dma_start3A_58 = tpu.memref_squeeze %dma_start3A_57 : memref<1x128xi32, #tpu.memory_space<vmem>> -> memref<128xi32, #tpu.memory_space<vmem>>
    %dma_start3A_59 = arith.constant 0 : i32
    %dma_start3A_60 = arith.constant 0 : i32
    %dma_start3A_61 = tpu.memref_slice %arg2[%dma_start3A_59, %dma_start3A_60] : memref<10240x128xf32, #tpu.memory_space<hbm>> -> memref<10240x128xf32, #tpu.memory_space<hbm>>
    tpu.enqueue_indirect_dma source(%dma_start3A_61 : memref<10240x128xf32, #tpu.memory_space<hbm>>) target(%arg9 : memref<128x128xf32, #tpu.memory_space<vmem>>) offsets(%dma_start3A_58 : memref<128xi32, #tpu.memory_space<vmem>>) semaphore(%arg12 : memref<!tpu.dma_semaphore, #tpu.memory_space<semaphore_mem>>)
    %scan3A_62 = arith.constant 0 : i32
    %scan3A_63 = arith.constant 0 : i32
    %scan3A_64 = arith.constant 20 : i32
    %scan3A_65 = arith.addi %scan3A_63, %scan3A_64 : i32
    %scan3A_66 = arith.constant 1 : i32
    %scan3A_67 = scf.for %scan3A_74 = %scan3A_63 to %scan3A_65 step %scan3A_66 iter_args(%scan3A_75 = %scan3A_62) -> (i32)  : i32 {
      %mul3A_76 = arith.constant 2 : i32
      %mul3A_77 = arith.muli %mul3A_76, %scan3A_74 : i32
      %dma_wait3A = arith.constant 0 : i32
      %dma_wait3A_78 = tpu.memref_slice %arg6[%mul3A_77, %dma_wait3A] : memref<40x128xi32, #tpu.memory_space<vmem>> -> memref<1x128xi32, #tpu.memory_space<vmem>>
      %dma_wait3A_79 = tpu.memref_squeeze %dma_wait3A_78 : memref<1x128xi32, #tpu.memory_space<vmem>> -> memref<128xi32, #tpu.memory_space<vmem>>
      %dma_wait3A_80 = arith.constant 0 : i32
      %dma_wait3A_81 = arith.constant 0 : i32
      %dma_wait3A_82 = tpu.memref_slice %arg2[%dma_wait3A_80, %dma_wait3A_81] : memref<10240x128xf32, #tpu.memory_space<hbm>> -> memref<10240x128xf32, #tpu.memory_space<hbm>>
      tpu.wait_indirect_dma semaphore(%arg11 : memref<!tpu.dma_semaphore, #tpu.memory_space<semaphore_mem>>) src(%dma_wait3A_82 : memref<10240x128xf32, #tpu.memory_space<hbm>>) dst(%arg8 : memref<128x128xf32, #tpu.memory_space<vmem>>)
      "tpu.region"() ({
        %run_scoped3A = tpu.sem_alloc : memref<!tpu.dma_semaphore, #tpu.memory_space<semaphore_mem>>
        %dma_start3A_101 = arith.constant 0 : i32
        %dma_start3A_102 = tpu.memref_slice %arg7[%mul3A_77, %dma_start3A_101] : memref<40x128xi32, #tpu.memory_space<vmem>> -> memref<1x128xi32, #tpu.memory_space<vmem>>
        %dma_start3A_103 = tpu.memref_squeeze %dma_start3A_102 : memref<1x128xi32, #tpu.memory_space<vmem>> -> memref<128xi32, #tpu.memory_space<vmem>>
        %dma_start3A_104 = arith.constant 0 : i32
        %dma_start3A_105 = arith.constant 0 : i32
        %dma_start3A_106 = tpu.memref_slice %arg10[%dma_start3A_104, %dma_start3A_105] : memref<10240x128xf32, #tpu.memory_space<vmem_shared>> -> memref<10240x128xf32, #tpu.memory_space<vmem_shared>>
        tpu.enqueue_indirect_dma source(%arg8 : memref<128x128xf32, #tpu.memory_space<vmem>>) target(%dma_start3A_106 : memref<10240x128xf32, #tpu.memory_space<vmem_shared>>) offsets(%dma_start3A_103 : memref<128xi32, #tpu.memory_space<vmem>>) semaphore(%run_scoped3A : memref<!tpu.dma_semaphore, #tpu.memory_space<semaphore_mem>>) {add = true}
        %dma_wait3A_107 = arith.constant 0 : i32
        %dma_wait3A_108 = tpu.memref_slice %arg7[%mul3A_77, %dma_wait3A_107] : memref<40x128xi32, #tpu.memory_space<vmem>> -> memref<1x128xi32, #tpu.memory_space<vmem>>
        %dma_wait3A_109 = tpu.memref_squeeze %dma_wait3A_108 : memref<1x128xi32, #tpu.memory_space<vmem>> -> memref<128xi32, #tpu.memory_space<vmem>>
        %dma_wait3A_110 = arith.constant 0 : i32
        %dma_wait3A_111 = arith.constant 0 : i32
        %dma_wait3A_112 = tpu.memref_slice %arg10[%dma_wait3A_110, %dma_wait3A_111] : memref<10240x128xf32, #tpu.memory_space<vmem_shared>> -> memref<10240x128xf32, #tpu.memory_space<vmem_shared>>
        tpu.wait_indirect_dma semaphore(%run_scoped3A : memref<!tpu.dma_semaphore, #tpu.memory_space<semaphore_mem>>) src(%arg8 : memref<128x128xf32, #tpu.memory_space<vmem>>) dst(%dma_wait3A_112 : memref<10240x128xf32, #tpu.memory_space<vmem_shared>>)
        tpu.yield
      }) : () -> ()
      %lt3A = arith.constant 19 : i32
      %lt3A_83 = arith.cmpi slt, %scan3A_74, %lt3A : i32
      %convert_element_type3A = arith.extui %lt3A_83 : i1 to i32
      %cond3A = arith.constant 0 : i32
      %cond3A_84 = arith.cmpi ne, %convert_element_type3A, %cond3A : i32
      scf.if %cond3A_84 {
        %add3A_101 = arith.constant 2 : i32
        %add3A_102 = arith.addi %mul3A_77, %add3A_101 : i32
        %dma_start3A_103 = arith.constant 0 : i32
        %dma_start3A_104 = tpu.memref_slice %arg6[%add3A_102, %dma_start3A_103] : memref<40x128xi32, #tpu.memory_space<vmem>> -> memref<1x128xi32, #tpu.memory_space<vmem>>
        %dma_start3A_105 = tpu.memref_squeeze %dma_start3A_104 : memref<1x128xi32, #tpu.memory_space<vmem>> -> memref<128xi32, #tpu.memory_space<vmem>>
        %dma_start3A_106 = arith.constant 0 : i32
        %dma_start3A_107 = arith.constant 0 : i32
        %dma_start3A_108 = tpu.memref_slice %arg2[%dma_start3A_106, %dma_start3A_107] : memref<10240x128xf32, #tpu.memory_space<hbm>> -> memref<10240x128xf32, #tpu.memory_space<hbm>>
        tpu.enqueue_indirect_dma source(%dma_start3A_108 : memref<10240x128xf32, #tpu.memory_space<hbm>>) target(%arg8 : memref<128x128xf32, #tpu.memory_space<vmem>>) offsets(%dma_start3A_105 : memref<128xi32, #tpu.memory_space<vmem>>) semaphore(%arg11 : memref<!tpu.dma_semaphore, #tpu.memory_space<semaphore_mem>>)
      } else {
      }
      %add3A_85 = arith.constant 1 : i32
      %add3A_86 = arith.addi %mul3A_77, %add3A_85 : i32
      %dma_wait3A_87 = arith.constant 0 : i32
      %dma_wait3A_88 = tpu.memref_slice %arg6[%add3A_86, %dma_wait3A_87] : memref<40x128xi32, #tpu.memory_space<vmem>> -> memref<1x128xi32, #tpu.memory_space<vmem>>
      %dma_wait3A_89 = tpu.memref_squeeze %dma_wait3A_88 : memref<1x128xi32, #tpu.memory_space<vmem>> -> memref<128xi32, #tpu.memory_space<vmem>>
      %dma_wait3A_90 = arith.constant 0 : i32
      %dma_wait3A_91 = arith.constant 0 : i32
      %dma_wait3A_92 = tpu.memref_slice %arg2[%dma_wait3A_90, %dma_wait3A_91] : memref<10240x128xf32, #tpu.memory_space<hbm>> -> memref<10240x128xf32, #tpu.memory_space<hbm>>
      tpu.wait_indirect_dma semaphore(%arg12 : memref<!tpu.dma_semaphore, #tpu.memory_space<semaphore_mem>>) src(%dma_wait3A_92 : memref<10240x128xf32, #tpu.memory_space<hbm>>) dst(%arg9 : memref<128x128xf32, #tpu.memory_space<vmem>>)
      %add3A_93 = arith.constant 1 : i32
      %add3A_94 = arith.addi %mul3A_77, %add3A_93 : i32
      "tpu.region"() ({
        %run_scoped3A = tpu.sem_alloc : memref<!tpu.dma_semaphore, #tpu.memory_space<semaphore_mem>>
        %dma_start3A_101 = arith.constant 0 : i32
        %dma_start3A_102 = tpu.memref_slice %arg7[%add3A_94, %dma_start3A_101] : memref<40x128xi32, #tpu.memory_space<vmem>> -> memref<1x128xi32, #tpu.memory_space<vmem>>
        %dma_start3A_103 = tpu.memref_squeeze %dma_start3A_102 : memref<1x128xi32, #tpu.memory_space<vmem>> -> memref<128xi32, #tpu.memory_space<vmem>>
        %dma_start3A_104 = arith.constant 0 : i32
        %dma_start3A_105 = arith.constant 0 : i32
        %dma_start3A_106 = tpu.memref_slice %arg10[%dma_start3A_104, %dma_start3A_105] : memref<10240x128xf32, #tpu.memory_space<vmem_shared>> -> memref<10240x128xf32, #tpu.memory_space<vmem_shared>>
        tpu.enqueue_indirect_dma source(%arg9 : memref<128x128xf32, #tpu.memory_space<vmem>>) target(%dma_start3A_106 : memref<10240x128xf32, #tpu.memory_space<vmem_shared>>) offsets(%dma_start3A_103 : memref<128xi32, #tpu.memory_space<vmem>>) semaphore(%run_scoped3A : memref<!tpu.dma_semaphore, #tpu.memory_space<semaphore_mem>>) {add = true}
        %dma_wait3A_107 = arith.constant 0 : i32
        %dma_wait3A_108 = tpu.memref_slice %arg7[%add3A_94, %dma_wait3A_107] : memref<40x128xi32, #tpu.memory_space<vmem>> -> memref<1x128xi32, #tpu.memory_space<vmem>>
        %dma_wait3A_109 = tpu.memref_squeeze %dma_wait3A_108 : memref<1x128xi32, #tpu.memory_space<vmem>> -> memref<128xi32, #tpu.memory_space<vmem>>
        %dma_wait3A_110 = arith.constant 0 : i32
        %dma_wait3A_111 = arith.constant 0 : i32
        %dma_wait3A_112 = tpu.memref_slice %arg10[%dma_wait3A_110, %dma_wait3A_111] : memref<10240x128xf32, #tpu.memory_space<vmem_shared>> -> memref<10240x128xf32, #tpu.memory_space<vmem_shared>>
        tpu.wait_indirect_dma semaphore(%run_scoped3A : memref<!tpu.dma_semaphore, #tpu.memory_space<semaphore_mem>>) src(%arg9 : memref<128x128xf32, #tpu.memory_space<vmem>>) dst(%dma_wait3A_112 : memref<10240x128xf32, #tpu.memory_space<vmem_shared>>)
        tpu.yield
      }) : () -> ()
      %lt3A_95 = arith.constant 19 : i32
      %lt3A_96 = arith.cmpi slt, %scan3A_74, %lt3A_95 : i32
      %convert_element_type3A_97 = arith.extui %lt3A_96 : i1 to i32
      %cond3A_98 = arith.constant 0 : i32
      %cond3A_99 = arith.cmpi ne, %convert_element_type3A_97, %cond3A_98 : i32
      scf.if %cond3A_99 {
        %add3A_101 = arith.constant 3 : i32
        %add3A_102 = arith.addi %mul3A_77, %add3A_101 : i32
        %dma_start3A_103 = arith.constant 0 : i32
        %dma_start3A_104 = tpu.memref_slice %arg6[%add3A_102, %dma_start3A_103] : memref<40x128xi32, #tpu.memory_space<vmem>> -> memref<1x128xi32, #tpu.memory_space<vmem>>
        %dma_start3A_105 = tpu.memref_squeeze %dma_start3A_104 : memref<1x128xi32, #tpu.memory_space<vmem>> -> memref<128xi32, #tpu.memory_space<vmem>>
        %dma_start3A_106 = arith.constant 0 : i32
        %dma_start3A_107 = arith.constant 0 : i32
        %dma_start3A_108 = tpu.memref_slice %arg2[%dma_start3A_106, %dma_start3A_107] : memref<10240x128xf32, #tpu.memory_space<hbm>> -> memref<10240x128xf32, #tpu.memory_space<hbm>>
        tpu.enqueue_indirect_dma source(%dma_start3A_108 : memref<10240x128xf32, #tpu.memory_space<hbm>>) target(%arg9 : memref<128x128xf32, #tpu.memory_space<vmem>>) offsets(%dma_start3A_105 : memref<128xi32, #tpu.memory_space<vmem>>) semaphore(%arg12 : memref<!tpu.dma_semaphore, #tpu.memory_space<semaphore_mem>>)
      } else {
      }
      %scan3A_100 = arith.constant 0 : i32
      scf.yield %scan3A_100 : i32
    }
    %scan3A_68 = arith.constant 20 : i32
    %barrier3A_69 = arith.constant 0 : index
    tpu.barrier barrier_id(%barrier3A_69)
    %mul3A_70 = arith.constant 640 : i32
    %mul3A_71 = arith.muli %arg1, %mul3A_70 : i32
    %mul3A_72 = arith.constant 640 : i32
    %mul3A_73 = arith.muli %arg1, %mul3A_72 : i32
    "tpu.region"() ({
      %run_scoped3A = tpu.sem_alloc : memref<!tpu.dma_semaphore, #tpu.memory_space<semaphore_mem>>
      %dma_start3A_74 = arith.constant 0 : i32
      %dma_start3A_75 = tpu.memref_slice %arg5[%arg0, %mul3A_73, %dma_start3A_74] : memref<2x10240x128xf32, #tpu.memory_space<hbm>> -> memref<1x640x128xf32, #tpu.memory_space<hbm>>
      %dma_start3A_76 = tpu.memref_squeeze %dma_start3A_75 : memref<1x640x128xf32, #tpu.memory_space<hbm>> -> memref<640x128xf32, #tpu.memory_space<hbm>>
      %dma_start3A_77 = arith.constant 0 : i32
      %dma_start3A_78 = tpu.memref_slice %arg10[%mul3A_71, %dma_start3A_77] : memref<10240x128xf32, #tpu.memory_space<vmem_shared>> -> memref<640x128xf32, #tpu.memory_space<vmem_shared>>
      tpu.enqueue_dma source(%dma_start3A_78 : memref<640x128xf32, #tpu.memory_space<vmem_shared>>) target(%dma_start3A_76 : memref<640x128xf32, #tpu.memory_space<hbm>>) target_semaphore(%run_scoped3A : memref<!tpu.dma_semaphore, #tpu.memory_space<semaphore_mem>>)
      %dma_wait3A = arith.constant 0 : i32
      %dma_wait3A_79 = tpu.memref_slice %arg5[%arg0, %mul3A_73, %dma_wait3A] : memref<2x10240x128xf32, #tpu.memory_space<hbm>> -> memref<1x640x128xf32, #tpu.memory_space<hbm>>
      %dma_wait3A_80 = tpu.memref_squeeze %dma_wait3A_79 : memref<1x640x128xf32, #tpu.memory_space<hbm>> -> memref<640x128xf32, #tpu.memory_space<hbm>>
      %dma_wait3A_81 = arith.constant 0 : i32
      %dma_wait3A_82 = tpu.memref_slice %arg10[%mul3A_71, %dma_wait3A_81] : memref<10240x128xf32, #tpu.memory_space<vmem_shared>> -> memref<640x128xf32, #tpu.memory_space<vmem_shared>>
      tpu.wait_dma2 semaphore(%run_scoped3A : memref<!tpu.dma_semaphore, #tpu.memory_space<semaphore_mem>>) src(%dma_wait3A_82 : memref<640x128xf32, #tpu.memory_space<vmem_shared>>) dst(%dma_wait3A_80 : memref<640x128xf32, #tpu.memory_space<hbm>>)
      tpu.yield
    }) : () -> ()
    return
  }
}

module attributes {stable_mosaic.version = 14 : i64} {
  func.func @_tc_mm_body(%arg0: i32, %arg1: memref<1024x128xf32, #tpu.memory_space<vmem>>, %arg2: memref<128x128xf32, #tpu.memory_space<vmem>>, %arg3: memref<1024x128xf32, #tpu.memory_space<vmem>>) attributes {dimension_semantics = [#tpu.dimension_semantics<arbitrary>], iteration_bounds = array<i64: 10>, scalar_prefetch = 0 : i64, scratch_operands = 0 : i64, tpu.core_type = #tpu.core_type<tc>, window_params = [{transform_indices = @transform_0, window_bounds = array<i64: 1024, 128>}, {pipeline_mode = #tpu.pipeline_mode<synchronous>, transform_indices = @transform_1, window_bounds = array<i64: 128, 128>}, {transform_indices = @transform_2, window_bounds = array<i64: 1024, 128>}]} {
    %get3A = arith.constant 0 : index
    %get3A_0 = arith.constant 0 : index
    %get3A_1 = vector.load %arg1[%get3A, %get3A_0] : memref<1024x128xf32, #tpu.memory_space<vmem>>, vector<1024x128xf32>
    %get3A_2 = arith.constant 0 : index
    %get3A_3 = arith.constant 0 : index
    %get3A_4 = vector.load %arg2[%get3A_2, %get3A_3] : memref<128x128xf32, #tpu.memory_space<vmem>>, vector<128x128xf32>
    %dot_general3A = arith.constant dense<0.000000e+00> : vector<1024x128xf32>
    %dot_general3A_5 = tpu.matmul %get3A_1, %get3A_4, %dot_general3A {dimension_numbers = #tpu.dot_dimension_numbers<[1], [0], [0], [1], [0, 0, 1, 1], [], []>, transpose_lhs_hint = false} : vector<1024x128xf32>, vector<128x128xf32>, vector<1024x128xf32> -> vector<1024x128xf32>
    %swap3A = arith.constant 0 : index
    %swap3A_6 = arith.constant 0 : index
    %swap3A_7 = vector.load %arg3[%swap3A, %swap3A_6] : memref<1024x128xf32, #tpu.memory_space<vmem>>, vector<1024x128xf32>
    tpu.vector_store %arg3[%swap3A, %swap3A_6], %dot_general3A_5 {strides = array<i32>} : memref<1024x128xf32, #tpu.memory_space<vmem>>, vector<1024x128xf32>,
    return
  }
  func.func @transform_0(%arg0: i32) -> (i32, i32) {
    %c0_i32 = arith.constant 0 : i32
    %c0_i32_0 = arith.constant 0 : i32
    return %arg0, %c0_i32 : i32, i32
  }
  func.func @transform_1(%arg0: i32) -> (i32, i32) {
    %c0_i32 = arith.constant 0 : i32
    %c0_i32_0 = arith.constant 0 : i32
    %c0_i32_1 = arith.constant 0 : i32
    return %c0_i32, %c0_i32_0 : i32, i32
  }
  func.func @transform_2(%arg0: i32) -> (i32, i32) {
    %c0_i32 = arith.constant 0 : i32
    %c0_i32_0 = arith.constant 0 : i32
    return %arg0, %c0_i32 : i32, i32
  }
}

module attributes {stable_mosaic.version = 14 : i64} {
  func.func @_tc_a_body(%arg0: i32, %arg1: memref<1024x128xf32, #tpu.memory_space<vmem>>, %arg2: memref<1024x128xf32, #tpu.memory_space<vmem>>, %arg3: memref<1024x128xf32, #tpu.memory_space<vmem>>, %arg4: memref<1024x128xf32, #tpu.memory_space<vmem>>, %arg5: memref<1024x1xf32, #tpu.memory_space<vmem>>) attributes {dimension_semantics = [#tpu.dimension_semantics<arbitrary>], iteration_bounds = array<i64: 10>, scalar_prefetch = 0 : i64, scratch_operands = 0 : i64, tpu.core_type = #tpu.core_type<tc>, window_params = [{transform_indices = @transform_0, window_bounds = array<i64: 1024, 128>}, {transform_indices = @transform_1, window_bounds = array<i64: 1024, 128>}, {transform_indices = @transform_2, window_bounds = array<i64: 1024, 128>}, {transform_indices = @transform_3, window_bounds = array<i64: 1024, 128>}, {transform_indices = @transform_4, window_bounds = array<i64: 1024, 1>}]} {
    %get3A = arith.constant 0 : index
    %get3A_0 = arith.constant 0 : index
    %get3A_1 = vector.load %arg2[%get3A, %get3A_0] : memref<1024x128xf32, #tpu.memory_space<vmem>>, vector<1024x1xf32>
    %add3A = arith.constant 1.000000e+00 : f32
    %add3A_2 = vector.broadcast %add3A : f32 to vector<1024x1xf32>
    %add3A_3 = arith.addf %add3A_2, %get3A_1 : vector<1024x1xf32>
    %get3A_4 = arith.constant 0 : index
    %get3A_5 = arith.constant 0 : index
    %get3A_6 = vector.load %arg3[%get3A_4, %get3A_5] : memref<1024x128xf32, #tpu.memory_space<vmem>>, vector<1024x1xf32>
    %add3A_7 = arith.addf %add3A_3, %get3A_6 : vector<1024x1xf32>
    %rsqrt3A = math.rsqrt %add3A_7 : vector<1024x1xf32>
    %get3A_8 = arith.constant 0 : index
    %get3A_9 = arith.constant 0 : index
    %get3A_10 = vector.load %arg1[%get3A_8, %get3A_9] : memref<1024x128xf32, #tpu.memory_space<vmem>>, vector<1024x128xf32>
    %mul3A = vector.broadcast %rsqrt3A : vector<1024x1xf32> to vector<1024x128xf32>
    %mul3A_11 = arith.mulf %get3A_10, %mul3A : vector<1024x128xf32>
    %swap3A = arith.constant 0 : index
    %swap3A_12 = arith.constant 0 : index
    %swap3A_13 = vector.load %arg4[%swap3A, %swap3A_12] : memref<1024x128xf32, #tpu.memory_space<vmem>>, vector<1024x128xf32>
    tpu.vector_store %arg4[%swap3A, %swap3A_12], %mul3A_11 {strides = array<i32>} : memref<1024x128xf32, #tpu.memory_space<vmem>>, vector<1024x128xf32>,
    %swap3A_14 = arith.constant 0 : index
    %swap3A_15 = arith.constant 0 : index
    %swap3A_16 = vector.load %arg5[%swap3A_14, %swap3A_15] : memref<1024x1xf32, #tpu.memory_space<vmem>>, vector<1024x1xf32>
    tpu.vector_store %arg5[%swap3A_14, %swap3A_15], %rsqrt3A {strides = array<i32>} : memref<1024x1xf32, #tpu.memory_space<vmem>>, vector<1024x1xf32>,
    return
  }
  func.func @transform_0(%arg0: i32) -> (i32, i32) {
    %c0_i32 = arith.constant 0 : i32
    %c0_i32_0 = arith.constant 0 : i32
    return %arg0, %c0_i32 : i32, i32
  }
  func.func @transform_1(%arg0: i32) -> (i32, i32) {
    %c0_i32 = arith.constant 0 : i32
    %c0_i32_0 = arith.constant 0 : i32
    return %arg0, %c0_i32 : i32, i32
  }
  func.func @transform_2(%arg0: i32) -> (i32, i32) {
    %c0_i32 = arith.constant 0 : i32
    %c0_i32_0 = arith.constant 0 : i32
    return %arg0, %c0_i32 : i32, i32
  }
  func.func @transform_3(%arg0: i32) -> (i32, i32) {
    %c0_i32 = arith.constant 0 : i32
    %c0_i32_0 = arith.constant 0 : i32
    return %arg0, %c0_i32 : i32, i32
  }
  func.func @transform_4(%arg0: i32) -> (i32, i32) {
    %c0_i32 = arith.constant 0 : i32
    %c0_i32_0 = arith.constant 0 : i32
    return %arg0, %c0_i32 : i32, i32
  }
}

module attributes {stable_mosaic.version = 14 : i64} {
  func.func @_tc_b_body(%arg0: i32, %arg1: memref<1024x128xf32, #tpu.memory_space<vmem>>, %arg2: memref<1024x128xf32, #tpu.memory_space<vmem>>, %arg3: memref<1024x128xf32, #tpu.memory_space<vmem>>, %arg4: memref<1024x1xf32, #tpu.memory_space<vmem>>, %arg5: memref<1x128xf32, #tpu.memory_space<vmem>>, %arg6: memref<128x128xf32, #tpu.memory_space<vmem>>, %arg7: memref<1024x128xf32, #tpu.memory_space<vmem>>) attributes {dimension_semantics = [#tpu.dimension_semantics<arbitrary>], iteration_bounds = array<i64: 10>, scalar_prefetch = 0 : i64, scratch_operands = 0 : i64, tpu.core_type = #tpu.core_type<tc>, window_params = [{transform_indices = @transform_0, window_bounds = array<i64: 1024, 128>}, {transform_indices = @transform_1, window_bounds = array<i64: 1024, 128>}, {transform_indices = @transform_2, window_bounds = array<i64: 1024, 128>}, {transform_indices = @transform_3, window_bounds = array<i64: 1024, 1>}, {pipeline_mode = #tpu.pipeline_mode<synchronous>, transform_indices = @transform_4, window_bounds = array<i64: 1, 128>}, {pipeline_mode = #tpu.pipeline_mode<synchronous>, transform_indices = @transform_5, window_bounds = array<i64: 128, 128>}, {transform_indices = @transform_6, window_bounds = array<i64: 1024, 128>}]} {
    %get3A = arith.constant 0 : index
    %get3A_0 = arith.constant 0 : index
    %get3A_1 = vector.load %arg1[%get3A, %get3A_0] : memref<1024x128xf32, #tpu.memory_space<vmem>>, vector<1024x128xf32>
    %get3A_2 = arith.constant 0 : index
    %get3A_3 = arith.constant 0 : index
    %get3A_4 = vector.load %arg2[%get3A_2, %get3A_3] : memref<1024x128xf32, #tpu.memory_space<vmem>>, vector<1024x128xf32>
    %add3A = arith.addf %get3A_1, %get3A_4 : vector<1024x128xf32>
    %get3A_5 = arith.constant 0 : index
    %get3A_6 = arith.constant 0 : index
    %get3A_7 = vector.load %arg3[%get3A_5, %get3A_6] : memref<1024x128xf32, #tpu.memory_space<vmem>>, vector<1024x128xf32>
    %add3A_8 = arith.addf %add3A, %get3A_7 : vector<1024x128xf32>
    %get3A_9 = arith.constant 0 : index
    %get3A_10 = arith.constant 0 : index
    %get3A_11 = vector.load %arg4[%get3A_9, %get3A_10] : memref<1024x1xf32, #tpu.memory_space<vmem>>, vector<1024x1xf32>
    %mul3A = vector.broadcast %get3A_11 : vector<1024x1xf32> to vector<1024x128xf32>
    %mul3A_12 = arith.mulf %add3A_8, %mul3A : vector<1024x128xf32>
    %get3A_13 = arith.constant 0 : index
    %get3A_14 = arith.constant 0 : index
    %get3A_15 = vector.load %arg5[%get3A_13, %get3A_14] : memref<1x128xf32, #tpu.memory_space<vmem>>, vector<1x128xf32>
    %add3A_16 = vector.broadcast %get3A_15 : vector<1x128xf32> to vector<1024x128xf32>
    %add3A_17 = arith.addf %mul3A_12, %add3A_16 : vector<1024x128xf32>
    %max3A = arith.constant 0.000000e+00 : f32
    %max3A_18 = vector.broadcast %max3A : f32 to vector<1024x128xf32>
    %max3A_19 = arith.maximumf %add3A_17, %max3A_18 : vector<1024x128xf32>
    %get3A_20 = arith.constant 0 : index
    %get3A_21 = arith.constant 0 : index
    %get3A_22 = vector.load %arg6[%get3A_20, %get3A_21] : memref<128x128xf32, #tpu.memory_space<vmem>>, vector<128x128xf32>
    %dot_general3A = arith.constant dense<0.000000e+00> : vector<1024x128xf32>
    %dot_general3A_23 = tpu.matmul %max3A_19, %get3A_22, %dot_general3A {dimension_numbers = #tpu.dot_dimension_numbers<[1], [0], [0], [1], [0, 0, 1, 1], [], []>, transpose_lhs_hint = false} : vector<1024x128xf32>, vector<128x128xf32>, vector<1024x128xf32> -> vector<1024x128xf32>
    %get3A_24 = arith.constant 0 : index
    %get3A_25 = arith.constant 0 : index
    %get3A_26 = vector.load %arg4[%get3A_24, %get3A_25] : memref<1024x1xf32, #tpu.memory_space<vmem>>, vector<1024x1xf32>
    %mul3A_27 = vector.broadcast %get3A_26 : vector<1024x1xf32> to vector<1024x128xf32>
    %mul3A_28 = arith.mulf %dot_general3A_23, %mul3A_27 : vector<1024x128xf32>
    %swap3A = arith.constant 0 : index
    %swap3A_29 = arith.constant 0 : index
    %swap3A_30 = vector.load %arg7[%swap3A, %swap3A_29] : memref<1024x128xf32, #tpu.memory_space<vmem>>, vector<1024x128xf32>
    tpu.vector_store %arg7[%swap3A, %swap3A_29], %mul3A_28 {strides = array<i32>} : memref<1024x128xf32, #tpu.memory_space<vmem>>, vector<1024x128xf32>,
    return
  }
  func.func @transform_0(%arg0: i32) -> (i32, i32) {
    %c0_i32 = arith.constant 0 : i32
    %c0_i32_0 = arith.constant 0 : i32
    return %arg0, %c0_i32 : i32, i32
  }
  func.func @transform_1(%arg0: i32) -> (i32, i32) {
    %c0_i32 = arith.constant 0 : i32
    %c0_i32_0 = arith.constant 0 : i32
    return %arg0, %c0_i32 : i32, i32
  }
  func.func @transform_2(%arg0: i32) -> (i32, i32) {
    %c0_i32 = arith.constant 0 : i32
    %c0_i32_0 = arith.constant 0 : i32
    return %arg0, %c0_i32 : i32, i32
  }
  func.func @transform_3(%arg0: i32) -> (i32, i32) {
    %c0_i32 = arith.constant 0 : i32
    %c0_i32_0 = arith.constant 0 : i32
    return %arg0, %c0_i32 : i32, i32
  }
  func.func @transform_4(%arg0: i32) -> (i32, i32) {
    %c0_i32 = arith.constant 0 : i32
    %c0_i32_0 = arith.constant 0 : i32
    %c0_i32_1 = arith.constant 0 : i32
    return %c0_i32, %c0_i32_0 : i32, i32
  }
  func.func @transform_5(%arg0: i32) -> (i32, i32) {
    %c0_i32 = arith.constant 0 : i32
    %c0_i32_0 = arith.constant 0 : i32
    %c0_i32_1 = arith.constant 0 : i32
    return %c0_i32, %c0_i32_0 : i32, i32
  }
  func.func @transform_6(%arg0: i32) -> (i32, i32) {
    %c0_i32 = arith.constant 0 : i32
    %c0_i32_0 = arith.constant 0 : i32
    return %arg0, %c0_i32 : i32, i32
  }
}

module attributes {stable_mosaic.version = 14 : i64} {
  func.func @_tc_c_body(%arg0: i32, %arg1: memref<1024x128xf32, #tpu.memory_space<vmem>>, %arg2: memref<1024x128xf32, #tpu.memory_space<vmem>>, %arg3: memref<1024x128xf32, #tpu.memory_space<vmem>>, %arg4: memref<1024x1xf32, #tpu.memory_space<vmem>>, %arg5: memref<1x64xf32, #tpu.memory_space<vmem>>, %arg6: memref<1024x64xf32, #tpu.memory_space<vmem>>) attributes {dimension_semantics = [#tpu.dimension_semantics<arbitrary>], iteration_bounds = array<i64: 10>, scalar_prefetch = 0 : i64, scratch_operands = 0 : i64, tpu.core_type = #tpu.core_type<tc>, window_params = [{transform_indices = @transform_0, window_bounds = array<i64: 1024, 128>}, {transform_indices = @transform_1, window_bounds = array<i64: 1024, 128>}, {transform_indices = @transform_2, window_bounds = array<i64: 1024, 128>}, {transform_indices = @transform_3, window_bounds = array<i64: 1024, 1>}, {pipeline_mode = #tpu.pipeline_mode<synchronous>, transform_indices = @transform_4, window_bounds = array<i64: 1, 64>}, {transform_indices = @transform_5, window_bounds = array<i64: 1024, 64>}]} {
    %get3A = arith.constant 0 : index
    %get3A_0 = arith.constant 0 : index
    %get3A_1 = vector.load %arg1[%get3A, %get3A_0] : memref<1024x128xf32, #tpu.memory_space<vmem>>, vector<1024x128xf32>
    %get3A_2 = arith.constant 0 : index
    %get3A_3 = arith.constant 0 : index
    %get3A_4 = vector.load %arg2[%get3A_2, %get3A_3] : memref<1024x128xf32, #tpu.memory_space<vmem>>, vector<1024x128xf32>
    %add3A = arith.addf %get3A_1, %get3A_4 : vector<1024x128xf32>
    %get3A_5 = arith.constant 0 : index
    %get3A_6 = arith.constant 0 : index
    %get3A_7 = vector.load %arg3[%get3A_5, %get3A_6] : memref<1024x128xf32, #tpu.memory_space<vmem>>, vector<1024x128xf32>
    %add3A_8 = arith.addf %add3A, %get3A_7 : vector<1024x128xf32>
    %slice3A = vector.extract_strided_slice %add3A_8 {offsets = [0, 0], sizes = [1024, 64], strides = [1, 1]} : vector<1024x128xf32> to vector<1024x64xf32>
    %get3A_9 = arith.constant 0 : index
    %get3A_10 = arith.constant 0 : index
    %get3A_11 = vector.load %arg4[%get3A_9, %get3A_10] : memref<1024x1xf32, #tpu.memory_space<vmem>>, vector<1024x1xf32>
    %mul3A = vector.broadcast %get3A_11 : vector<1024x1xf32> to vector<1024x64xf32>
    %mul3A_12 = arith.mulf %slice3A, %mul3A : vector<1024x64xf32>
    %get3A_13 = arith.constant 0 : index
    %get3A_14 = arith.constant 0 : index
    %get3A_15 = vector.load %arg5[%get3A_13, %get3A_14] : memref<1x64xf32, #tpu.memory_space<vmem>>, vector<1x64xf32>
    %add3A_16 = vector.broadcast %get3A_15 : vector<1x64xf32> to vector<1024x64xf32>
    %add3A_17 = arith.addf %mul3A_12, %add3A_16 : vector<1024x64xf32>
    %reduce_max3A = arith.constant dense<0xFF800000> : vector<1024xf32>
    %reduce_max3A_18 = vector.multi_reduction <maximumf>, %add3A_17, %reduce_max3A [1] : vector<1024x64xf32> to vector<1024xf32>
    %broadcast_in_dim3A = vector.shape_cast %reduce_max3A_18 : vector<1024xf32> to vector<1024x1xf32>
    %sub3A = vector.broadcast %broadcast_in_dim3A : vector<1024x1xf32> to vector<1024x64xf32>
    %sub3A_19 = arith.subf %add3A_17, %sub3A : vector<1024x64xf32>
    %exp3A = math.exp %sub3A_19 : vector<1024x64xf32>
    %reduce_sum3A = arith.constant dense<0.000000e+00> : vector<1024xf32>
    %reduce_sum3A_20 = vector.multi_reduction <add>, %exp3A, %reduce_sum3A [1] : vector<1024x64xf32> to vector<1024xf32>
    %broadcast_in_dim3A_21 = vector.shape_cast %reduce_sum3A_20 : vector<1024xf32> to vector<1024x1xf32>
    %log3A = math.log %broadcast_in_dim3A_21 : vector<1024x1xf32>
    %sub3A_22 = vector.broadcast %log3A : vector<1024x1xf32> to vector<1024x64xf32>
    %sub3A_23 = arith.subf %sub3A_19, %sub3A_22 : vector<1024x64xf32>
    %swap3A = arith.constant 0 : index
    %swap3A_24 = arith.constant 0 : index
    %swap3A_25 = vector.load %arg6[%swap3A, %swap3A_24] : memref<1024x64xf32, #tpu.memory_space<vmem>>, vector<1024x64xf32>
    tpu.vector_store %arg6[%swap3A, %swap3A_24], %sub3A_23 {strides = array<i32>} : memref<1024x64xf32, #tpu.memory_space<vmem>>, vector<1024x64xf32>,
    return
  }
  func.func @transform_0(%arg0: i32) -> (i32, i32) {
    %c0_i32 = arith.constant 0 : i32
    %c0_i32_0 = arith.constant 0 : i32
    return %arg0, %c0_i32 : i32, i32
  }
  func.func @transform_1(%arg0: i32) -> (i32, i32) {
    %c0_i32 = arith.constant 0 : i32
    %c0_i32_0 = arith.constant 0 : i32
    return %arg0, %c0_i32 : i32, i32
  }
  func.func @transform_2(%arg0: i32) -> (i32, i32) {
    %c0_i32 = arith.constant 0 : i32
    %c0_i32_0 = arith.constant 0 : i32
    return %arg0, %c0_i32 : i32, i32
  }
  func.func @transform_3(%arg0: i32) -> (i32, i32) {
    %c0_i32 = arith.constant 0 : i32
    %c0_i32_0 = arith.constant 0 : i32
    return %arg0, %c0_i32 : i32, i32
  }
  func.func @transform_4(%arg0: i32) -> (i32, i32) {
    %c0_i32 = arith.constant 0 : i32
    %c0_i32_0 = arith.constant 0 : i32
    %c0_i32_1 = arith.constant 0 : i32
    return %c0_i32, %c0_i32_0 : i32, i32
  }
  func.func @transform_5(%arg0: i32) -> (i32, i32) {
    %c0_i32 = arith.constant 0 : i32
    %c0_i32_0 = arith.constant 0 : i32
    return %arg0, %c0_i32 : i32, i32
  }
}

</mosaic_0001>

<sc_bundles>
// kernel: kernel.12.cloned.1.call-start
scs
__scs_entry_jumppad:
0x0: {  	(pc) =	sbr.rel $0x88, $3  }
0x1: {  	(tag) =	ssettag $0x0;
	lr =	simm.s32 $0x1  }
0x2: {  	[smem:$0x3F9B] =	sst lr;
	_ =	strace $0xD0000000  }
0x3: {  	_ = 	snop  }
0x4: {  	_ = 	snop  }
0x5: {  	_ = 	snop  }
0x6: {  	_ = 	snop  }
0x7: {  	_ = 	snop  }
__scs_overlays_trampoline_lowered:
0x8: {  	[smem:$0x3FAA] =	sst s0  }
0x9: {  	[smem:$0x3FAB] =	sst s1  }
0xa: {  	[smem:$0x3FAC] =	sst s2  }
0xb: {  	[smem:$0x3FAD] =	sst s3  }
0xc: {  	[smem:$0x3FAE] =	sst s4  }
0xd: {  	[smem:$0x3FAF] =	sst s5  }
0xe: {  	[smem:$0x3FB0] =	sst s6  }
0xf: {  	[smem:$0x3FB1] =	sst s7  }
0x10: {  	[smem:$0x3FB2] =	sst s8  }
0x11: {  	[smem:$0x3FB3] =	sst s9;
	s0 =	simm.s32 @!p0 $0x0  }
0x12: {  	s1 =	sld [smem:$0x3F99];
	s0 =	simm.s32 @p0 $0x1  }
0x13: {  	[smem:$0x3FB4] =	sst s0;
	s0 =	simm.s32 @!p1 $0x0  }
0x14: {  	s2 =	sld [smem:$0x3F98];
	s0 =	simm.s32 @p1 $0x1  }
0x15: {  	[smem:$0x3FB5] =	sst s0;
	s0 =	simm.s32 @!p2 $0x0  }
0x16: {  	s3 =	sld [smem:$0x3FDB];
	s0 =	simm.s32 @p2 $0x1  }
0x17: {  	s4 =	simm.s32 $0x1BF5;
	[smem:$0x3FB7] =	sst s0  }
0x18: {  	s0 =	sld [smem:$0x3F9A];
	_ =	swait.ge [sflag:s4], $0x0  }
0x19: {  	s7 =	sld [smem:$0x3F9B]  }
0x1a: {  	s8 =	sadd.s32 $0xFFFFE003, lr  }
0x1b: {  	s9 =	sadd.s32 $0xFFFFFEF7, lr;
	s5 =	simm.s32 $0xFFFFFFFF;
	p2 =	slt.u32 s8, $0xFFFFF086  }
0x1c: {  	p1 =	slt.u32 s9, $0xF7A;
	s5 =	simm.s32 @!p2 $0x0  }
0x1d: {  	s5 =	simm.s32 @p1 $0x1;
	p0 =	seq.s32 s7, s2  }
0x1e: {  	s7 =	smul.u32 @!p0 $0xF7A, s2;
	p2 =	seq.s32 @!p0 s5, $0x0  }
0x1f: {  	s9 =	smul.u32 $0xF7A, s1;
	s8 =	simm.s32 @!p0 $0x1BF5;
	p2 =	por !p2, p0  }
0x20: {  	[sflag:s8] =	ssyncset.s32 @!p0 $0xFFFFF086;
	s6 =	sadd.s32 @!p0 s3, s7;
	s7 =	simm.s32 @!p0 $0x108  }
0x21: {  	s3 =	sadd.s32 s3, s9;
	s6 =	sadd.s32 @!p0 $0x88, s6;
	s7 =	simm.s32 @p2 $0x1082  }
0x22: {  	[simem:s7], [sflag:s8] =	dma.local @!p0 [hbm:s6], $0xF7A  }
0x23: {  	s9 =	sor.u32 $0xD0000000, s2;
	s6 =	simm.s32 $0x108;
	_ =	swait.ge @!p0 [sflag:s8], $0x0  }
0x24: {  	s3 =	sadd.s32 $0x88, s3;
	s6 =	simm.s32 @!p1 $0x1082;
	[sflag:s4] =	ssyncset.s32 $0xFFFFF086  }
0x25: {  	[simem:s6], [sflag:s4] =	dma.local [hbm:s3], $0xF7A  }
0x26: {  	[smem:$0x3F9B] =	sst s1;
	(tag) =	ssettag s2;
	_ =	strace s9  }
0x27: {  	s1 =	sld [smem:$0x3FAB]  }
0x28: {  	s2 =	sld [smem:$0x3FAC]  }
0x29: {  	s4 =	sld [smem:$0x3FAE]  }
0x2a: {  	p0 =	seq.s32 s5, $0x0;
	s5 =	sld [smem:$0x3FAF]  }
0x2b: {  	s6 =	sld [smem:$0x3FB0]  }
0x2c: {  	s7 =	sld [smem:$0x3FB1]  }
0x2d: {  	s3 =	simm.s32 $0x108;
	s8 =	sld [smem:$0x3FB2]  }
0x2e: {  	s3 =	simm.s32 @!p0 $0x1082;
	s9 =	sld [smem:$0x3FB3]  }
0x2f: {  	lr =	sadd.s32 s0, s3;
	s0 =	sld [smem:$0x3FAA]  }
0x30: {  	s3 =	sld [smem:$0x3FAD]  }
0x31: {  	[smem:$0x3FB6] =	sst s10  }
0x32: {  	s10 =	sld [smem:$0x3FB4];
	_ =	sdelay $0x3  }
0x33: {  	p0 =	seq.s32 s10, $0x1;
	s10 =	sld [smem:$0x3FB6];
	_ =	sdelay $0x3  }
0x34: {  	[smem:$0x3FB6] =	sst s10  }
0x35: {  	s10 =	sld [smem:$0x3FB5];
	_ =	sdelay $0x3  }
0x36: {  	p1 =	seq.s32 s10, $0x1;
	s10 =	sld [smem:$0x3FB6];
	_ =	sdelay $0x3  }
0x37: {  	[smem:$0x3FB6] =	sst s10  }
0x38: {  	s10 =	sld [smem:$0x3FB7]  }
0x39: {  	_ = 	snop;
	(pc) =	sbr.ind lr, $3  }
0x3a: {  	_ = 	snop  }
0x3b: {  	_ = 	snop  }
0x3c: {  	p2 =	seq.s32 s10, $0x1;
	s10 =	sld [smem:$0x3FB6]  }
0x3d: {  	_ =	shalt  }
0x3e: {  	_ =	shalt  }
0x3f: {  	_ =	shalt  }
0x40: {  	_ =	shalt  }
0x41: {  	_ =	shalt  }
0x42: {  	_ =	shalt  }
0x43: {  	_ =	shalt  }
0x44: {  	_ =	shalt  }
0x45: {  	_ =	shalt  }
0x46: {  	_ =	shalt  }
0x47: {  	_ =	shalt  }
0x48: {  	_ =	shalt  }
0x49: {  	_ =	shalt  }
0x4a: {  	_ =	shalt  }
0x4b: {  	_ =	shalt  }
0x4c: {  	_ =	shalt  }
0x4d: {  	_ =	shalt  }
0x4e: {  	_ =	shalt  }
0x4f: {  	_ =	shalt  }
0x50: {  	_ =	shalt  }
0x51: {  	_ =	shalt  }
0x52: {  	_ =	shalt  }
0x53: {  	_ =	shalt  }
0x54: {  	_ =	shalt  }
0x55: {  	_ =	shalt  }
0x56: {  	_ =	shalt  }
0x57: {  	_ =	shalt  }
0x58: {  	_ =	shalt  }
0x59: {  	_ =	shalt  }
0x5a: {  	_ =	shalt  }
0x5b: {  	_ =	shalt  }
0x5c: {  	_ =	shalt  }
0x5d: {  	_ =	shalt  }
0x5e: {  	_ =	shalt  }
0x5f: {  	_ =	shalt  }
0x60: {  	_ =	shalt  }
0x61: {  	_ =	shalt  }
0x62: {  	_ =	shalt  }
0x63: {  	_ =	shalt  }
0x64: {  	_ =	shalt  }
0x65: {  	_ =	shalt  }
0x66: {  	_ =	shalt  }
0x67: {  	_ =	shalt  }
0x68: {  	_ =	shalt  }
0x69: {  	_ =	shalt  }
0x6a: {  	_ =	shalt  }
0x6b: {  	_ =	shalt  }
0x6c: {  	_ =	shalt  }
0x6d: {  	_ =	shalt  }
0x6e: {  	_ =	shalt  }
0x6f: {  	_ =	shalt  }
0x70: {  	_ =	shalt  }
0x71: {  	_ =	shalt  }
0x72: {  	_ =	shalt  }
0x73: {  	_ =	shalt  }
0x74: {  	_ =	shalt  }
0x75: {  	_ =	shalt  }
0x76: {  	_ =	shalt  }
0x77: {  	_ =	shalt  }
0x78: {  	_ =	shalt  }
0x79: {  	_ =	shalt  }
0x7a: {  	_ =	shalt  }
0x7b: {  	_ =	shalt  }
0x7c: {  	_ =	shalt  }
0x7d: {  	_ =	shalt  }
0x7e: {  	_ =	shalt  }
0x7f: {  	_ =	shalt  }
0x80: {  	_ =	shalt  }
0x81: {  	_ =	shalt  }
0x82: {  	_ =	shalt  }
0x83: {  	_ =	shalt  }
0x84: {  	_ =	shalt  }
0x85: {  	_ =	shalt  }
0x86: {  	_ =	shalt  }
0x87: {  	_ =	shalt  }
.Lfunc_end0:
.L_simem_size_0:
called_computation.1_lowered:
.L_overlay_start_0:
0x88: {  	s2 =	sld [smem:$0x3FD9]  }
0x89: {  	s3 =	sld [smem:$0x3FFE];
	_ =	sdelay $0x1  }
0x8a: {  	s1 =	srdreg.scid  }
0x8b: {  	s0 =	sand.u32 $0x1, s1  }
0x8c: {  	s17 =	sshll.u32 s0, $0xA;
	s2 =	sadd.s32 s3, s2  }
0x8d: {  	s2 =	sadd.s32 s2, s17  }
0x8e: {  	[smem:$0x3FC2] =	sst s2  }
0x8f: {  	_ = 	snop  }
0x90: {  	s2 =	sld [smem:$0x3FD0];
	(tm) =	ssettm $0x1  }
0x91: {  	s18 =	sld [smem:$0x3FFB];
	_ =	sdelay $0x3  }
0x92: {  	_ =	strace s18  }
0x93: {  	s3 =	sld [smem:$0x3FFC];
	_ =	sdelay $0x3  }
0x94: {  	_ =	strace s3  }
0x95: {  	s3 =	sld [smem:$0x3FFD];
	_ =	sdelay $0x3  }
0x96: {  	_ =	strace s3  }
0x97: {  	_ =	strace $0x8FFFFFFF  }
0x98: {  	s19 =	sld [smem:$0x3FDB];
	_ =	sdelay $0x1  }
0x99: {  	s4 =	simm.s32 $_scs_section_size  }
0x9a: {  	s5 =	simm.s32 $_size__tile_overlayer_lowered;
	s6 =	simm.s32 $_tile_overlayer_lowered  }
0x9b: {  	s22 =	simm.s32 $0x1BFF;
	s21 =	sshll.u32 s6, $0x1;
	s3 =	sadd.s32 s4, s19  }
0x9c: {  	s7 =	simm.s32 $0x0;
	s20 =	sshll.u32 s5, $0x1;
	s5 =	sadd.s32 s21, s3  }
0x9d: {  	[timem:s7], [sflag:s22] =	dma.local [hbm:s5], s20  }
0x9e: {  	_ =	swait.ge [sflag:s22], s20  }
0x9f: {  	s4 =	ssub.s32 $0x0, s20;
	[sflag:s22] =	ssyncset.done $0x0  }
0xa0: {  	[sflag:s22] =	ssyncadd.s32 s4;
	_ =	sdelay $0x1  }
0xa1: {  	s23 =	simm.s32 $0x1B8B  }
0xa2: {  	_ =	swait.ge [sflag:s23], $0x1  }
0xa3: {  	[sflag:s23] =	ssyncset.done $0x0  }
0xa4: {  	s25 =	simm.s32 $0x1B8E;
	s24 =	sld [smem:$0x3FFE];
	[sflag:s23] =	ssyncadd.s32 $0xFFFFFFFF  }
0xa5: {  	s26 =	simm.s32 $execute0_lowered;
	[smem:$0x3FD2] =	sst s25  }
0xa6: {  	s5 =	sshll.u32 s26, $0x1;
	_ =	strace $0x80000049;
	[dreg:$0x1] =	wrdreg $0xFFFFFFFF  }
0xa7: {  	s28 =	simm.s32 $_size_execute0_lowered;
	s3 =	sadd.s32 s3, s5;
	[dreg:$0x0] =	wrdreg $0x0  }
0xa8: {  	s5 =	sshll.u32 s28, $0x1;
	[dreg:$0x2] =	wrdreg s3  }
0xa9: {  	[dreg:$0x3] =	wrdreg s5  }
0xaa: {  	[dreg:$0x4] =	wrdreg $0xC0  }
0xab: {  	_ =	task [dreg:s7], $0x5FFFF  }
0xac: {  	[dreg:$0x1] =	wrdreg $0xFFFFFFFF  }
0xad: {  	[dreg:$0x0] =	wrdreg $0x60  }
0xae: {  	[dreg:$0x2] =	wrdreg s24  }
0xaf: {  	[dreg:$0x3] =	wrdreg s2  }
0xb0: {  	[dreg:$0x4] =	wrdreg $0xA8000  }
0xb1: {  	[dreg:$0x5] =	wrdreg $0x9  }
0xb2: {  	_ =	task.clear_ibuf [dreg:s7], $0x6FFFF;
	_ =	strace $0x90000049  }
0xb3: {  	s29 =	simm.s32 $0x9;
	_ =	strace $0x8000004B  }
0xb4: {  	_ =	swait.ge [sflag:s29], $0x1  }
0xb5: {  	[sflag:s29] =	ssyncadd.s32 $0xFFFFFFFF  }
0xb6: {  	_ =	strace $0x9000004B  }
0xb7: {  	_ =	sfence  }
0xb8: {  	s30 =	sld [smem:$0x0];
	_ =	sdelay $0x2  }
0xb9: {  	s31 =	sshll.u32 s1, $0xD;
	s1 =	sshrl.u32 s1, $0x2  }
0xba: {  	s3 =	sand.u32 $0x4000, s31;
	s1 =	sadd.s32 s1, s30  }
0xbb: {  	s0 =	sor.u32 s3, s0;
	s1 =	sshll.u32 s1, $0x11  }
0xbc: {  	s0 =	sor.u32 s1, s0  }
0xbd: {  	s0 =	sadd.s32 $0x8F2B, s0  }
0xbe: {  	[sflag:s0] =	ssyncadd.remote.s32 $0x1  }
0xbf: {  	_ =	sfence.sel $0xFFFF  }
0xc0: {  	[dreg:$0x0] =	wrdreg $0xFFFFFFFF;
	(pc) =	sbr.abs _section_cstart, $3  }
0xc1: {  	[dreg:$0x1] =	wrdreg $0xFFFFFFFF  }
0xc2: {  	_ =	task.clear_ibuf [dreg:s7], $0x2FFFF;
	_ =	strace $0x9FFFFFFF  }
0xc3: {  	(tm) =	ssettm $0x7FFFFFFF  }
tec
execute0_lowered:
.L_overlay_start_1:
0x0: {  	(tag) =	ssettag $0x1  }
0x1: {  	s5 =	rddreg [dreg:$0x0]  }
0x2: {  	s12 =	rddreg [dreg:$0x1]  }
0x3: {  	s1 =	rddreg [dreg:$0x2]  }
0x4: {  	s2 =	srdreg.scid;
	s0 =	rddreg [dreg:$0x3]  }
0x5: {  	s3 =	simm.s32 $0x0;
	s17 =	simm.s32 $0x3;
	s18 =	simm.s32 $0x1400  }
0x6: {  	s19 =	simm.s32 $0x80;
	s20 =	simm.s32 $0x6800;
	s21 =	simm.s32 $0x1  }
0x7: {  	s22 =	simm.s32 $0x2;
	s23 =	simm.s32 $0x2700;
	s6 =	sand.u32 $0x1, s2  }
0x8: {  	s24 =	simm.s32 $0x2780;
	s2 =	stileid.u32;
	s7 =	smul.u32 $0x140000, s6  }
0x9: {  	[smem:$0x7FF] =	sst s3;
	s4 =	sadd.s32 $0xC800, s5;
	s8 =	smul.u32 $0x14000, s2  }
0xa: {  	s13 =	sadd.s32 $0x2800, s5;
	s30 =	sshll.u32 s2, $0x1;
	s9 =	smul.u32 $0x50000, s2  }
0xb: {  	_ =	strace $0x8000004A;
	s10 =	ssub.s32 $0x2, s6;
	s6 =	sor.u32 s6, s30  }
0xc: {  	s31 =	sshrl.u32 s10, $0x1;
	s7 =	sadd.s32 s8, s7;
	s9 =	sshrl.u32 s9, $0x2  }
0xd: {  	s11 =	smul.u32 $0x2800, s6;
	s15 =	ssub.s32 s10, s31;
	s7 =	sshrl.u32 s7, $0x3  }
0xe: {  	s15 =	smax.u32 s15, $0x1;
	s14 =	sadd.s32 s7, s5;
	s5 =	sadd.s32 s9, s1  }
0xf: {  	s11 =	sshrl.u32 s11, $0x3;
	s6 =	sadd.s32 $0x4000, s5;
	s7 =	sadd.s32 $0x8000, s5  }
0x10: {  	s8 =	sadd.s32 $0xC000, s5;
	s9 =	sadd.s32 $0x10000, s5;
	s16 =	sadd.s32 $0x280, s11  }
0x11: {  	s10 =	sadd.s32 s12, s11;
	s11 =	sadd.s32 s13, s11;
	s14 =	sadd.s32 $0x5C800, s14  }
0x12: {  	v0 =	vimm.f32 $0.0e+00;
	s12 =	sadd.s32 s12, s16;
	s13 =	sadd.s32 s13, s16;
	s16 =	simm.s32 $0x2800  }
.LBB2_1:
0x13: {  	s25 =	simm.s32 $0x0;
	s26 =	simm.s32 $0x200  }
.LBB2_2:
0x14: {  	p0 =	sne.s32 s26, $0xFE00;
	[tilespmem:s25+$0x2870] =	vst v0  }
0x15: {  	[tilespmem:s25+$0x2800] =	vst v0  }
0x16: {  	[tilespmem:s25+$0x2810] =	vst v0  }
.Ltmp0:
0x17: {  	[tilespmem:s25+$0x2820] =	vst v0;
	(pc) =	sbr.rel @p0 .LBB2_2-.Ltmp0, $4  }
0x18: {  	[tilespmem:s25+$0x2830] =	vst v0  }
0x19: {  	[tilespmem:s25+$0x2840] =	vst v0  }
0x1a: {  	[tilespmem:s25+$0x2850] =	vst v0  }
0x1b: {  	[tilespmem:s25+$0x2860] =	vst v0;
	s25 =	sshra.s32 s26, $0x2;
	s26 =	sadd.s32 $0x200, s26  }
0x1c: {  	[tilespmem:s25+$0x2870] =	vst v0  }
0x1d: {  	[tilespmem:s25+$0x2800] =	vst v0  }
0x1e: {  	[tilespmem:s25+$0x2810] =	vst v0  }
0x1f: {  	[tilespmem:s25+$0x2820] =	vst v0  }
0x20: {  	[tilespmem:s25+$0x2830] =	vst v0  }
0x21: {  	[tilespmem:s25+$0x2840] =	vst v0  }
0x22: {  	[tilespmem:s25+$0x2850] =	vst v0  }
0x23: {  	[tilespmem:s25+$0x2860] =	vst v0  }
0x24: {  	[spmem:s5] =	stream.linear.scatter [tilespmem:s16], [sflag:$0x3], $0x4000, $0x38;
	[tilespmem:$0x1E800] =	vst v63  }
0x25: {  	_ =	swait.ge [sflag:s17], $0x4000  }
0x26: {  	[sflag:s17] =	ssyncset.done $0x0  }
0x27: {  	[sflag:s17] =	ssyncadd.s32 $0xFFFFC000  }
0x28: {  	[spmem:s6] =	stream.linear.scatter [tilespmem:s16], [sflag:$0x3], $0x4000, $0x38;
	[tilespmem:$0x1E800] =	vst v63  }
0x29: {  	_ =	swait.ge [sflag:s17], $0x4000  }
0x2a: {  	[sflag:s17] =	ssyncset.done $0x0  }
0x2b: {  	[sflag:s17] =	ssyncadd.s32 $0xFFFFC000  }
0x2c: {  	[spmem:s7] =	stream.linear.scatter [tilespmem:s16], [sflag:$0x3], $0x4000, $0x38;
	[tilespmem:$0x1E800] =	vst v63  }
0x2d: {  	_ =	swait.ge [sflag:s17], $0x4000  }
0x2e: {  	[sflag:s17] =	ssyncset.done $0x0  }
0x2f: {  	[sflag:s17] =	ssyncadd.s32 $0xFFFFC000  }
0x30: {  	[spmem:s8] =	stream.linear.scatter [tilespmem:s16], [sflag:$0x3], $0x4000, $0x38;
	[tilespmem:$0x1E800] =	vst v63  }
0x31: {  	_ =	swait.ge [sflag:s17], $0x4000  }
0x32: {  	[sflag:s17] =	ssyncset.done $0x0  }
0x33: {  	[sflag:s17] =	ssyncadd.s32 $0xFFFFC000  }
0x34: {  	[spmem:s9] =	stream.linear.scatter [tilespmem:s16], [sflag:$0x3], $0x4000, $0x38;
	[tilespmem:$0x1E800] =	vst v63  }
0x35: {  	_ =	swait.ge [sflag:s17], $0x4000  }
0x36: {  	[sflag:s17] =	ssyncset.done $0x0  }
0x37: {  	[sflag:s17] =	ssyncadd.s32 $0xFFFFC000  }
0x38: {  	s28 =	simm.s32 $0x0;
	[bflag:$0x0] =	sbarrier.arrive $0xFFFF  }
0x39: {  	[tilespmem:s28], [sflag:$0x3] =	stream.linear.gather [hbm4b:s10+s28], $0x1400, $0x38;
	[tilespmem:$0x1E800] =	vst v63  }
0x3a: {  	_ =	swait.ge [sflag:s17], $0x1400  }
0x3b: {  	[sflag:s17] =	ssyncset.done $0x0  }
0x3c: {  	[sflag:s17] =	ssyncadd.s32 $0xFFFFEC00  }
0x3d: {  	[tilespmem:s18], [sflag:$0x3] =	stream.linear.gather [hbm4b:s11+s28], $0x1400, $0x38;
	[tilespmem:$0x1E800] =	vst v63  }
0x3e: {  	_ =	swait.ge [sflag:s17], $0x1400  }
0x3f: {  	[sflag:s17] =	ssyncset.done $0x0  }
0x40: {  	[sflag:s17] =	ssyncadd.s32 $0xFFFFEC00  }
0x41: {  	[tilespmem:s16], [sflag:$0x1] =	stream.indirect.gather [hbm4b:s4+s19], $0x80, s28, s19, $0xb8;
	[tilespmem:$0x1E800] =	vst v63  }
0x42: {  	_ = 	snop  }
0x43: {  	[tilespmem:s20], [sflag:$0x2] =	stream.indirect.gather [hbm4b:s4+s19], $0x80, s19, s19, $0xb8;
	[tilespmem:$0x1E800] =	vst v63  }
0x44: {  	_ =	swait.ge [sflag:s21], $0x4000  }
0x45: {  	[sflag:s21] =	ssyncset.done $0x0  }
0x46: {  	s29 =	simm.s32 $0x1400;
	[sflag:s21] =	ssyncadd.s32 $0xFFFFC000  }
0x47: {  	[spmem:s1] =	stream.indirect.scatter.add.f32 [tilespmem:s16], [sflag:$0x3], $0x80, s29, s19, $0xb8;
	[tilespmem:$0x1E800] =	vst v63  }
0x48: {  	_ =	swait.ge [sflag:s17], $0x4000  }
0x49: {  	[sflag:s17] =	ssyncset.done $0x0  }
0x4a: {  	s30 =	simm.s32 $0x100;
	[sflag:s17] =	ssyncadd.s32 $0xFFFFC000  }
0x4b: {  	[tilespmem:s16], [sflag:$0x1] =	stream.indirect.gather [hbm4b:s4+s19], $0x80, s30, s19, $0xb8;
	[tilespmem:$0x1E800] =	vst v63  }
0x4c: {  	_ =	swait.ge [sflag:s22], $0x4000  }
0x4d: {  	[sflag:s22] =	ssyncset.done $0x0  }
0x4e: {  	s31 =	simm.s32 $0x1480;
	[sflag:s22] =	ssyncadd.s32 $0xFFFFC000  }
0x4f: {  	[spmem:s1] =	stream.indirect.scatter.add.f32 [tilespmem:s20], [sflag:$0x3], $0x80, s31, s19, $0xb8;
	[tilespmem:$0x1E800] =	vst v63  }
0x50: {  	_ =	swait.ge [sflag:s17], $0x4000  }
0x51: {  	[sflag:s17] =	ssyncset.done $0x0  }
0x52: {  	s25 =	simm.s32 $0x400;
	s26 =	simm.s32 $0x180;
	[sflag:s17] =	ssyncadd.s32 $0xFFFFC000  }
.LBB2_4:
0x53: {  	[tilespmem:s20], [sflag:$0x2] =	stream.indirect.gather [hbm4b:s4+s19], $0x80, s26, s19, $0xb8;
	[tilespmem:$0x1E800] =	vst v63  }
0x54: {  	s26 =	smov.u32 s25  }
0x55: {  	p0 =	sne.s32 s25, $0x4800;
	s25 =	sadd.s32 $0x400, s25;
	_ =	swait.ge [sflag:s21], $0x4000  }
0x56: {  	s26 =	sshra.s32 s26, $0x2;
	[sflag:s21] =	ssyncset.done $0x0  }
0x57: {  	s28 =	sadd.s32 $0x1400, s26;
	[sflag:s21] =	ssyncadd.s32 $0xFFFFC000  }
0x58: {  	[spmem:s1] =	stream.indirect.scatter.add.f32 [tilespmem:s16], [sflag:$0x3], $0x80, s28, s19, $0xb8;
	[tilespmem:$0x1E800] =	vst v63  }
0x59: {  	_ =	swait.ge [sflag:s17], $0x4000  }
0x5a: {  	[sflag:s17] =	ssyncset.done $0x0  }
0x5b: {  	s28 =	sadd.s32 $0x100, s26;
	[sflag:s17] =	ssyncadd.s32 $0xFFFFC000  }
0x5c: {  	[tilespmem:s16], [sflag:$0x1] =	stream.indirect.gather [hbm4b:s4+s19], $0x80, s28, s19, $0xb8;
	[tilespmem:$0x1E800] =	vst v63  }
0x5d: {  	_ =	swait.ge [sflag:s22], $0x4000  }
0x5e: {  	[sflag:s22] =	ssyncset.done $0x0  }
.Ltmp1:
0x5f: {  	s28 =	sadd.s32 $0x1480, s26;
	[sflag:s22] =	ssyncadd.s32 $0xFFFFC000;
	(pc) =	sbr.rel @p0 .LBB2_4-.Ltmp1, $4  }
0x60: {  	[spmem:s1] =	stream.indirect.scatter.add.f32 [tilespmem:s20], [sflag:$0x3], $0x80, s28, s19, $0xb8;
	[tilespmem:$0x1E800] =	vst v63  }
0x61: {  	_ =	swait.ge [sflag:s17], $0x4000  }
0x62: {  	[sflag:s17] =	ssyncset.done $0x0  }
0x63: {  	s26 =	sadd.s32 $0x180, s26;
	[sflag:s17] =	ssyncadd.s32 $0xFFFFC000  }
0x64: {  	[tilespmem:s20], [sflag:$0x2] =	stream.indirect.gather [hbm4b:s4+s19], $0x80, s26, s19, $0xb8;
	[tilespmem:$0x1E800] =	vst v63  }
0x65: {  	_ =	swait.ge [sflag:s21], $0x4000  }
0x66: {  	[sflag:s21] =	ssyncset.done $0x0  }
0x67: {  	[sflag:s21] =	ssyncadd.s32 $0xFFFFC000  }
0x68: {  	[spmem:s1] =	stream.indirect.scatter.add.f32 [tilespmem:s16], [sflag:$0x3], $0x80, s23, s19, $0xb8;
	[tilespmem:$0x1E800] =	vst v63  }
0x69: {  	_ =	swait.ge [sflag:s17], $0x4000  }
0x6a: {  	[sflag:s17] =	ssyncset.done $0x0  }
0x6b: {  	[sflag:s17] =	ssyncadd.s32 $0xFFFFC000  }
0x6c: {  	_ =	swait.ge [sflag:s22], $0x4000  }
0x6d: {  	[sflag:s22] =	ssyncset.done $0x0  }
0x6e: {  	[sflag:s22] =	ssyncadd.s32 $0xFFFFC000  }
0x6f: {  	[spmem:s1] =	stream.indirect.scatter.add.f32 [tilespmem:s20], [sflag:$0x3], $0x80, s24, s19, $0xb8;
	[tilespmem:$0x1E800] =	vst v63  }
0x70: {  	_ =	swait.ge [sflag:s17], $0x4000  }
0x71: {  	[sflag:s17] =	ssyncset.done $0x0  }
0x72: {  	s25 =	simm.s32 $0x0;
	[sflag:s17] =	ssyncadd.s32 $0xFFFFC000  }
0x73: {  	[tilespmem:s25], [sflag:$0x3] =	stream.linear.gather [hbm4b:s12+s25], $0x1400, $0x38;
	[tilespmem:$0x1E800] =	vst v63  }
0x74: {  	_ =	swait.ge [sflag:s17], $0x1400  }
0x75: {  	[sflag:s17] =	ssyncset.done $0x0  }
0x76: {  	[sflag:s17] =	ssyncadd.s32 $0xFFFFEC00  }
0x77: {  	[tilespmem:s18], [sflag:$0x3] =	stream.linear.gather [hbm4b:s13+s25], $0x1400, $0x38;
	[tilespmem:$0x1E800] =	vst v63  }
0x78: {  	_ =	swait.ge [sflag:s17], $0x1400  }
0x79: {  	[sflag:s17] =	ssyncset.done $0x0  }
0x7a: {  	[sflag:s17] =	ssyncadd.s32 $0xFFFFEC00  }
0x7b: {  	[tilespmem:s16], [sflag:$0x1] =	stream.indirect.gather [hbm4b:s4+s19], $0x80, s25, s19, $0xb8;
	[tilespmem:$0x1E800] =	vst v63  }
0x7c: {  	_ = 	snop  }
0x7d: {  	[tilespmem:s20], [sflag:$0x2] =	stream.indirect.gather [hbm4b:s4+s19], $0x80, s19, s19, $0xb8;
	[tilespmem:$0x1E800] =	vst v63  }
0x7e: {  	_ =	swait.ge [sflag:s21], $0x4000  }
0x7f: {  	[sflag:s21] =	ssyncset.done $0x0  }
0x80: {  	s29 =	simm.s32 $0x1400;
	[sflag:s21] =	ssyncadd.s32 $0xFFFFC000  }
0x81: {  	[spmem:s1] =	stream.indirect.scatter.add.f32 [tilespmem:s16], [sflag:$0x3], $0x80, s29, s19, $0xb8;
	[tilespmem:$0x1E800] =	vst v63  }
0x82: {  	_ =	swait.ge [sflag:s17], $0x4000  }
0x83: {  	[sflag:s17] =	ssyncset.done $0x0  }
0x84: {  	s30 =	simm.s32 $0x100;
	[sflag:s17] =	ssyncadd.s32 $0xFFFFC000  }
0x85: {  	[tilespmem:s16], [sflag:$0x1] =	stream.indirect.gather [hbm4b:s4+s19], $0x80, s30, s19, $0xb8;
	[tilespmem:$0x1E800] =	vst v63  }
0x86: {  	_ =	swait.ge [sflag:s22], $0x4000  }
0x87: {  	[sflag:s22] =	ssyncset.done $0x0  }
0x88: {  	s31 =	simm.s32 $0x1480;
	[sflag:s22] =	ssyncadd.s32 $0xFFFFC000  }
0x89: {  	[spmem:s1] =	stream.indirect.scatter.add.f32 [tilespmem:s20], [sflag:$0x3], $0x80, s31, s19, $0xb8;
	[tilespmem:$0x1E800] =	vst v63  }
0x8a: {  	_ =	swait.ge [sflag:s17], $0x4000  }
0x8b: {  	[sflag:s17] =	ssyncset.done $0x0  }
0x8c: {  	s26 =	simm.s32 $0x180;
	s25 =	simm.s32 $0x400;
	[sflag:s17] =	ssyncadd.s32 $0xFFFFC000  }
.LBB2_6:
0x8d: {  	[tilespmem:s20], [sflag:$0x2] =	stream.indirect.gather [hbm4b:s4+s19], $0x80, s26, s19, $0xb8;
	[tilespmem:$0x1E800] =	vst v63  }
0x8e: {  	s26 =	smov.u32 s25  }
0x8f: {  	p0 =	sne.s32 s25, $0x4800;
	s25 =	sadd.s32 $0x400, s25;
	_ =	swait.ge [sflag:s21], $0x4000  }
0x90: {  	s26 =	sshra.s32 s26, $0x2;
	[sflag:s21] =	ssyncset.done $0x0  }
0x91: {  	s28 =	sadd.s32 $0x1400, s26;
	[sflag:s21] =	ssyncadd.s32 $0xFFFFC000  }
0x92: {  	[spmem:s1] =	stream.indirect.scatter.add.f32 [tilespmem:s16], [sflag:$0x3], $0x80, s28, s19, $0xb8;
	[tilespmem:$0x1E800] =	vst v63  }
0x93: {  	_ =	swait.ge [sflag:s17], $0x4000  }
0x94: {  	[sflag:s17] =	ssyncset.done $0x0  }
0x95: {  	s28 =	sadd.s32 $0x100, s26;
	[sflag:s17] =	ssyncadd.s32 $0xFFFFC000  }
0x96: {  	[tilespmem:s16], [sflag:$0x1] =	stream.indirect.gather [hbm4b:s4+s19], $0x80, s28, s19, $0xb8;
	[tilespmem:$0x1E800] =	vst v63  }
0x97: {  	_ =	swait.ge [sflag:s22], $0x4000  }
0x98: {  	[sflag:s22] =	ssyncset.done $0x0  }
.Ltmp2:
0x99: {  	s28 =	sadd.s32 $0x1480, s26;
	[sflag:s22] =	ssyncadd.s32 $0xFFFFC000;
	(pc) =	sbr.rel @p0 .LBB2_6-.Ltmp2, $4  }
0x9a: {  	[spmem:s1] =	stream.indirect.scatter.add.f32 [tilespmem:s20], [sflag:$0x3], $0x80, s28, s19, $0xb8;
	[tilespmem:$0x1E800] =	vst v63  }
0x9b: {  	_ =	swait.ge [sflag:s17], $0x4000  }
0x9c: {  	[sflag:s17] =	ssyncset.done $0x0  }
0x9d: {  	s26 =	sadd.s32 $0x180, s26;
	[sflag:s17] =	ssyncadd.s32 $0xFFFFC000  }
0x9e: {  	[tilespmem:s20], [sflag:$0x2] =	stream.indirect.gather [hbm4b:s4+s19], $0x80, s26, s19, $0xb8;
	[tilespmem:$0x1E800] =	vst v63  }
0x9f: {  	_ =	swait.ge [sflag:s21], $0x4000  }
0xa0: {  	[sflag:s21] =	ssyncset.done $0x0  }
0xa1: {  	[sflag:s21] =	ssyncadd.s32 $0xFFFFC000  }
0xa2: {  	[spmem:s1] =	stream.indirect.scatter.add.f32 [tilespmem:s16], [sflag:$0x3], $0x80, s23, s19, $0xb8;
	[tilespmem:$0x1E800] =	vst v63  }
0xa3: {  	_ =	swait.ge [sflag:s17], $0x4000  }
0xa4: {  	[sflag:s17] =	ssyncset.done $0x0  }
0xa5: {  	[sflag:s17] =	ssyncadd.s32 $0xFFFFC000  }
0xa6: {  	_ =	swait.ge [sflag:s22], $0x4000  }
0xa7: {  	[sflag:s22] =	ssyncset.done $0x0  }
0xa8: {  	[sflag:s22] =	ssyncadd.s32 $0xFFFFC000  }
0xa9: {  	[spmem:s1] =	stream.indirect.scatter.add.f32 [tilespmem:s20], [sflag:$0x3], $0x80, s24, s19, $0xb8;
	[tilespmem:$0x1E800] =	vst v63  }
0xaa: {  	_ =	swait.ge [sflag:s17], $0x4000  }
0xab: {  	s25 =	sshll.u32 s2, $0x6;
	s3 =	sadd.s32 $0x1, s3;
	[sflag:s17] =	ssyncset.done $0x0  }
0xac: {  	s31 =	sshrl.u32 s5, $0x3;
	p0 =	sne.s32 s3, s15;
	[sflag:s17] =	ssyncadd.s32 $0xFFFFC000  }
.Ltmp3:
0xad: {  	s25 =	sor.u32 $0x1C03, s25;
	[bflag:$0x0] =	sbarrier.arrive $0xFFFF;
	(pc) =	sbr.rel @p0 .LBB2_1-.Ltmp3, $4  }
0xae: {  	[hbm:s14], [sflag:s25] =	dma.local [spmem:s31], $0x2800  }
0xaf: {  	_ =	swait.ge [sflag:s17], $0x2800  }
0xb0: {  	[sflag:s17] =	ssyncset.done $0x0  }
0xb1: {  	[sflag:s17] =	ssyncadd.s32 $0xFFFFD800  }
0xb2: {  	_ =	sfence.sel $0x180000  }
0xb3: {  	[bflag:$0x0] =	sbarrier.arrive $0xFFFF  }
0xb4: {  	p0 =	sne.s32 s2, $0x0;
	_ =	strace $0x9000004A  }
0xb5: {  	s0 =	sadd.s32 @!p0 $0x100000, s0;
	[bflag:$0x2] =	sbarrier.arrive $0xFFFF  }
0xb6: {  	[sflag:s0] =	ssyncadd.tile.s32 @!p0 $0x1;
	_ =	shalt  }
.Lfunc_end2:
_tile_overlayer_lowered:
.L_overlay_start_2:
0xb7: {  	(tag) =	ssettag $0x2  }
0xb8: {  	s0 =	rddreg [dreg:$0x0];
	s2 =	stileid.u32  }
0xb9: {  	s1 =	rddreg [dreg:$0x1];
	p0 =	sne.s32 s2, $0x0  }
0xba: {  	s3 =	rddreg [dreg:$0x2];
	[bflag:$0x3] =	sbarrier.arrive $0xFFFF;
	s2 =	simm.s32 @!p0 $0x1C03  }
0xbb: {  	[timem:s3], [sflag:s2] =	dma.local @!p0 [hbm:s0], s1  }
0xbc: {  	s0 =	simm.s32 @!p0 $0x3  }
0xbd: {  	_ =	swait.ge @!p0 [sflag:s0], s1  }
0xbe: {  	s1 =	ssub.s32 @!p0 $0x0, s1;
	[sflag:s0] =	ssyncset.done @!p0 $0x0  }
0xbf: {  	[sflag:s0] =	ssyncadd.s32 @!p0 s1  }
0xc0: {  	[bflag:$0x3] =	sbarrier.arrive $0xFFFF  }
0xc1: {  	_ =	shalt  }

// kernel: kernel.15.cloned.1.call-start
scs
__scs_entry_jumppad:
0x0: {  	(pc) =	sbr.rel $0x88, $3  }
0x1: {  	(tag) =	ssettag $0x0;
	lr =	simm.s32 $0x1  }
0x2: {  	[smem:$0x3F9B] =	sst lr;
	_ =	strace $0xD0000000  }
0x3: {  	_ = 	snop  }
0x4: {  	_ = 	snop  }
0x5: {  	_ = 	snop  }
0x6: {  	_ = 	snop  }
0x7: {  	_ = 	snop  }
__scs_overlays_trampoline_lowered:
0x8: {  	[smem:$0x3FAA] =	sst s0  }
0x9: {  	[smem:$0x3FAB] =	sst s1  }
0xa: {  	[smem:$0x3FAC] =	sst s2  }
0xb: {  	[smem:$0x3FAD] =	sst s3  }
0xc: {  	[smem:$0x3FAE] =	sst s4  }
0xd: {  	[smem:$0x3FAF] =	sst s5  }
0xe: {  	[smem:$0x3FB0] =	sst s6  }
0xf: {  	[smem:$0x3FB1] =	sst s7  }
0x10: {  	[smem:$0x3FB2] =	sst s8  }
0x11: {  	[smem:$0x3FB3] =	sst s9;
	s0 =	simm.s32 @!p0 $0x0  }
0x12: {  	s1 =	sld [smem:$0x3F99];
	s0 =	simm.s32 @p0 $0x1  }
0x13: {  	[smem:$0x3FB4] =	sst s0;
	s0 =	simm.s32 @!p1 $0x0  }
0x14: {  	s2 =	sld [smem:$0x3F98];
	s0 =	simm.s32 @p1 $0x1  }
0x15: {  	[smem:$0x3FB5] =	sst s0;
	s0 =	simm.s32 @!p2 $0x0  }
0x16: {  	s3 =	sld [smem:$0x3FDB];
	s0 =	simm.s32 @p2 $0x1  }
0x17: {  	s4 =	simm.s32 $0x1BF5;
	[smem:$0x3FB7] =	sst s0  }
0x18: {  	s0 =	sld [smem:$0x3F9A];
	_ =	swait.ge [sflag:s4], $0x0  }
0x19: {  	s7 =	sld [smem:$0x3F9B]  }
0x1a: {  	s8 =	sadd.s32 $0xFFFFE003, lr  }
0x1b: {  	s9 =	sadd.s32 $0xFFFFFEF7, lr;
	s5 =	simm.s32 $0xFFFFFFFF;
	p2 =	slt.u32 s8, $0xFFFFF086  }
0x1c: {  	p1 =	slt.u32 s9, $0xF7A;
	s5 =	simm.s32 @!p2 $0x0  }
0x1d: {  	s5 =	simm.s32 @p1 $0x1;
	p0 =	seq.s32 s7, s2  }
0x1e: {  	s7 =	smul.u32 @!p0 $0xF7A, s2;
	p2 =	seq.s32 @!p0 s5, $0x0  }
0x1f: {  	s9 =	smul.u32 $0xF7A, s1;
	s8 =	simm.s32 @!p0 $0x1BF5;
	p2 =	por !p2, p0  }
0x20: {  	[sflag:s8] =	ssyncset.s32 @!p0 $0xFFFFF086;
	s6 =	sadd.s32 @!p0 s3, s7;
	s7 =	simm.s32 @!p0 $0x108  }
0x21: {  	s3 =	sadd.s32 s3, s9;
	s6 =	sadd.s32 @!p0 $0x88, s6;
	s7 =	simm.s32 @p2 $0x1082  }
0x22: {  	[simem:s7], [sflag:s8] =	dma.local @!p0 [hbm:s6], $0xF7A  }
0x23: {  	s9 =	sor.u32 $0xD0000000, s2;
	s6 =	simm.s32 $0x108;
	_ =	swait.ge @!p0 [sflag:s8], $0x0  }
0x24: {  	s3 =	sadd.s32 $0x88, s3;
	s6 =	simm.s32 @!p1 $0x1082;
	[sflag:s4] =	ssyncset.s32 $0xFFFFF086  }
0x25: {  	[simem:s6], [sflag:s4] =	dma.local [hbm:s3], $0xF7A  }
0x26: {  	[smem:$0x3F9B] =	sst s1;
	(tag) =	ssettag s2;
	_ =	strace s9  }
0x27: {  	s1 =	sld [smem:$0x3FAB]  }
0x28: {  	s2 =	sld [smem:$0x3FAC]  }
0x29: {  	s4 =	sld [smem:$0x3FAE]  }
0x2a: {  	p0 =	seq.s32 s5, $0x0;
	s5 =	sld [smem:$0x3FAF]  }
0x2b: {  	s6 =	sld [smem:$0x3FB0]  }
0x2c: {  	s7 =	sld [smem:$0x3FB1]  }
0x2d: {  	s3 =	simm.s32 $0x108;
	s8 =	sld [smem:$0x3FB2]  }
0x2e: {  	s3 =	simm.s32 @!p0 $0x1082;
	s9 =	sld [smem:$0x3FB3]  }
0x2f: {  	lr =	sadd.s32 s0, s3;
	s0 =	sld [smem:$0x3FAA]  }
0x30: {  	s3 =	sld [smem:$0x3FAD]  }
0x31: {  	[smem:$0x3FB6] =	sst s10  }
0x32: {  	s10 =	sld [smem:$0x3FB4];
	_ =	sdelay $0x3  }
0x33: {  	p0 =	seq.s32 s10, $0x1;
	s10 =	sld [smem:$0x3FB6];
	_ =	sdelay $0x3  }
0x34: {  	[smem:$0x3FB6] =	sst s10  }
0x35: {  	s10 =	sld [smem:$0x3FB5];
	_ =	sdelay $0x3  }
0x36: {  	p1 =	seq.s32 s10, $0x1;
	s10 =	sld [smem:$0x3FB6];
	_ =	sdelay $0x3  }
0x37: {  	[smem:$0x3FB6] =	sst s10  }
0x38: {  	s10 =	sld [smem:$0x3FB7]  }
0x39: {  	_ = 	snop;
	(pc) =	sbr.ind lr, $3  }
0x3a: {  	_ = 	snop  }
0x3b: {  	_ = 	snop  }
0x3c: {  	p2 =	seq.s32 s10, $0x1;
	s10 =	sld [smem:$0x3FB6]  }
0x3d: {  	_ =	shalt  }
0x3e: {  	_ =	shalt  }
0x3f: {  	_ =	shalt  }
0x40: {  	_ =	shalt  }
0x41: {  	_ =	shalt  }
0x42: {  	_ =	shalt  }
0x43: {  	_ =	shalt  }
0x44: {  	_ =	shalt  }
0x45: {  	_ =	shalt  }
0x46: {  	_ =	shalt  }
0x47: {  	_ =	shalt  }
0x48: {  	_ =	shalt  }
0x49: {  	_ =	shalt  }
0x4a: {  	_ =	shalt  }
0x4b: {  	_ =	shalt  }
0x4c: {  	_ =	shalt  }
0x4d: {  	_ =	shalt  }
0x4e: {  	_ =	shalt  }
0x4f: {  	_ =	shalt  }
0x50: {  	_ =	shalt  }
0x51: {  	_ =	shalt  }
0x52: {  	_ =	shalt  }
0x53: {  	_ =	shalt  }
0x54: {  	_ =	shalt  }
0x55: {  	_ =	shalt  }
0x56: {  	_ =	shalt  }
0x57: {  	_ =	shalt  }
0x58: {  	_ =	shalt  }
0x59: {  	_ =	shalt  }
0x5a: {  	_ =	shalt  }
0x5b: {  	_ =	shalt  }
0x5c: {  	_ =	shalt  }
0x5d: {  	_ =	shalt  }
0x5e: {  	_ =	shalt  }
0x5f: {  	_ =	shalt  }
0x60: {  	_ =	shalt  }
0x61: {  	_ =	shalt  }
0x62: {  	_ =	shalt  }
0x63: {  	_ =	shalt  }
0x64: {  	_ =	shalt  }
0x65: {  	_ =	shalt  }
0x66: {  	_ =	shalt  }
0x67: {  	_ =	shalt  }
0x68: {  	_ =	shalt  }
0x69: {  	_ =	shalt  }
0x6a: {  	_ =	shalt  }
0x6b: {  	_ =	shalt  }
0x6c: {  	_ =	shalt  }
0x6d: {  	_ =	shalt  }
0x6e: {  	_ =	shalt  }
0x6f: {  	_ =	shalt  }
0x70: {  	_ =	shalt  }
0x71: {  	_ =	shalt  }
0x72: {  	_ =	shalt  }
0x73: {  	_ =	shalt  }
0x74: {  	_ =	shalt  }
0x75: {  	_ =	shalt  }
0x76: {  	_ =	shalt  }
0x77: {  	_ =	shalt  }
0x78: {  	_ =	shalt  }
0x79: {  	_ =	shalt  }
0x7a: {  	_ =	shalt  }
0x7b: {  	_ =	shalt  }
0x7c: {  	_ =	shalt  }
0x7d: {  	_ =	shalt  }
0x7e: {  	_ =	shalt  }
0x7f: {  	_ =	shalt  }
0x80: {  	_ =	shalt  }
0x81: {  	_ =	shalt  }
0x82: {  	_ =	shalt  }
0x83: {  	_ =	shalt  }
0x84: {  	_ =	shalt  }
0x85: {  	_ =	shalt  }
0x86: {  	_ =	shalt  }
0x87: {  	_ =	shalt  }
.Lfunc_end0:
.L_simem_size_0:
called_computation.2_lowered:
.L_overlay_start_0:
0x88: {  	s2 =	sld [smem:$0x3FD9]  }
0x89: {  	s3 =	sld [smem:$0x3FFE];
	_ =	sdelay $0x1  }
0x8a: {  	s1 =	srdreg.scid  }
0x8b: {  	s0 =	sand.u32 $0x1, s1  }
0x8c: {  	s17 =	sshll.u32 s0, $0xA;
	s2 =	sadd.s32 s3, s2  }
0x8d: {  	s2 =	sadd.s32 s2, s17  }
0x8e: {  	[smem:$0x3FC2] =	sst s2  }
0x8f: {  	_ = 	snop  }
0x90: {  	s2 =	sld [smem:$0x3FD0];
	(tm) =	ssettm $0x1  }
0x91: {  	s18 =	sld [smem:$0x3FFB];
	_ =	sdelay $0x3  }
0x92: {  	_ =	strace s18  }
0x93: {  	s3 =	sld [smem:$0x3FFC];
	_ =	sdelay $0x3  }
0x94: {  	_ =	strace s3  }
0x95: {  	s3 =	sld [smem:$0x3FFD];
	_ =	sdelay $0x3  }
0x96: {  	_ =	strace s3  }
0x97: {  	_ =	strace $0x8FFFFFFF  }
0x98: {  	s19 =	sld [smem:$0x3FDB];
	_ =	sdelay $0x1  }
0x99: {  	s4 =	simm.s32 $_scs_section_size  }
0x9a: {  	s5 =	simm.s32 $_size__tile_overlayer_lowered;
	s6 =	simm.s32 $_tile_overlayer_lowered  }
0x9b: {  	s22 =	simm.s32 $0x1BFF;
	s21 =	sshll.u32 s6, $0x1;
	s3 =	sadd.s32 s4, s19  }
0x9c: {  	s7 =	simm.s32 $0x0;
	s20 =	sshll.u32 s5, $0x1;
	s5 =	sadd.s32 s21, s3  }
0x9d: {  	[timem:s7], [sflag:s22] =	dma.local [hbm:s5], s20  }
0x9e: {  	_ =	swait.ge [sflag:s22], s20  }
0x9f: {  	s4 =	ssub.s32 $0x0, s20;
	[sflag:s22] =	ssyncset.done $0x0  }
0xa0: {  	[sflag:s22] =	ssyncadd.s32 s4;
	_ =	sdelay $0x1  }
0xa1: {  	s23 =	simm.s32 $0x1B8B  }
0xa2: {  	_ =	swait.ge [sflag:s23], $0x1  }
0xa3: {  	[sflag:s23] =	ssyncset.done $0x0  }
0xa4: {  	s25 =	simm.s32 $0x1B8E;
	s24 =	sld [smem:$0x3FFE];
	[sflag:s23] =	ssyncadd.s32 $0xFFFFFFFF  }
0xa5: {  	s26 =	simm.s32 $execute0_lowered;
	[smem:$0x3FD2] =	sst s25  }
0xa6: {  	s5 =	sshll.u32 s26, $0x1;
	_ =	strace $0x8000004C;
	[dreg:$0x1] =	wrdreg $0xFFFFFFFF  }
0xa7: {  	s28 =	simm.s32 $_size_execute0_lowered;
	s3 =	sadd.s32 s3, s5;
	[dreg:$0x0] =	wrdreg $0x0  }
0xa8: {  	s5 =	sshll.u32 s28, $0x1;
	[dreg:$0x2] =	wrdreg s3  }
0xa9: {  	[dreg:$0x3] =	wrdreg s5  }
0xaa: {  	[dreg:$0x4] =	wrdreg $0xC0  }
0xab: {  	_ =	task [dreg:s7], $0x5FFFF  }
0xac: {  	[dreg:$0x1] =	wrdreg $0xFFFFFFFF  }
0xad: {  	[dreg:$0x0] =	wrdreg $0x60  }
0xae: {  	[dreg:$0x2] =	wrdreg s24  }
0xaf: {  	[dreg:$0x3] =	wrdreg s2  }
0xb0: {  	[dreg:$0x4] =	wrdreg $0xA8000  }
0xb1: {  	[dreg:$0x5] =	wrdreg $0x9  }
0xb2: {  	_ =	task.clear_ibuf [dreg:s7], $0x6FFFF;
	_ =	strace $0x9000004C  }
0xb3: {  	s29 =	simm.s32 $0x9;
	_ =	strace $0x8000004E  }
0xb4: {  	_ =	swait.ge [sflag:s29], $0x1  }
0xb5: {  	[sflag:s29] =	ssyncadd.s32 $0xFFFFFFFF  }
0xb6: {  	_ =	strace $0x9000004E  }
0xb7: {  	_ =	sfence  }
0xb8: {  	s30 =	sld [smem:$0x0];
	_ =	sdelay $0x2  }
0xb9: {  	s31 =	sshll.u32 s1, $0xD;
	s1 =	sshrl.u32 s1, $0x2  }
0xba: {  	s3 =	sand.u32 $0x4000, s31;
	s1 =	sadd.s32 s1, s30  }
0xbb: {  	s0 =	sor.u32 s3, s0;
	s1 =	sshll.u32 s1, $0x11  }
0xbc: {  	s0 =	sor.u32 s1, s0  }
0xbd: {  	s0 =	sadd.s32 $0x8F2B, s0  }
0xbe: {  	[sflag:s0] =	ssyncadd.remote.s32 $0x1  }
0xbf: {  	_ =	sfence.sel $0xFFFF  }
0xc0: {  	[dreg:$0x0] =	wrdreg $0xFFFFFFFF;
	(pc) =	sbr.abs _section_cstart, $3  }
0xc1: {  	[dreg:$0x1] =	wrdreg $0xFFFFFFFF  }
0xc2: {  	_ =	task.clear_ibuf [dreg:s7], $0x2FFFF;
	_ =	strace $0x9FFFFFFF  }
0xc3: {  	(tm) =	ssettm $0x7FFFFFFF  }
tec
execute0_lowered:
.L_overlay_start_1:
0x0: {  	(tag) =	ssettag $0x1  }
0x1: {  	s5 =	rddreg [dreg:$0x0]  }
0x2: {  	s12 =	rddreg [dreg:$0x1]  }
0x3: {  	s1 =	rddreg [dreg:$0x2]  }
0x4: {  	s2 =	srdreg.scid;
	s0 =	rddreg [dreg:$0x3]  }
0x5: {  	s3 =	simm.s32 $0x0;
	s17 =	simm.s32 $0x3;
	s18 =	simm.s32 $0x1400  }
0x6: {  	s19 =	simm.s32 $0x80;
	s20 =	simm.s32 $0x6800;
	s21 =	simm.s32 $0x1  }
0x7: {  	s22 =	simm.s32 $0x2;
	s23 =	simm.s32 $0x2700;
	s6 =	sand.u32 $0x1, s2  }
0x8: {  	s24 =	simm.s32 $0x2780;
	s2 =	stileid.u32;
	s7 =	smul.u32 $0x140000, s6  }
0x9: {  	[smem:$0x7FF] =	sst s3;
	s4 =	sadd.s32 $0xC800, s5;
	s8 =	smul.u32 $0x14000, s2  }
0xa: {  	s13 =	sadd.s32 $0x2800, s5;
	s30 =	sshll.u32 s2, $0x1;
	s9 =	smul.u32 $0x50000, s2  }
0xb: {  	_ =	strace $0x8000004D;
	s10 =	ssub.s32 $0x2, s6;
	s6 =	sor.u32 s6, s30  }
0xc: {  	s31 =	sshrl.u32 s10, $0x1;
	s7 =	sadd.s32 s8, s7;
	s9 =	sshrl.u32 s9, $0x2  }
0xd: {  	s11 =	smul.u32 $0x2800, s6;
	s15 =	ssub.s32 s10, s31;
	s7 =	sshrl.u32 s7, $0x3  }
0xe: {  	s15 =	smax.u32 s15, $0x1;
	s14 =	sadd.s32 s7, s5;
	s5 =	sadd.s32 s9, s1  }
0xf: {  	s11 =	sshrl.u32 s11, $0x3;
	s6 =	sadd.s32 $0x4000, s5;
	s7 =	sadd.s32 $0x8000, s5  }
0x10: {  	s8 =	sadd.s32 $0xC000, s5;
	s9 =	sadd.s32 $0x10000, s5;
	s16 =	sadd.s32 $0x280, s11  }
0x11: {  	s10 =	sadd.s32 s12, s11;
	s11 =	sadd.s32 s13, s11;
	s14 =	sadd.s32 $0x5C800, s14  }
0x12: {  	v0 =	vimm.f32 $0.0e+00;
	s12 =	sadd.s32 s12, s16;
	s13 =	sadd.s32 s13, s16;
	s16 =	simm.s32 $0x2800  }
.LBB2_1:
0x13: {  	s25 =	simm.s32 $0x0;
	s26 =	simm.s32 $0x200  }
.LBB2_2:
0x14: {  	p0 =	sne.s32 s26, $0xFE00;
	[tilespmem:s25+$0x2870] =	vst v0  }
0x15: {  	[tilespmem:s25+$0x2800] =	vst v0  }
0x16: {  	[tilespmem:s25+$0x2810] =	vst v0  }
.Ltmp0:
0x17: {  	[tilespmem:s25+$0x2820] =	vst v0;
	(pc) =	sbr.rel @p0 .LBB2_2-.Ltmp0, $4  }
0x18: {  	[tilespmem:s25+$0x2830] =	vst v0  }
0x19: {  	[tilespmem:s25+$0x2840] =	vst v0  }
0x1a: {  	[tilespmem:s25+$0x2850] =	vst v0  }
0x1b: {  	[tilespmem:s25+$0x2860] =	vst v0;
	s25 =	sshra.s32 s26, $0x2;
	s26 =	sadd.s32 $0x200, s26  }
0x1c: {  	[tilespmem:s25+$0x2870] =	vst v0  }
0x1d: {  	[tilespmem:s25+$0x2800] =	vst v0  }
0x1e: {  	[tilespmem:s25+$0x2810] =	vst v0  }
0x1f: {  	[tilespmem:s25+$0x2820] =	vst v0  }
0x20: {  	[tilespmem:s25+$0x2830] =	vst v0  }
0x21: {  	[tilespmem:s25+$0x2840] =	vst v0  }
0x22: {  	[tilespmem:s25+$0x2850] =	vst v0  }
0x23: {  	[tilespmem:s25+$0x2860] =	vst v0  }
0x24: {  	[spmem:s5] =	stream.linear.scatter [tilespmem:s16], [sflag:$0x3], $0x4000, $0x38;
	[tilespmem:$0x1E800] =	vst v63  }
0x25: {  	_ =	swait.ge [sflag:s17], $0x4000  }
0x26: {  	[sflag:s17] =	ssyncset.done $0x0  }
0x27: {  	[sflag:s17] =	ssyncadd.s32 $0xFFFFC000  }
0x28: {  	[spmem:s6] =	stream.linear.scatter [tilespmem:s16], [sflag:$0x3], $0x4000, $0x38;
	[tilespmem:$0x1E800] =	vst v63  }
0x29: {  	_ =	swait.ge [sflag:s17], $0x4000  }
0x2a: {  	[sflag:s17] =	ssyncset.done $0x0  }
0x2b: {  	[sflag:s17] =	ssyncadd.s32 $0xFFFFC000  }
0x2c: {  	[spmem:s7] =	stream.linear.scatter [tilespmem:s16], [sflag:$0x3], $0x4000, $0x38;
	[tilespmem:$0x1E800] =	vst v63  }
0x2d: {  	_ =	swait.ge [sflag:s17], $0x4000  }
0x2e: {  	[sflag:s17] =	ssyncset.done $0x0  }
0x2f: {  	[sflag:s17] =	ssyncadd.s32 $0xFFFFC000  }
0x30: {  	[spmem:s8] =	stream.linear.scatter [tilespmem:s16], [sflag:$0x3], $0x4000, $0x38;
	[tilespmem:$0x1E800] =	vst v63  }
0x31: {  	_ =	swait.ge [sflag:s17], $0x4000  }
0x32: {  	[sflag:s17] =	ssyncset.done $0x0  }
0x33: {  	[sflag:s17] =	ssyncadd.s32 $0xFFFFC000  }
0x34: {  	[spmem:s9] =	stream.linear.scatter [tilespmem:s16], [sflag:$0x3], $0x4000, $0x38;
	[tilespmem:$0x1E800] =	vst v63  }
0x35: {  	_ =	swait.ge [sflag:s17], $0x4000  }
0x36: {  	[sflag:s17] =	ssyncset.done $0x0  }
0x37: {  	[sflag:s17] =	ssyncadd.s32 $0xFFFFC000  }
0x38: {  	s28 =	simm.s32 $0x0;
	[bflag:$0x0] =	sbarrier.arrive $0xFFFF  }
0x39: {  	[tilespmem:s28], [sflag:$0x3] =	stream.linear.gather [hbm4b:s10+s28], $0x1400, $0x38;
	[tilespmem:$0x1E800] =	vst v63  }
0x3a: {  	_ =	swait.ge [sflag:s17], $0x1400  }
0x3b: {  	[sflag:s17] =	ssyncset.done $0x0  }
0x3c: {  	[sflag:s17] =	ssyncadd.s32 $0xFFFFEC00  }
0x3d: {  	[tilespmem:s18], [sflag:$0x3] =	stream.linear.gather [hbm4b:s11+s28], $0x1400, $0x38;
	[tilespmem:$0x1E800] =	vst v63  }
0x3e: {  	_ =	swait.ge [sflag:s17], $0x1400  }
0x3f: {  	[sflag:s17] =	ssyncset.done $0x0  }
0x40: {  	[sflag:s17] =	ssyncadd.s32 $0xFFFFEC00  }
0x41: {  	[tilespmem:s16], [sflag:$0x1] =	stream.indirect.gather [hbm4b:s4+s19], $0x80, s28, s19, $0xb8;
	[tilespmem:$0x1E800] =	vst v63  }
0x42: {  	_ = 	snop  }
0x43: {  	[tilespmem:s20], [sflag:$0x2] =	stream.indirect.gather [hbm4b:s4+s19], $0x80, s19, s19, $0xb8;
	[tilespmem:$0x1E800] =	vst v63  }
0x44: {  	_ =	swait.ge [sflag:s21], $0x4000  }
0x45: {  	[sflag:s21] =	ssyncset.done $0x0  }
0x46: {  	s29 =	simm.s32 $0x1400;
	[sflag:s21] =	ssyncadd.s32 $0xFFFFC000  }
0x47: {  	[spmem:s1] =	stream.indirect.scatter.add.f32 [tilespmem:s16], [sflag:$0x3], $0x80, s29, s19, $0xb8;
	[tilespmem:$0x1E800] =	vst v63  }
0x48: {  	_ =	swait.ge [sflag:s17], $0x4000  }
0x49: {  	[sflag:s17] =	ssyncset.done $0x0  }
0x4a: {  	s30 =	simm.s32 $0x100;
	[sflag:s17] =	ssyncadd.s32 $0xFFFFC000  }
0x4b: {  	[tilespmem:s16], [sflag:$0x1] =	stream.indirect.gather [hbm4b:s4+s19], $0x80, s30, s19, $0xb8;
	[tilespmem:$0x1E800] =	vst v63  }
0x4c: {  	_ =	swait.ge [sflag:s22], $0x4000  }
0x4d: {  	[sflag:s22] =	ssyncset.done $0x0  }
0x4e: {  	s31 =	simm.s32 $0x1480;
	[sflag:s22] =	ssyncadd.s32 $0xFFFFC000  }
0x4f: {  	[spmem:s1] =	stream.indirect.scatter.add.f32 [tilespmem:s20], [sflag:$0x3], $0x80, s31, s19, $0xb8;
	[tilespmem:$0x1E800] =	vst v63  }
0x50: {  	_ =	swait.ge [sflag:s17], $0x4000  }
0x51: {  	[sflag:s17] =	ssyncset.done $0x0  }
0x52: {  	s25 =	simm.s32 $0x400;
	s26 =	simm.s32 $0x180;
	[sflag:s17] =	ssyncadd.s32 $0xFFFFC000  }
.LBB2_4:
0x53: {  	[tilespmem:s20], [sflag:$0x2] =	stream.indirect.gather [hbm4b:s4+s19], $0x80, s26, s19, $0xb8;
	[tilespmem:$0x1E800] =	vst v63  }
0x54: {  	s26 =	smov.u32 s25  }
0x55: {  	p0 =	sne.s32 s25, $0x4800;
	s25 =	sadd.s32 $0x400, s25;
	_ =	swait.ge [sflag:s21], $0x4000  }
0x56: {  	s26 =	sshra.s32 s26, $0x2;
	[sflag:s21] =	ssyncset.done $0x0  }
0x57: {  	s28 =	sadd.s32 $0x1400, s26;
	[sflag:s21] =	ssyncadd.s32 $0xFFFFC000  }
0x58: {  	[spmem:s1] =	stream.indirect.scatter.add.f32 [tilespmem:s16], [sflag:$0x3], $0x80, s28, s19, $0xb8;
	[tilespmem:$0x1E800] =	vst v63  }
0x59: {  	_ =	swait.ge [sflag:s17], $0x4000  }
0x5a: {  	[sflag:s17] =	ssyncset.done $0x0  }
0x5b: {  	s28 =	sadd.s32 $0x100, s26;
	[sflag:s17] =	ssyncadd.s32 $0xFFFFC000  }
0x5c: {  	[tilespmem:s16], [sflag:$0x1] =	stream.indirect.gather [hbm4b:s4+s19], $0x80, s28, s19, $0xb8;
	[tilespmem:$0x1E800] =	vst v63  }
0x5d: {  	_ =	swait.ge [sflag:s22], $0x4000  }
0x5e: {  	[sflag:s22] =	ssyncset.done $0x0  }
.Ltmp1:
0x5f: {  	s28 =	sadd.s32 $0x1480, s26;
	[sflag:s22] =	ssyncadd.s32 $0xFFFFC000;
	(pc) =	sbr.rel @p0 .LBB2_4-.Ltmp1, $4  }
0x60: {  	[spmem:s1] =	stream.indirect.scatter.add.f32 [tilespmem:s20], [sflag:$0x3], $0x80, s28, s19, $0xb8;
	[tilespmem:$0x1E800] =	vst v63  }
0x61: {  	_ =	swait.ge [sflag:s17], $0x4000  }
0x62: {  	[sflag:s17] =	ssyncset.done $0x0  }
0x63: {  	s26 =	sadd.s32 $0x180, s26;
	[sflag:s17] =	ssyncadd.s32 $0xFFFFC000  }
0x64: {  	[tilespmem:s20], [sflag:$0x2] =	stream.indirect.gather [hbm4b:s4+s19], $0x80, s26, s19, $0xb8;
	[tilespmem:$0x1E800] =	vst v63  }
0x65: {  	_ =	swait.ge [sflag:s21], $0x4000  }
0x66: {  	[sflag:s21] =	ssyncset.done $0x0  }
0x67: {  	[sflag:s21] =	ssyncadd.s32 $0xFFFFC000  }
0x68: {  	[spmem:s1] =	stream.indirect.scatter.add.f32 [tilespmem:s16], [sflag:$0x3], $0x80, s23, s19, $0xb8;
	[tilespmem:$0x1E800] =	vst v63  }
0x69: {  	_ =	swait.ge [sflag:s17], $0x4000  }
0x6a: {  	[sflag:s17] =	ssyncset.done $0x0  }
0x6b: {  	[sflag:s17] =	ssyncadd.s32 $0xFFFFC000  }
0x6c: {  	_ =	swait.ge [sflag:s22], $0x4000  }
0x6d: {  	[sflag:s22] =	ssyncset.done $0x0  }
0x6e: {  	[sflag:s22] =	ssyncadd.s32 $0xFFFFC000  }
0x6f: {  	[spmem:s1] =	stream.indirect.scatter.add.f32 [tilespmem:s20], [sflag:$0x3], $0x80, s24, s19, $0xb8;
	[tilespmem:$0x1E800] =	vst v63  }
0x70: {  	_ =	swait.ge [sflag:s17], $0x4000  }
0x71: {  	[sflag:s17] =	ssyncset.done $0x0  }
0x72: {  	s25 =	simm.s32 $0x0;
	[sflag:s17] =	ssyncadd.s32 $0xFFFFC000  }
0x73: {  	[tilespmem:s25], [sflag:$0x3] =	stream.linear.gather [hbm4b:s12+s25], $0x1400, $0x38;
	[tilespmem:$0x1E800] =	vst v63  }
0x74: {  	_ =	swait.ge [sflag:s17], $0x1400  }
0x75: {  	[sflag:s17] =	ssyncset.done $0x0  }
0x76: {  	[sflag:s17] =	ssyncadd.s32 $0xFFFFEC00  }
0x77: {  	[tilespmem:s18], [sflag:$0x3] =	stream.linear.gather [hbm4b:s13+s25], $0x1400, $0x38;
	[tilespmem:$0x1E800] =	vst v63  }
0x78: {  	_ =	swait.ge [sflag:s17], $0x1400  }
0x79: {  	[sflag:s17] =	ssyncset.done $0x0  }
0x7a: {  	[sflag:s17] =	ssyncadd.s32 $0xFFFFEC00  }
0x7b: {  	[tilespmem:s16], [sflag:$0x1] =	stream.indirect.gather [hbm4b:s4+s19], $0x80, s25, s19, $0xb8;
	[tilespmem:$0x1E800] =	vst v63  }
0x7c: {  	_ = 	snop  }
0x7d: {  	[tilespmem:s20], [sflag:$0x2] =	stream.indirect.gather [hbm4b:s4+s19], $0x80, s19, s19, $0xb8;
	[tilespmem:$0x1E800] =	vst v63  }
0x7e: {  	_ =	swait.ge [sflag:s21], $0x4000  }
0x7f: {  	[sflag:s21] =	ssyncset.done $0x0  }
0x80: {  	s29 =	simm.s32 $0x1400;
	[sflag:s21] =	ssyncadd.s32 $0xFFFFC000  }
0x81: {  	[spmem:s1] =	stream.indirect.scatter.add.f32 [tilespmem:s16], [sflag:$0x3], $0x80, s29, s19, $0xb8;
	[tilespmem:$0x1E800] =	vst v63  }
0x82: {  	_ =	swait.ge [sflag:s17], $0x4000  }
0x83: {  	[sflag:s17] =	ssyncset.done $0x0  }
0x84: {  	s30 =	simm.s32 $0x100;
	[sflag:s17] =	ssyncadd.s32 $0xFFFFC000  }
0x85: {  	[tilespmem:s16], [sflag:$0x1] =	stream.indirect.gather [hbm4b:s4+s19], $0x80, s30, s19, $0xb8;
	[tilespmem:$0x1E800] =	vst v63  }
0x86: {  	_ =	swait.ge [sflag:s22], $0x4000  }
0x87: {  	[sflag:s22] =	ssyncset.done $0x0  }
0x88: {  	s31 =	simm.s32 $0x1480;
	[sflag:s22] =	ssyncadd.s32 $0xFFFFC000  }
0x89: {  	[spmem:s1] =	stream.indirect.scatter.add.f32 [tilespmem:s20], [sflag:$0x3], $0x80, s31, s19, $0xb8;
	[tilespmem:$0x1E800] =	vst v63  }
0x8a: {  	_ =	swait.ge [sflag:s17], $0x4000  }
0x8b: {  	[sflag:s17] =	ssyncset.done $0x0  }
0x8c: {  	s26 =	simm.s32 $0x180;
	s25 =	simm.s32 $0x400;
	[sflag:s17] =	ssyncadd.s32 $0xFFFFC000  }
.LBB2_6:
0x8d: {  	[tilespmem:s20], [sflag:$0x2] =	stream.indirect.gather [hbm4b:s4+s19], $0x80, s26, s19, $0xb8;
	[tilespmem:$0x1E800] =	vst v63  }
0x8e: {  	s26 =	smov.u32 s25  }
0x8f: {  	p0 =	sne.s32 s25, $0x4800;
	s25 =	sadd.s32 $0x400, s25;
	_ =	swait.ge [sflag:s21], $0x4000  }
0x90: {  	s26 =	sshra.s32 s26, $0x2;
	[sflag:s21] =	ssyncset.done $0x0  }
0x91: {  	s28 =	sadd.s32 $0x1400, s26;
	[sflag:s21] =	ssyncadd.s32 $0xFFFFC000  }
0x92: {  	[spmem:s1] =	stream.indirect.scatter.add.f32 [tilespmem:s16], [sflag:$0x3], $0x80, s28, s19, $0xb8;
	[tilespmem:$0x1E800] =	vst v63  }
0x93: {  	_ =	swait.ge [sflag:s17], $0x4000  }
0x94: {  	[sflag:s17] =	ssyncset.done $0x0  }
0x95: {  	s28 =	sadd.s32 $0x100, s26;
	[sflag:s17] =	ssyncadd.s32 $0xFFFFC000  }
0x96: {  	[tilespmem:s16], [sflag:$0x1] =	stream.indirect.gather [hbm4b:s4+s19], $0x80, s28, s19, $0xb8;
	[tilespmem:$0x1E800] =	vst v63  }
0x97: {  	_ =	swait.ge [sflag:s22], $0x4000  }
0x98: {  	[sflag:s22] =	ssyncset.done $0x0  }
.Ltmp2:
0x99: {  	s28 =	sadd.s32 $0x1480, s26;
	[sflag:s22] =	ssyncadd.s32 $0xFFFFC000;
	(pc) =	sbr.rel @p0 .LBB2_6-.Ltmp2, $4  }
0x9a: {  	[spmem:s1] =	stream.indirect.scatter.add.f32 [tilespmem:s20], [sflag:$0x3], $0x80, s28, s19, $0xb8;
	[tilespmem:$0x1E800] =	vst v63  }
0x9b: {  	_ =	swait.ge [sflag:s17], $0x4000  }
0x9c: {  	[sflag:s17] =	ssyncset.done $0x0  }
0x9d: {  	s26 =	sadd.s32 $0x180, s26;
	[sflag:s17] =	ssyncadd.s32 $0xFFFFC000  }
0x9e: {  	[tilespmem:s20], [sflag:$0x2] =	stream.indirect.gather [hbm4b:s4+s19], $0x80, s26, s19, $0xb8;
	[tilespmem:$0x1E800] =	vst v63  }
0x9f: {  	_ =	swait.ge [sflag:s21], $0x4000  }
0xa0: {  	[sflag:s21] =	ssyncset.done $0x0  }
0xa1: {  	[sflag:s21] =	ssyncadd.s32 $0xFFFFC000  }
0xa2: {  	[spmem:s1] =	stream.indirect.scatter.add.f32 [tilespmem:s16], [sflag:$0x3], $0x80, s23, s19, $0xb8;
	[tilespmem:$0x1E800] =	vst v63  }
0xa3: {  	_ =	swait.ge [sflag:s17], $0x4000  }
0xa4: {  	[sflag:s17] =	ssyncset.done $0x0  }
0xa5: {  	[sflag:s17] =	ssyncadd.s32 $0xFFFFC000  }
0xa6: {  	_ =	swait.ge [sflag:s22], $0x4000  }
0xa7: {  	[sflag:s22] =	ssyncset.done $0x0  }
0xa8: {  	[sflag:s22] =	ssyncadd.s32 $0xFFFFC000  }
0xa9: {  	[spmem:s1] =	stream.indirect.scatter.add.f32 [tilespmem:s20], [sflag:$0x3], $0x80, s24, s19, $0xb8;
	[tilespmem:$0x1E800] =	vst v63  }
0xaa: {  	_ =	swait.ge [sflag:s17], $0x4000  }
0xab: {  	s25 =	sshll.u32 s2, $0x6;
	s3 =	sadd.s32 $0x1, s3;
	[sflag:s17] =	ssyncset.done $0x0  }
0xac: {  	s31 =	sshrl.u32 s5, $0x3;
	p0 =	sne.s32 s3, s15;
	[sflag:s17] =	ssyncadd.s32 $0xFFFFC000  }
.Ltmp3:
0xad: {  	s25 =	sor.u32 $0x1C03, s25;
	[bflag:$0x0] =	sbarrier.arrive $0xFFFF;
	(pc) =	sbr.rel @p0 .LBB2_1-.Ltmp3, $4  }
0xae: {  	[hbm:s14], [sflag:s25] =	dma.local [spmem:s31], $0x2800  }
0xaf: {  	_ =	swait.ge [sflag:s17], $0x2800  }
0xb0: {  	[sflag:s17] =	ssyncset.done $0x0  }
0xb1: {  	[sflag:s17] =	ssyncadd.s32 $0xFFFFD800  }
0xb2: {  	_ =	sfence.sel $0x180000  }
0xb3: {  	[bflag:$0x0] =	sbarrier.arrive $0xFFFF  }
0xb4: {  	p0 =	sne.s32 s2, $0x0;
	_ =	strace $0x9000004D  }
0xb5: {  	s0 =	sadd.s32 @!p0 $0x100000, s0;
	[bflag:$0x2] =	sbarrier.arrive $0xFFFF  }
0xb6: {  	[sflag:s0] =	ssyncadd.tile.s32 @!p0 $0x1;
	_ =	shalt  }
.Lfunc_end2:
_tile_overlayer_lowered:
.L_overlay_start_2:
0xb7: {  	(tag) =	ssettag $0x2  }
0xb8: {  	s0 =	rddreg [dreg:$0x0];
	s2 =	stileid.u32  }
0xb9: {  	s1 =	rddreg [dreg:$0x1];
	p0 =	sne.s32 s2, $0x0  }
0xba: {  	s3 =	rddreg [dreg:$0x2];
	[bflag:$0x3] =	sbarrier.arrive $0xFFFF;
	s2 =	simm.s32 @!p0 $0x1C03  }
0xbb: {  	[timem:s3], [sflag:s2] =	dma.local @!p0 [hbm:s0], s1  }
0xbc: {  	s0 =	simm.s32 @!p0 $0x3  }
0xbd: {  	_ =	swait.ge @!p0 [sflag:s0], s1  }
0xbe: {  	s1 =	ssub.s32 @!p0 $0x0, s1;
	[sflag:s0] =	ssyncset.done @!p0 $0x0  }
0xbf: {  	[sflag:s0] =	ssyncadd.s32 @!p0 s1  }
0xc0: {  	[bflag:$0x3] =	sbarrier.arrive $0xFFFF  }
0xc1: {  	_ =	shalt  }

// kernel: kernel.9.cloned.1.call-start
scs
__scs_entry_jumppad:
0x0: {  	(pc) =	sbr.rel $0x88, $3  }
0x1: {  	(tag) =	ssettag $0x0;
	lr =	simm.s32 $0x1  }
0x2: {  	[smem:$0x3F9B] =	sst lr;
	_ =	strace $0xD0000000  }
0x3: {  	_ = 	snop  }
0x4: {  	_ = 	snop  }
0x5: {  	_ = 	snop  }
0x6: {  	_ = 	snop  }
0x7: {  	_ = 	snop  }
__scs_overlays_trampoline_lowered:
0x8: {  	[smem:$0x3FAA] =	sst s0  }
0x9: {  	[smem:$0x3FAB] =	sst s1  }
0xa: {  	[smem:$0x3FAC] =	sst s2  }
0xb: {  	[smem:$0x3FAD] =	sst s3  }
0xc: {  	[smem:$0x3FAE] =	sst s4  }
0xd: {  	[smem:$0x3FAF] =	sst s5  }
0xe: {  	[smem:$0x3FB0] =	sst s6  }
0xf: {  	[smem:$0x3FB1] =	sst s7  }
0x10: {  	[smem:$0x3FB2] =	sst s8  }
0x11: {  	[smem:$0x3FB3] =	sst s9;
	s0 =	simm.s32 @!p0 $0x0  }
0x12: {  	s1 =	sld [smem:$0x3F99];
	s0 =	simm.s32 @p0 $0x1  }
0x13: {  	[smem:$0x3FB4] =	sst s0;
	s0 =	simm.s32 @!p1 $0x0  }
0x14: {  	s2 =	sld [smem:$0x3F98];
	s0 =	simm.s32 @p1 $0x1  }
0x15: {  	[smem:$0x3FB5] =	sst s0;
	s0 =	simm.s32 @!p2 $0x0  }
0x16: {  	s3 =	sld [smem:$0x3FDB];
	s0 =	simm.s32 @p2 $0x1  }
0x17: {  	s4 =	simm.s32 $0x1BF5;
	[smem:$0x3FB7] =	sst s0  }
0x18: {  	s0 =	sld [smem:$0x3F9A];
	_ =	swait.ge [sflag:s4], $0x0  }
0x19: {  	s7 =	sld [smem:$0x3F9B]  }
0x1a: {  	s8 =	sadd.s32 $0xFFFFE003, lr  }
0x1b: {  	s9 =	sadd.s32 $0xFFFFFEF7, lr;
	s5 =	simm.s32 $0xFFFFFFFF;
	p2 =	slt.u32 s8, $0xFFFFF086  }
0x1c: {  	p1 =	slt.u32 s9, $0xF7A;
	s5 =	simm.s32 @!p2 $0x0  }
0x1d: {  	s5 =	simm.s32 @p1 $0x1;
	p0 =	seq.s32 s7, s2  }
0x1e: {  	s7 =	smul.u32 @!p0 $0xF7A, s2;
	p2 =	seq.s32 @!p0 s5, $0x0  }
0x1f: {  	s9 =	smul.u32 $0xF7A, s1;
	s8 =	simm.s32 @!p0 $0x1BF5;
	p2 =	por !p2, p0  }
0x20: {  	[sflag:s8] =	ssyncset.s32 @!p0 $0xFFFFF086;
	s6 =	sadd.s32 @!p0 s3, s7;
	s7 =	simm.s32 @!p0 $0x108  }
0x21: {  	s3 =	sadd.s32 s3, s9;
	s6 =	sadd.s32 @!p0 $0x88, s6;
	s7 =	simm.s32 @p2 $0x1082  }
0x22: {  	[simem:s7], [sflag:s8] =	dma.local @!p0 [hbm:s6], $0xF7A  }
0x23: {  	s9 =	sor.u32 $0xD0000000, s2;
	s6 =	simm.s32 $0x108;
	_ =	swait.ge @!p0 [sflag:s8], $0x0  }
0x24: {  	s3 =	sadd.s32 $0x88, s3;
	s6 =	simm.s32 @!p1 $0x1082;
	[sflag:s4] =	ssyncset.s32 $0xFFFFF086  }
0x25: {  	[simem:s6], [sflag:s4] =	dma.local [hbm:s3], $0xF7A  }
0x26: {  	[smem:$0x3F9B] =	sst s1;
	(tag) =	ssettag s2;
	_ =	strace s9  }
0x27: {  	s1 =	sld [smem:$0x3FAB]  }
0x28: {  	s2 =	sld [smem:$0x3FAC]  }
0x29: {  	s4 =	sld [smem:$0x3FAE]  }
0x2a: {  	p0 =	seq.s32 s5, $0x0;
	s5 =	sld [smem:$0x3FAF]  }
0x2b: {  	s6 =	sld [smem:$0x3FB0]  }
0x2c: {  	s7 =	sld [smem:$0x3FB1]  }
0x2d: {  	s3 =	simm.s32 $0x108;
	s8 =	sld [smem:$0x3FB2]  }
0x2e: {  	s3 =	simm.s32 @!p0 $0x1082;
	s9 =	sld [smem:$0x3FB3]  }
0x2f: {  	lr =	sadd.s32 s0, s3;
	s0 =	sld [smem:$0x3FAA]  }
0x30: {  	s3 =	sld [smem:$0x3FAD]  }
0x31: {  	[smem:$0x3FB6] =	sst s10  }
0x32: {  	s10 =	sld [smem:$0x3FB4];
	_ =	sdelay $0x3  }
0x33: {  	p0 =	seq.s32 s10, $0x1;
	s10 =	sld [smem:$0x3FB6];
	_ =	sdelay $0x3  }
0x34: {  	[smem:$0x3FB6] =	sst s10  }
0x35: {  	s10 =	sld [smem:$0x3FB5];
	_ =	sdelay $0x3  }
0x36: {  	p1 =	seq.s32 s10, $0x1;
	s10 =	sld [smem:$0x3FB6];
	_ =	sdelay $0x3  }
0x37: {  	[smem:$0x3FB6] =	sst s10  }
0x38: {  	s10 =	sld [smem:$0x3FB7]  }
0x39: {  	_ = 	snop;
	(pc) =	sbr.ind lr, $3  }
0x3a: {  	_ = 	snop  }
0x3b: {  	_ = 	snop  }
0x3c: {  	p2 =	seq.s32 s10, $0x1;
	s10 =	sld [smem:$0x3FB6]  }
0x3d: {  	_ =	shalt  }
0x3e: {  	_ =	shalt  }
0x3f: {  	_ =	shalt  }
0x40: {  	_ =	shalt  }
0x41: {  	_ =	shalt  }
0x42: {  	_ =	shalt  }
0x43: {  	_ =	shalt  }
0x44: {  	_ =	shalt  }
0x45: {  	_ =	shalt  }
0x46: {  	_ =	shalt  }
0x47: {  	_ =	shalt  }
0x48: {  	_ =	shalt  }
0x49: {  	_ =	shalt  }
0x4a: {  	_ =	shalt  }
0x4b: {  	_ =	shalt  }
0x4c: {  	_ =	shalt  }
0x4d: {  	_ =	shalt  }
0x4e: {  	_ =	shalt  }
0x4f: {  	_ =	shalt  }
0x50: {  	_ =	shalt  }
0x51: {  	_ =	shalt  }
0x52: {  	_ =	shalt  }
0x53: {  	_ =	shalt  }
0x54: {  	_ =	shalt  }
0x55: {  	_ =	shalt  }
0x56: {  	_ =	shalt  }
0x57: {  	_ =	shalt  }
0x58: {  	_ =	shalt  }
0x59: {  	_ =	shalt  }
0x5a: {  	_ =	shalt  }
0x5b: {  	_ =	shalt  }
0x5c: {  	_ =	shalt  }
0x5d: {  	_ =	shalt  }
0x5e: {  	_ =	shalt  }
0x5f: {  	_ =	shalt  }
0x60: {  	_ =	shalt  }
0x61: {  	_ =	shalt  }
0x62: {  	_ =	shalt  }
0x63: {  	_ =	shalt  }
0x64: {  	_ =	shalt  }
0x65: {  	_ =	shalt  }
0x66: {  	_ =	shalt  }
0x67: {  	_ =	shalt  }
0x68: {  	_ =	shalt  }
0x69: {  	_ =	shalt  }
0x6a: {  	_ =	shalt  }
0x6b: {  	_ =	shalt  }
0x6c: {  	_ =	shalt  }
0x6d: {  	_ =	shalt  }
0x6e: {  	_ =	shalt  }
0x6f: {  	_ =	shalt  }
0x70: {  	_ =	shalt  }
0x71: {  	_ =	shalt  }
0x72: {  	_ =	shalt  }
0x73: {  	_ =	shalt  }
0x74: {  	_ =	shalt  }
0x75: {  	_ =	shalt  }
0x76: {  	_ =	shalt  }
0x77: {  	_ =	shalt  }
0x78: {  	_ =	shalt  }
0x79: {  	_ =	shalt  }
0x7a: {  	_ =	shalt  }
0x7b: {  	_ =	shalt  }
0x7c: {  	_ =	shalt  }
0x7d: {  	_ =	shalt  }
0x7e: {  	_ =	shalt  }
0x7f: {  	_ =	shalt  }
0x80: {  	_ =	shalt  }
0x81: {  	_ =	shalt  }
0x82: {  	_ =	shalt  }
0x83: {  	_ =	shalt  }
0x84: {  	_ =	shalt  }
0x85: {  	_ =	shalt  }
0x86: {  	_ =	shalt  }
0x87: {  	_ =	shalt  }
.Lfunc_end0:
.L_simem_size_0:
called_computation_lowered:
.L_overlay_start_0:
0x88: {  	s2 =	sld [smem:$0x3FD9]  }
0x89: {  	s3 =	sld [smem:$0x3FFE];
	_ =	sdelay $0x1  }
0x8a: {  	s1 =	srdreg.scid  }
0x8b: {  	s0 =	sand.u32 $0x1, s1  }
0x8c: {  	s16 =	sshll.u32 s0, $0xA;
	s2 =	sadd.s32 s3, s2  }
0x8d: {  	s2 =	sadd.s32 s2, s16  }
0x8e: {  	[smem:$0x3FC2] =	sst s2  }
0x8f: {  	_ = 	snop  }
0x90: {  	(tm) =	ssettm $0x1  }
0x91: {  	s17 =	sld [smem:$0x3FFB];
	_ =	sdelay $0x3  }
0x92: {  	_ =	strace s17  }
0x93: {  	s2 =	sld [smem:$0x3FFC];
	_ =	sdelay $0x3  }
0x94: {  	_ =	strace s2  }
0x95: {  	s2 =	sld [smem:$0x3FFD];
	_ =	sdelay $0x3  }
0x96: {  	_ =	strace s2  }
0x97: {  	_ =	strace $0x8FFFFFFF  }
0x98: {  	s18 =	sld [smem:$0x3FDB];
	_ =	sdelay $0x1  }
0x99: {  	s19 =	simm.s32 $_scs_section_size  }
0x9a: {  	s4 =	simm.s32 $_size__tile_overlayer_lowered;
	s5 =	simm.s32 $_tile_overlayer_lowered  }
0x9b: {  	s22 =	simm.s32 $0x1BFF;
	s21 =	sshll.u32 s5, $0x1;
	s2 =	sadd.s32 s19, s18  }
0x9c: {  	s6 =	simm.s32 $0x0;
	s20 =	sshll.u32 s4, $0x1;
	s4 =	sadd.s32 s21, s2  }
0x9d: {  	[timem:s6], [sflag:s22] =	dma.local [hbm:s4], s20  }
0x9e: {  	_ =	swait.ge [sflag:s22], s20  }
0x9f: {  	s3 =	ssub.s32 $0x0, s20;
	[sflag:s22] =	ssyncset.done $0x0  }
0xa0: {  	[sflag:s22] =	ssyncadd.s32 s3;
	_ =	sdelay $0x1  }
0xa1: {  	s23 =	simm.s32 $0x1B8B  }
0xa2: {  	_ =	swait.ge [sflag:s23], $0x1  }
0xa3: {  	[sflag:s23] =	ssyncset.done $0x0  }
0xa4: {  	s25 =	simm.s32 $0x1B8E;
	s24 =	sld [smem:$0x3FFE];
	[sflag:s23] =	ssyncadd.s32 $0xFFFFFFFF  }
0xa5: {  	s26 =	simm.s32 $execute0_lowered;
	[smem:$0x3FD2] =	sst s25  }
0xa6: {  	s4 =	sshll.u32 s26, $0x1;
	_ =	strace $0x80000046;
	[dreg:$0x1] =	wrdreg $0xFFFFFFFF  }
0xa7: {  	s28 =	simm.s32 $_size_execute0_lowered;
	s2 =	sadd.s32 s2, s4;
	[dreg:$0x0] =	wrdreg $0x0  }
0xa8: {  	s4 =	sshll.u32 s28, $0x1;
	[dreg:$0x2] =	wrdreg s2  }
0xa9: {  	[dreg:$0x3] =	wrdreg s4  }
0xaa: {  	[dreg:$0x4] =	wrdreg $0xC0  }
0xab: {  	_ =	task [dreg:s6], $0x5FFFF  }
0xac: {  	[dreg:$0x1] =	wrdreg $0xFFFFFFFF  }
0xad: {  	[dreg:$0x0] =	wrdreg $0x60  }
0xae: {  	[dreg:$0x2] =	wrdreg s24  }
0xaf: {  	[dreg:$0x3] =	wrdreg $0x68000  }
0xb0: {  	[dreg:$0x4] =	wrdreg $0x9  }
0xb1: {  	_ =	task.clear_ibuf [dreg:s6], $0x5FFFF;
	_ =	strace $0x90000046  }
0xb2: {  	s29 =	simm.s32 $0x9;
	_ =	strace $0x80000048  }
0xb3: {  	_ =	swait.ge [sflag:s29], $0x1  }
0xb4: {  	[sflag:s29] =	ssyncadd.s32 $0xFFFFFFFF  }
0xb5: {  	_ =	strace $0x90000048  }
0xb6: {  	_ =	sfence  }
0xb7: {  	s30 =	sld [smem:$0x0];
	_ =	sdelay $0x2  }
0xb8: {  	s31 =	sshll.u32 s1, $0xD;
	s1 =	sshrl.u32 s1, $0x2  }
0xb9: {  	s3 =	sand.u32 $0x4000, s31;
	s1 =	sadd.s32 s1, s30  }
0xba: {  	s0 =	sor.u32 s3, s0;
	s1 =	sshll.u32 s1, $0x11  }
0xbb: {  	s0 =	sor.u32 s1, s0  }
0xbc: {  	s0 =	sadd.s32 $0x8F2B, s0  }
0xbd: {  	[sflag:s0] =	ssyncadd.remote.s32 $0x1  }
0xbe: {  	_ =	sfence.sel $0xFFFF  }
0xbf: {  	[dreg:$0x0] =	wrdreg $0xFFFFFFFF;
	(pc) =	sbr.abs _section_cstart, $3  }
0xc0: {  	[dreg:$0x1] =	wrdreg $0xFFFFFFFF  }
0xc1: {  	_ =	task.clear_ibuf [dreg:s6], $0x2FFFF;
	_ =	strace $0x9FFFFFFF  }
0xc2: {  	(tm) =	ssettm $0x7FFFFFFF  }
0xc3: {  	_ =	shalt  }
tec
execute0_lowered:
.L_overlay_start_1:
0x0: {  	(tag) =	ssettag $0x1  }
0x1: {  	s1 =	srdreg.scid;
	s5 =	rddreg [dreg:$0x0]  }
0x2: {  	s0 =	stileid.u32;
	s2 =	rddreg [dreg:$0x1]  }
0x3: {  	s3 =	simm.s32 $0x0;
	s13 =	simm.s32 $0x1;
	s14 =	simm.s32 $0x80  }
0x4: {  	s4 =	sand.u32 $0x1, s1;
	s26 =	sshll.u32 s0, $0x1;
	s8 =	smul.u32 $0x14000, s0  }
0x5: {  	[smem:$0x7FF] =	sst s3;
	s9 =	smul.u32 $0x50000, s0;
	s15 =	sshll.u32 s0, $0x6  }
0x6: {  	s1 =	sor.u32 s4, s26;
	s7 =	smul.u32 $0x140000, s4;
	s29 =	ssub.s32 $0x2, s4  }
0x7: {  	s15 =	sor.u32 $0x1C01, s15;
	s6 =	smul.u32 $0x500, s1;
	s1 =	rddreg [dreg:$0x2]  }
0x8: {  	_ =	strace $0x80000047;
	s30 =	sshrl.u32 s9, $0x2;
	s31 =	sshrl.u32 s29, $0x1  }
0x9: {  	s28 =	sadd.s32 s8, s7;
	s4 =	sadd.s32 s30, s2;
	s12 =	ssub.s32 s29, s31  }
0xa: {  	s10 =	sadd.s32 s6, s5;
	s6 =	sshrl.u32 s28, $0x3;
	s7 =	sadd.s32 $0xC000, s4  }
0xb: {  	s8 =	sadd.s32 $0x10000, s4;
	s16 =	sshrl.u32 s4, $0x3;
	s11 =	sadd.s32 s6, s5  }
0xc: {  	s5 =	sadd.s32 $0x4000, s4;
	s6 =	sadd.s32 $0x8000, s4;
	s9 =	sadd.s32 $0x2800, s10  }
0xd: {  	v0 =	vimm.f32 $0.0e+00;
	v1 =	vimm.f32 $1.000000000e+00;
	s10 =	sadd.s32 $0xC800, s11;
	s11 =	smax.u32 s12, $0x1;
	s12 =	simm.s32 $0x2800  }
.LBB2_1:
0xe: {  	s17 =	simm.s32 $0x0;
	s18 =	simm.s32 $0x200  }
.LBB2_2:
0xf: {  	p0 =	sne.s32 s18, $0xFE00;
	[tilespmem:s17+$0x2870] =	vst v0  }
0x10: {  	[tilespmem:s17+$0x2800] =	vst v0  }
0x11: {  	[tilespmem:s17+$0x2810] =	vst v0  }
.Ltmp0:
0x12: {  	[tilespmem:s17+$0x2820] =	vst v0;
	(pc) =	sbr.rel @p0 .LBB2_2-.Ltmp0, $4  }
0x13: {  	[tilespmem:s17+$0x2830] =	vst v0  }
0x14: {  	[tilespmem:s17+$0x2840] =	vst v0  }
0x15: {  	[tilespmem:s17+$0x2850] =	vst v0  }
0x16: {  	[tilespmem:s17+$0x2860] =	vst v0;
	s17 =	sshra.s32 s18, $0x2;
	s18 =	sadd.s32 $0x200, s18  }
0x17: {  	[tilespmem:s17+$0x2870] =	vst v0  }
0x18: {  	[tilespmem:s17+$0x2800] =	vst v0  }
0x19: {  	[tilespmem:s17+$0x2810] =	vst v0  }
0x1a: {  	[tilespmem:s17+$0x2820] =	vst v0  }
0x1b: {  	[tilespmem:s17+$0x2830] =	vst v0  }
0x1c: {  	[tilespmem:s17+$0x2840] =	vst v0  }
0x1d: {  	[tilespmem:s17+$0x2850] =	vst v0  }
0x1e: {  	[tilespmem:s17+$0x2860] =	vst v0  }
0x1f: {  	[spmem:s4] =	stream.linear.scatter [tilespmem:s12], [sflag:$0x1], $0x4000, $0x38;
	[tilespmem:$0x1A800] =	vst v63  }
0x20: {  	_ =	swait.ge [sflag:s13], $0x4000  }
0x21: {  	[sflag:s13] =	ssyncset.done $0x0  }
0x22: {  	[sflag:s13] =	ssyncadd.s32 $0xFFFFC000  }
0x23: {  	[spmem:s5] =	stream.linear.scatter [tilespmem:s12], [sflag:$0x1], $0x4000, $0x38;
	[tilespmem:$0x1A800] =	vst v63  }
0x24: {  	_ =	swait.ge [sflag:s13], $0x4000  }
0x25: {  	[sflag:s13] =	ssyncset.done $0x0  }
0x26: {  	[sflag:s13] =	ssyncadd.s32 $0xFFFFC000  }
0x27: {  	[spmem:s6] =	stream.linear.scatter [tilespmem:s12], [sflag:$0x1], $0x4000, $0x38;
	[tilespmem:$0x1A800] =	vst v63  }
0x28: {  	_ =	swait.ge [sflag:s13], $0x4000  }
0x29: {  	[sflag:s13] =	ssyncset.done $0x0  }
0x2a: {  	[sflag:s13] =	ssyncadd.s32 $0xFFFFC000  }
0x2b: {  	[spmem:s7] =	stream.linear.scatter [tilespmem:s12], [sflag:$0x1], $0x4000, $0x38;
	[tilespmem:$0x1A800] =	vst v63  }
0x2c: {  	_ =	swait.ge [sflag:s13], $0x4000  }
0x2d: {  	[sflag:s13] =	ssyncset.done $0x0  }
0x2e: {  	[sflag:s13] =	ssyncadd.s32 $0xFFFFC000  }
0x2f: {  	[spmem:s8] =	stream.linear.scatter [tilespmem:s12], [sflag:$0x1], $0x4000, $0x38;
	[tilespmem:$0x1A800] =	vst v63  }
0x30: {  	_ =	swait.ge [sflag:s13], $0x4000  }
0x31: {  	[sflag:s13] =	ssyncset.done $0x0  }
0x32: {  	s17 =	simm.s32 $0x0;
	s18 =	simm.s32 $0x200;
	[sflag:s13] =	ssyncadd.s32 $0xFFFFC000  }
.LBB2_4:
0x33: {  	p0 =	sne.s32 s18, $0xFE00;
	[tilespmem:s17+$0x2870] =	vst v1  }
0x34: {  	[tilespmem:s17+$0x2800] =	vst v1  }
0x35: {  	[tilespmem:s17+$0x2810] =	vst v1  }
.Ltmp1:
0x36: {  	[tilespmem:s17+$0x2820] =	vst v1;
	(pc) =	sbr.rel @p0 .LBB2_4-.Ltmp1, $4  }
0x37: {  	[tilespmem:s17+$0x2830] =	vst v1  }
0x38: {  	[tilespmem:s17+$0x2840] =	vst v1  }
0x39: {  	[tilespmem:s17+$0x2850] =	vst v1  }
0x3a: {  	[tilespmem:s17+$0x2860] =	vst v1;
	s17 =	sshra.s32 s18, $0x2;
	s18 =	sadd.s32 $0x200, s18  }
0x3b: {  	[tilespmem:s17+$0x2870] =	vst v1  }
0x3c: {  	[tilespmem:s17+$0x2800] =	vst v1  }
0x3d: {  	[tilespmem:s17+$0x2810] =	vst v1  }
0x3e: {  	[tilespmem:s17+$0x2820] =	vst v1  }
0x3f: {  	[tilespmem:s17+$0x2830] =	vst v1  }
0x40: {  	[tilespmem:s17+$0x2840] =	vst v1  }
0x41: {  	[tilespmem:s17+$0x2850] =	vst v1  }
0x42: {  	[tilespmem:s17+$0x2860] =	vst v1;
	s30 =	simm.s32 $0x0  }
0x43: {  	[tilespmem:s30], [sflag:$0x1] =	stream.linear.gather [hbm4b:s9+s30], $0x2800, $0x38;
	[tilespmem:$0x1A800] =	vst v63  }
0x44: {  	_ =	swait.ge [sflag:s13], $0x2800  }
0x45: {  	[sflag:s13] =	ssyncset.done $0x0  }
0x46: {  	[sflag:s13] =	ssyncadd.s32 $0xFFFFD800  }
0x47: {  	s31 =	simm.s32 $0x0;
	[bflag:$0x0] =	sbarrier.arrive $0xFFFF  }
0x48: {  	[spmem:s2] =	stream.indirect.scatter.add.f32 [tilespmem:s12], [sflag:$0x1], $0x80, s31, s14, $0xb8;
	[tilespmem:$0x1A800] =	vst v63  }
0x49: {  	_ =	swait.ge [sflag:s13], $0x4000  }
0x4a: {  	s17 =	simm.s32 $0x200;
	[sflag:s13] =	ssyncset.done $0x0  }
.LBB2_6:
0x4b: {  	s18 =	sshra.s32 s17, $0x2;
	[sflag:s13] =	ssyncadd.s32 $0xFFFFC000;
	p0 =	sne.s32 s17, $0x9E00  }
0x4c: {  	[spmem:s2] =	stream.indirect.scatter.add.f32 [tilespmem:s12], [sflag:$0x1], $0x80, s18, s14, $0xb8;
	[tilespmem:$0x1A800] =	vst v63  }
.Ltmp2:
0x4d: {  	_ = 	snop;
	(pc) =	sbr.rel @p0 .LBB2_6-.Ltmp2, $4  }
0x4e: {  	_ = 	snop  }
0x4f: {  	s17 =	sadd.s32 $0x200, s17  }
0x50: {  	_ =	swait.ge [sflag:s13], $0x4000  }
0x51: {  	[sflag:s13] =	ssyncset.done $0x0  }
0x52: {  	s3 =	sadd.s32 $0x1, s3  }
0x53: {  	[sflag:s13] =	ssyncadd.s32 $0xFFFFC000;
	p0 =	sne.s32 s3, s11  }
.Ltmp3:
0x54: {  	[bflag:$0x0] =	sbarrier.arrive $0xFFFF;
	(pc) =	sbr.rel @p0 .LBB2_1-.Ltmp3, $4  }
0x55: {  	[hbm:s10], [sflag:s15] =	dma.local [spmem:s16], $0x2800  }
0x56: {  	_ =	swait.ge [sflag:s13], $0x2800  }
0x57: {  	[sflag:s13] =	ssyncset.done $0x0  }
0x58: {  	[sflag:s13] =	ssyncadd.s32 $0xFFFFD800  }
0x59: {  	_ =	sfence.sel $0x180000  }
0x5a: {  	[bflag:$0x0] =	sbarrier.arrive $0xFFFF  }
0x5b: {  	p0 =	sne.s32 s0, $0x0;
	_ =	strace $0x90000047  }
0x5c: {  	s0 =	sadd.s32 @!p0 $0x100000, s1;
	[bflag:$0x2] =	sbarrier.arrive $0xFFFF  }
0x5d: {  	[sflag:s0] =	ssyncadd.tile.s32 @!p0 $0x1;
	_ =	shalt  }
.Lfunc_end2:
_tile_overlayer_lowered:
.L_overlay_start_2:
0x5e: {  	(tag) =	ssettag $0x2  }
0x5f: {  	s0 =	rddreg [dreg:$0x0];
	s2 =	stileid.u32  }
0x60: {  	s1 =	rddreg [dreg:$0x1];
	p0 =	sne.s32 s2, $0x0  }
0x61: {  	s3 =	rddreg [dreg:$0x2];
	[bflag:$0x3] =	sbarrier.arrive $0xFFFF;
	s2 =	simm.s32 @!p0 $0x1C01  }
0x62: {  	[timem:s3], [sflag:s2] =	dma.local @!p0 [hbm:s0], s1  }
0x63: {  	s0 =	simm.s32 @!p0 $0x1  }
0x64: {  	_ =	swait.ge @!p0 [sflag:s0], s1  }
0x65: {  	s1 =	ssub.s32 @!p0 $0x0, s1;
	[sflag:s0] =	ssyncset.done @!p0 $0x0  }
0x66: {  	[sflag:s0] =	ssyncadd.s32 @!p0 s1  }
0x67: {  	[bflag:$0x3] =	sbarrier.arrive $0xFFFF  }
0x68: {  	_ =	shalt  }

</sc_bundles>
